<compile_context>
chip_gen: v7x
topology: tpu7x:2x2x1
jax: 0.10.2.dev20260603
libtpu: 0.0.44.dev20260713+nightly
codegen_flags: <defaults>
</compile_context>

<pallas_src>
import functools

import jax
import jax.numpy as jnp
from jax import lax
from jax.experimental import pallas as pl
from jax.experimental.pallas import tpu as pltpu
from jax.experimental.pallas import tpu_sc as plsc

N_NODES = 10000
N_EDGES = 320000
D_IN = 128
D_HID = 256
D_OUT = 128

NC, NS = 2, 16
NW = NC * NS
CHUNK = 80
EPW = N_EDGES // NW
NCHUNK = EPW // CHUNK

ROWS_BIG = 640
ROWS_LAST = N_NODES - 15 * ROWS_BIG
WB_CHUNK = 80

_sc_mesh = plsc.VectorSubcoreMesh(
    core_axis_name="c", subcore_axis_name="s", num_cores=NC, num_subcores=NS)


@functools.partial(
    pl.kernel,
    out_type=jax.ShapeDtypeStruct((NC * N_NODES,), jnp.float32),
    mesh=_sc_mesh,
    scratch_types=[
        pltpu.VMEM((NCHUNK, CHUNK), jnp.int32),
        pltpu.VMEM((CHUNK,), jnp.float32),
        pltpu.VMEM((ROWS_BIG,), jnp.float32),
        pltpu.VMEM_SHARED((N_NODES,), jnp.float32),
    ],
)
def _deg_kernel(dst3_hbm, out_hbm, dst_v, ones_v, stage_v, deg_sh):
    c = lax.axis_index("c")
    s = lax.axis_index("s")
    wid = s * NC + c

    def fill_body(i, _):
        ones_v[pl.ds(i * 16, 16)] = jnp.ones((16,), jnp.float32)
        return 0
    lax.fori_loop(0, CHUNK // 16, fill_body, 0)

    def zero_body(i, _):
        stage_v[pl.ds(i * 16, 16)] = jnp.zeros((16,), jnp.float32)
        return 0
    lax.fori_loop(0, ROWS_BIG // 16, zero_body, 0)

    @pl.when(s < 15)
    def _():
        pltpu.sync_copy(stage_v, deg_sh.at[pl.ds(s * ROWS_BIG, ROWS_BIG)])

    @pl.when(s == 15)
    def _():
        pltpu.sync_copy(stage_v.at[pl.ds(0, ROWS_LAST)],
                        deg_sh.at[pl.ds(s * ROWS_BIG, ROWS_LAST)])

    plsc.subcore_barrier()

    pltpu.sync_copy(dst3_hbm.at[wid], dst_v)

    def chunk_body(k, _):
        pltpu.sync_copy(ones_v, deg_sh.at[dst_v.at[k]], add=True)
        return 0
    lax.fori_loop(0, NCHUNK, chunk_body, 0)

    plsc.subcore_barrier()

    row0 = s * ROWS_BIG

    @pl.when(s < 15)
    def _():
        pltpu.sync_copy(deg_sh.at[pl.ds(row0, ROWS_BIG)], stage_v)
        pltpu.sync_copy(stage_v,
                        out_hbm.at[pl.ds(c * N_NODES + row0, ROWS_BIG)])

    @pl.when(s == 15)
    def _():
        pltpu.sync_copy(deg_sh.at[pl.ds(row0, ROWS_LAST)],
                        stage_v.at[pl.ds(0, ROWS_LAST)])
        pltpu.sync_copy(stage_v.at[pl.ds(0, ROWS_LAST)],
                        out_hbm.at[pl.ds(c * N_NODES + row0, ROWS_LAST)])


_AGG_SCRATCH = [
    pltpu.VMEM((EPW,), jnp.int32),
    pltpu.VMEM((CHUNK, D_OUT), jnp.float32),
    pltpu.VMEM((CHUNK, D_OUT), jnp.float32),
    pltpu.VMEM((CHUNK, D_OUT), jnp.float32),
    pltpu.VMEM((CHUNK,), jnp.int32),
    pltpu.VMEM((CHUNK,), jnp.int32),
    pltpu.VMEM((CHUNK,), jnp.int32),
    pltpu.VMEM_SHARED((N_NODES, D_OUT), jnp.float32),
    pltpu.SemaphoreType.DMA,
    pltpu.SemaphoreType.DMA,
    pltpu.SemaphoreType.DMA,
    pltpu.SemaphoreType.DMA,
    pltpu.SemaphoreType.DMA,
    pltpu.SemaphoreType.DMA,
    pltpu.SemaphoreType.DMA,
    pltpu.SemaphoreType.DMA,
    pltpu.SemaphoreType.DMA,
]


def _agg_pass(y_hbm, dst_hbm, out_ref_fn, src_v, rows, db, acc_sh,
              sg, ss, sd, s, wid):
    rows0 = rows[0]
    row0 = s * ROWS_BIG
    nwb = jnp.where(s < 15, ROWS_BIG // WB_CHUNK, ROWS_LAST // WB_CHUNK)

    def zrow(i, _):
        def zlane(j, _):
            rows0[i, pl.ds(j * 16, 16)] = jnp.zeros((16,), jnp.float32)
            return 0
        lax.fori_loop(0, D_OUT // 16, zlane, 0)
        return 0
    lax.fori_loop(0, WB_CHUNK, zrow, 0)

    def zb(k, _):
        pltpu.sync_copy(rows0,
                        acc_sh.at[pl.ds(row0 + k * WB_CHUNK, WB_CHUNK)])
        return 0
    lax.fori_loop(0, nwb, zb, 0)

    plsc.subcore_barrier()

    base = wid * EPW

    def sidx(k):
        return src_v.at[pl.ds(k * CHUNK, CHUNK)]

    def didx(k):
        return dst_hbm.at[pl.ds(base + k * CHUNK, CHUNK)]

    def fire(k, j):
        pltpu.async_copy(y_hbm.at[sidx(k)], rows[j], sg[j])
        pltpu.async_copy(didx(k), db[j], sd[j])

    def consume(k, j):
        pltpu.make_async_copy(y_hbm.at[sidx(k)], rows[j], sg[j]).wait()
        pltpu.make_async_copy(didx(k), db[j], sd[j]).wait()
        pltpu.async_copy(rows[j], acc_sh.at[db[j]], ss[j], add=True)

    def drain(j):
        pltpu.make_async_copy(rows[j], acc_sh.at[db[j]], ss[j]).wait()

    fire(0, 0)
    fire(1, 1)
    fire(2, 2)

    def group(i, _):
        k0 = 3 * i
        consume(k0, 0)
        consume(k0 + 1, 1)
        consume(k0 + 2, 2)
        drain(0)
        fire(k0 + 3, 0)
        drain(1)
        fire(k0 + 4, 1)
        drain(2)

        @pl.when(k0 + 5 < NCHUNK)
        def _():
            fire(k0 + 5, 2)
        return 0
    lax.fori_loop(0, NCHUNK // 3, group, 0)

    consume(NCHUNK - 2, 0)
    consume(NCHUNK - 1, 1)
    drain(0)
    drain(1)

    plsc.subcore_barrier()

    def wb(k, _):
        r = row0 + k * WB_CHUNK
        pltpu.sync_copy(acc_sh.at[pl.ds(r, WB_CHUNK)], out_ref_fn(r))
        return 0
    lax.fori_loop(0, nwb, wb, 0)


@functools.partial(
    pl.kernel,
    out_type=jax.ShapeDtypeStruct((NC, N_NODES, D_OUT), jnp.float32),
    mesh=_sc_mesh,
    scratch_types=_AGG_SCRATCH,
)
def _agg_kernel(y_hbm, src_hbm, dst_hbm, out_hbm,
                src_v, rows0, rows1, rows2, db0, db1, db2, acc_sh,
                sg0, sg1, sg2, ss0, ss1, ss2, sd0, sd1, sd2):
    c = lax.axis_index("c")
    s = lax.axis_index("s")
    wid = s * NC + c
    pltpu.sync_copy(src_hbm.at[pl.ds(wid * EPW, EPW)], src_v)
    _agg_pass(y_hbm, dst_hbm,
              lambda r: out_hbm.at[c, pl.ds(r, WB_CHUNK)],
              src_v, [rows0, rows1, rows2], [db0, db1, db2], acc_sh,
              [sg0, sg1, sg2], [ss0, ss1, ss2], [sd0, sd1, sd2], s, wid)


@functools.partial(
    pl.kernel,
    out_type=jax.ShapeDtypeStruct((2, NC, N_NODES, D_OUT), jnp.float32),
    mesh=_sc_mesh,
    scratch_types=_AGG_SCRATCH,
)
def _agg2_kernel(ylo_hbm, yhi_hbm, src_hbm, dst_hbm, out_hbm,
                 src_v, rows0, rows1, rows2, db0, db1, db2, acc_sh,
                 sg0, sg1, sg2, ss0, ss1, ss2, sd0, sd1, sd2):
    c = lax.axis_index("c")
    s = lax.axis_index("s")
    wid = s * NC + c
    pltpu.sync_copy(src_hbm.at[pl.ds(wid * EPW, EPW)], src_v)
    for h, y_hbm in enumerate((ylo_hbm, yhi_hbm)):
        _agg_pass(y_hbm, dst_hbm,
                  lambda r, h=h: out_hbm.at[h, c, pl.ds(r, WB_CHUNK)],
                  src_v, [rows0, rows1, rows2], [db0, db1, db2], acc_sh,
                  [sg0, sg1, sg2], [ss0, ss1, ss2], [sd0, sd1, sd2], s, wid)


_R = 2000


def _dis(degT_ref):
    deg = jnp.sum(degT_ref[...], axis=1) + 1.0
    return lax.rsqrt(deg)[:, None]


def _tc_a_body(x_ref, w1_ref, degT_ref, ylo_ref, yhi_ref):
    dis = _dis(degT_ref)
    xw = jnp.dot(x_ref[...], w1_ref[...], preferred_element_type=jnp.float32)
    y = xw * dis
    ylo_ref[...] = y[:, :D_OUT]
    yhi_ref[...] = y[:, D_OUT:]


def _tc_b_body(p4_ref, ylo_ref, yhi_ref, degT_ref, b1_ref, a_ref,
               w2_ref, y2_ref):
    dis = _dis(degT_ref)
    hlo = dis * (p4_ref[0, 0] + p4_ref[0, 1] + ylo_ref[...]) + b1_ref[:, :D_OUT]
    hhi = dis * (p4_ref[1, 0] + p4_ref[1, 1] + yhi_ref[...]) + b1_ref[:, D_OUT:]
    h = jnp.concatenate([hlo, hhi], axis=1)
    a = a_ref[0, 0]
    h = jnp.where(h >= 0, h, a * h)
    y2 = jnp.dot(h, w2_ref[...], preferred_element_type=jnp.float32)
    y2_ref[...] = y2 * dis


def _tc_c_body(p2_ref, y2_ref, degT_ref, b2_ref, a_ref, wp1_ref, bp1_ref,
               wp2_ref, bp2_ref, out_ref):
    dis = _dis(degT_ref)
    a = a_ref[0, 0]
    h = dis * (p2_ref[0] + p2_ref[1] + y2_ref[...]) + b2_ref[...]
    h = jnp.where(h >= 0, h, a * h)
    hid = jnp.dot(h, wp1_ref[...], preferred_element_type=jnp.float32)
    hid = hid + bp1_ref[...]
    hid = jnp.where(hid > 0, hid, jnp.exp(hid) - 1.0)
    out = jnp.dot(hid, wp2_ref[...], preferred_element_type=jnp.float32)
    out_ref[...] = out + bp2_ref[...]


def _row_spec(d):
    return pl.BlockSpec((_R, d), lambda i: (i, 0))


def _full_spec(shape):
    nd = len(shape)
    return pl.BlockSpec(shape, lambda i: (0,) * nd)


def _part_spec(d):
    return pl.BlockSpec((NC, _R, d), lambda i: (0, i, 0))


def kernel(node_features, edge_index, W1, b1, W2, b2, prelu_a, Wp1, bp1,
           Wp2, bp2):
    src = edge_index[0]
    dst = edge_index[1]
    dst3 = dst.reshape(NW, NCHUNK, CHUNK)

    deg_parts = _deg_kernel(dst3).reshape(NC, N_NODES)
    degT = deg_parts.T

    b1r = b1.reshape(1, D_HID)
    b2r = b2.reshape(1, D_OUT)
    bp1r = bp1.reshape(1, D_OUT)
    bp2r = bp2.reshape(1, D_OUT)
    ar = prelu_a.reshape(1, 1)

    grid = (N_NODES // _R,)

    y1_lo, y1_hi = pl.pallas_call(
        _tc_a_body,
        grid=grid,
        in_specs=[_row_spec(D_IN), _full_spec((D_IN, D_HID)), _row_spec(NC)],
        out_specs=[_row_spec(D_OUT), _row_spec(D_OUT)],
        out_shape=[jax.ShapeDtypeStruct((N_NODES, D_OUT), jnp.float32),
                   jax.ShapeDtypeStruct((N_NODES, D_OUT), jnp.float32)],
    )(node_features, W1, degT)

    p4 = _agg2_kernel(y1_lo, y1_hi, src, dst)

    y2 = pl.pallas_call(
        _tc_b_body,
        grid=grid,
        in_specs=[pl.BlockSpec((2, NC, _R, D_OUT), lambda i: (0, 0, i, 0)),
                  _row_spec(D_OUT), _row_spec(D_OUT), _row_spec(NC),
                  _full_spec((1, D_HID)), _full_spec((1, 1)),
                  _full_spec((D_HID, D_OUT))],
        out_specs=_row_spec(D_OUT),
        out_shape=jax.ShapeDtypeStruct((N_NODES, D_OUT), jnp.float32),
    )(p4, y1_lo, y1_hi, degT, b1r, ar, W2)

    p2 = _agg_kernel(y2, src, dst)

    out = pl.pallas_call(
        _tc_c_body,
        grid=grid,
        in_specs=[_part_spec(D_OUT), _row_spec(D_OUT), _row_spec(NC),
                  _full_spec((1, D_OUT)), _full_spec((1, 1)),
                  _full_spec((D_OUT, D_OUT)), _full_spec((1, D_OUT)),
                  _full_spec((D_OUT, D_OUT)), _full_spec((1, D_OUT))],
        out_specs=_row_spec(D_OUT),
        out_shape=jax.ShapeDtypeStruct((N_NODES, D_OUT), jnp.float32),
    )(p2, y2, degT, b2r, ar, Wp1, bp1r, Wp2, bp2r)

    return out

# --- scband reference (transcript-rebuilt; emitter-appended) ---
"""Pipeline reference for scband-mvmodel-69879117906023 (READ-ONLY COPY).

The authoritative reference and input builder live on the scoring server;
editing this copy changes nothing except your own understanding.
"""

import jax, jax.numpy as jnp
import numpy as np

N = 10000
E = 320000
D_IN = 128
D_OUT = 128      # encoder out_channels == num_hidden
D_HID = 2 * D_OUT  # first GCN layer outputs 2*out_channels
D_PROJ = 128     # num_proj_hidden


def setup_inputs(seed: int = 0) -> dict:
    key = jax.random.key(seed)
    ks = jax.random.split(key, 12)
    inp = {}
    inp["node_features"] = jax.random.normal(ks[0], (N, D_IN), dtype=jnp.float32)
    inp["edge_index"] = jax.random.randint(ks[1], (2, E), 0, N, dtype=jnp.int32)
    # GCNConv layer 1: in_channels -> 2*out_channels
    inp["W1"] = jax.random.normal(ks[2], (D_IN, D_HID), dtype=jnp.float32) / np.sqrt(D_IN)
    inp["b1"] = jnp.zeros((D_HID,), dtype=jnp.float32)
    # GCNConv layer 2: 2*out_channels -> out_channels
    inp["W2"] = jax.random.normal(ks[3], (D_HID, D_OUT), dtype=jnp.float32) / np.sqrt(D_HID)
    inp["b2"] = jnp.zeros((D_OUT,), dtype=jnp.float32)
    # shared PReLU parameter (nn.PReLU default single param init 0.25)
    inp["prelu_a"] = jnp.full((1,), 0.25, dtype=jnp.float32)
    # projection head
    inp["Wp1"] = jax.random.normal(ks[4], (D_OUT, D_PROJ), dtype=jnp.float32) / np.sqrt(D_OUT)
    inp["bp1"] = jnp.zeros((D_PROJ,), dtype=jnp.float32)
    inp["Wp2"] = jax.random.normal(ks[5], (D_PROJ, D_OUT), dtype=jnp.float32) / np.sqrt(D_PROJ)
    inp["bp2"] = jnp.zeros((D_OUT,), dtype=jnp.float32)
    return inp


def _gcn_conv(x, edge_index, W, b, n_nodes):
    # x' = x @ W; add self-loops; symmetric degree normalization; scatter-add
    xw = x @ W
    loop = jnp.arange(n_nodes, dtype=edge_index.dtype)
    src = jnp.concatenate([edge_index[0], loop])
    dst = jnp.concatenate([edge_index[1], loop])
    deg = jnp.zeros((n_nodes,), dtype=xw.dtype).at[dst].add(1.0)
    dis = jnp.where(deg > 0, deg ** -0.5, 0.0)
    norm = dis[src] * dis[dst]
    msgs = xw[src] * norm[:, None]
    out = jnp.zeros((n_nodes, xw.shape[1]), dtype=xw.dtype).at[dst].add(msgs)
    return out + b


def _prelu(x, a):
    return jnp.where(x >= 0, x, a[0] * x)


def reference(node_features, edge_index, W1, b1, W2, b2, prelu_a, Wp1, bp1, Wp2, bp2):
    n = node_features.shape[0]
    h = _prelu(_gcn_conv(node_features, edge_index, W1, b1, n), prelu_a)
    h = _prelu(_gcn_conv(h, edge_index, W2, b2, n), prelu_a)
    hidden = jax.nn.elu(h @ Wp1 + bp1)
    projected = hidden @ Wp2 + bp2
    return projected

if __name__ == "__main__":
    import jax
    _d = setup_inputs()
    print(jax.jit(kernel)(*tuple(_d.values())))

</pallas_src>

<mosaic_0001>
#map = affine_map<(d0, d1) -> (0, 0)>
#map1 = affine_map<(d0, d1) -> (0)>
#map2 = affine_map<(d0, d1) -> (0, 0, 0)>
module attributes {stable_mosaic.version = 14 : i64} {
  func.func @_agg_kernel(%arg0: i32, %arg1: i32, %arg2: memref<10000x128xf32, #tpu.memory_space<hbm>>, %arg3: memref<320000xi32, #tpu.memory_space<hbm>>, %arg4: memref<320000xi32, #tpu.memory_space<hbm>>, %arg5: memref<2x10000x128xf32, #tpu.memory_space<hbm>>, %arg6: memref<10000xi32, #tpu.memory_space<vmem>>, %arg7: memref<80x128xf32, #tpu.memory_space<vmem>>, %arg8: memref<80x128xf32, #tpu.memory_space<vmem>>, %arg9: memref<80x128xf32, #tpu.memory_space<vmem>>, %arg10: memref<80xi32, #tpu.memory_space<vmem>>, %arg11: memref<80xi32, #tpu.memory_space<vmem>>, %arg12: memref<80xi32, #tpu.memory_space<vmem>>, %arg13: memref<10000x128xf32, #tpu.memory_space<vmem_shared>>, %arg14: memref<!tpu.dma_semaphore, #tpu.memory_space<semaphore_mem>>, %arg15: memref<!tpu.dma_semaphore, #tpu.memory_space<semaphore_mem>>, %arg16: memref<!tpu.dma_semaphore, #tpu.memory_space<semaphore_mem>>, %arg17: memref<!tpu.dma_semaphore, #tpu.memory_space<semaphore_mem>>, %arg18: memref<!tpu.dma_semaphore, #tpu.memory_space<semaphore_mem>>, %arg19: memref<!tpu.dma_semaphore, #tpu.memory_space<semaphore_mem>>, %arg20: memref<!tpu.dma_semaphore, #tpu.memory_space<semaphore_mem>>, %arg21: memref<!tpu.dma_semaphore, #tpu.memory_space<semaphore_mem>>, %arg22: memref<!tpu.dma_semaphore, #tpu.memory_space<semaphore_mem>>) attributes {dimension_semantics = [#tpu.dimension_semantics<core_parallel>, #tpu.dimension_semantics<subcore_parallel>], iteration_bounds = array<i64: 2, 16>, scalar_prefetch = 0 : i64, scratch_operands = 17 : i64, tpu.core_type = #tpu.core_type<sc_vector_subcore>, window_params = [{transform_indices = #map}, {transform_indices = #map1}, {transform_indices = #map1}, {transform_indices = #map2}]} {
    %mul3A = arith.constant 2 : i32
    %mul3A_0 = arith.muli %arg1, %mul3A : i32
    %add3A = arith.addi %mul3A_0, %arg0 : i32
    %mul3A_1 = arith.constant 10000 : i32
    %mul3A_2 = arith.muli %add3A, %mul3A_1 : i32
    "tpu.region"() ({
      %run_scoped3A = tpu.sem_alloc : memref<!tpu.dma_semaphore, #tpu.memory_space<semaphore_mem>>
      %dma_start3A_101 = tpu.memref_slice %arg3[%mul3A_2] : memref<320000xi32, #tpu.memory_space<hbm>> -> memref<10000xi32, #tpu.memory_space<hbm>>
      %dma_start3A_102 = tpu.memref_slice %arg3[%mul3A_2] : memref<320000xi32, #tpu.memory_space<hbm>> -> memref<10000xi32, #tpu.memory_space<hbm>>
      tpu.enqueue_dma source(%dma_start3A_102 : memref<10000xi32, #tpu.memory_space<hbm>>) target(%arg6 : memref<10000xi32, #tpu.memory_space<vmem>>) target_semaphore(%run_scoped3A : memref<!tpu.dma_semaphore, #tpu.memory_space<semaphore_mem>>)
      %dma_wait3A_103 = tpu.memref_slice %arg3[%mul3A_2] : memref<320000xi32, #tpu.memory_space<hbm>> -> memref<10000xi32, #tpu.memory_space<hbm>>
      %dma_wait3A_104 = tpu.memref_slice %arg3[%mul3A_2] : memref<320000xi32, #tpu.memory_space<hbm>> -> memref<10000xi32, #tpu.memory_space<hbm>>
      tpu.wait_dma2 semaphore(%run_scoped3A : memref<!tpu.dma_semaphore, #tpu.memory_space<semaphore_mem>>) src(%dma_wait3A_104 : memref<10000xi32, #tpu.memory_space<hbm>>) dst(%arg6 : memref<10000xi32, #tpu.memory_space<vmem>>)
      tpu.yield
    }) : () -> ()
    %mul3A_3 = arith.constant 640 : i32
    %mul3A_4 = arith.muli %arg1, %mul3A_3 : i32
    %lt3A = arith.constant 15 : i32
    %lt3A_5 = arith.cmpi slt, %arg1, %lt3A : i32
    %jit3A = arith.constant 8 : i32
    %jit3A_6 = arith.constant 5 : i32
    %select_n3A = arith.select %lt3A_5, %jit3A, %jit3A_6 : i32
    %scan3A = arith.constant 0 : i32
    %scan3A_7 = arith.constant 0 : i32
    %scan3A_8 = arith.constant 80 : i32
    %scan3A_9 = arith.addi %scan3A_7, %scan3A_8 : i32
    %scan3A_10 = arith.constant 1 : i32
    %scan3A_11 = scf.for %scan3A_101 = %scan3A_7 to %scan3A_9 step %scan3A_10 iter_args(%scan3A_102 = %scan3A) -> (i32)  : i32 {
      %scan3A_103 = arith.constant 0 : i32
      %scan3A_104 = arith.constant 0 : i32
      %scan3A_105 = arith.constant 8 : i32
      %scan3A_106 = arith.addi %scan3A_104, %scan3A_105 : i32
      %scan3A_107 = arith.constant 1 : i32
      %scan3A_108 = scf.for %scan3A_111 = %scan3A_104 to %scan3A_106 step %scan3A_107 iter_args(%scan3A_112 = %scan3A_103) -> (i32)  : i32 {
        %broadcast_in_dim3A = arith.constant 0.000000e+00 : f32
        %broadcast_in_dim3A_113 = vector.broadcast %broadcast_in_dim3A : f32 to vector<16xf32>
        %mul3A_114 = arith.constant 16 : i32
        %mul3A_115 = arith.muli %scan3A_111, %mul3A_114 : i32
        %swap3A = arith.index_cast %scan3A_101 : i32 to index
        %swap3A_116 = arith.index_cast %mul3A_115 : i32 to index
        %swap3A_117 = tpu.vector_load %arg7[%swap3A, %swap3A_116] {strides = array<i32>} : memref<80x128xf32, #tpu.memory_space<vmem>>, vector<1x16xf32>,
        %swap3A_118 = vector.shape_cast %swap3A_117 : vector<1x16xf32> to vector<16xf32>
        %swap3A_119 = vector.shape_cast %broadcast_in_dim3A_113 : vector<16xf32> to vector<1x16xf32>
        tpu.vector_store %arg7[%swap3A, %swap3A_116], %swap3A_119 {strides = array<i32>} : memref<80x128xf32, #tpu.memory_space<vmem>>, vector<1x16xf32>,
        %scan3A_120 = arith.constant 0 : i32
        scf.yield %scan3A_120 : i32
      }
      %scan3A_109 = arith.constant 8 : i32
      %scan3A_110 = arith.constant 0 : i32
      scf.yield %scan3A_110 : i32
    }
    %scan3A_12 = arith.constant 80 : i32
    %while3A = arith.constant 0 : i32
    %while3A_13 = arith.constant 0 : i32
    %while3A_14 = arith.subi %select_n3A, %while3A : i32
    %while3A_15 = arith.addi %while3A, %while3A_14 : i32
    %while3A_16 = arith.constant 1 : i32
    %while3A_17 = arith.divsi %while3A_14, %while3A_16 : i32
    %while3A_18 = arith.muli %while3A_17, %while3A_16 : i32
    %while3A_19 = arith.addi %while3A, %while3A_18 : i32
    %while3A_20 = arith.constant 1 : i32
    %while3A_21 = scf.for %while3A_101 = %while3A to %while3A_19 step %while3A_20 iter_args(%while3A_102 = %while3A_13) -> (i32)  : i32 {
      %mul3A_103 = arith.constant 80 : i32
      %mul3A_104 = arith.muli %while3A_101, %mul3A_103 : i32
      %add3A_105 = arith.addi %mul3A_4, %mul3A_104 : i32
      "tpu.region"() ({
        %run_scoped3A = tpu.sem_alloc : memref<!tpu.dma_semaphore, #tpu.memory_space<semaphore_mem>>
        %dma_start3A_107 = arith.constant 0 : i32
        %dma_start3A_108 = tpu.memref_slice %arg13[%add3A_105, %dma_start3A_107] : memref<10000x128xf32, #tpu.memory_space<vmem_shared>> -> memref<80x128xf32, #tpu.memory_space<vmem_shared>>
        %dma_start3A_109 = arith.constant 0 : i32
        %dma_start3A_110 = tpu.memref_slice %arg13[%add3A_105, %dma_start3A_109] : memref<10000x128xf32, #tpu.memory_space<vmem_shared>> -> memref<80x128xf32, #tpu.memory_space<vmem_shared>>
        tpu.enqueue_dma source(%arg7 : memref<80x128xf32, #tpu.memory_space<vmem>>) target(%dma_start3A_110 : memref<80x128xf32, #tpu.memory_space<vmem_shared>>) target_semaphore(%run_scoped3A : memref<!tpu.dma_semaphore, #tpu.memory_space<semaphore_mem>>)
        %dma_wait3A_111 = arith.constant 0 : i32
        %dma_wait3A_112 = tpu.memref_slice %arg13[%add3A_105, %dma_wait3A_111] : memref<10000x128xf32, #tpu.memory_space<vmem_shared>> -> memref<80x128xf32, #tpu.memory_space<vmem_shared>>
        %dma_wait3A_113 = arith.constant 0 : i32
        %dma_wait3A_114 = tpu.memref_slice %arg13[%add3A_105, %dma_wait3A_113] : memref<10000x128xf32, #tpu.memory_space<vmem_shared>> -> memref<80x128xf32, #tpu.memory_space<vmem_shared>>
        tpu.wait_dma2 semaphore(%run_scoped3A : memref<!tpu.dma_semaphore, #tpu.memory_space<semaphore_mem>>) src(%arg7 : memref<80x128xf32, #tpu.memory_space<vmem>>) dst(%dma_wait3A_114 : memref<80x128xf32, #tpu.memory_space<vmem_shared>>)
        tpu.yield
      }) : () -> ()
      %while3A_106 = arith.constant 0 : i32
      scf.yield %while3A_106 : i32
    }
    %while3A_22 = arith.constant 1 : i32
    %while3A_23 = scf.for %while3A_101 = %while3A_19 to %while3A_15 step %while3A_22 iter_args(%while3A_102 = %while3A_21) -> (i32)  : i32 {
      %mul3A_103 = arith.constant 80 : i32
      %mul3A_104 = arith.muli %while3A_101, %mul3A_103 : i32
      %add3A_105 = arith.addi %mul3A_4, %mul3A_104 : i32
      "tpu.region"() ({
        %run_scoped3A = tpu.sem_alloc : memref<!tpu.dma_semaphore, #tpu.memory_space<semaphore_mem>>
        %dma_start3A_107 = arith.constant 0 : i32
        %dma_start3A_108 = tpu.memref_slice %arg13[%add3A_105, %dma_start3A_107] : memref<10000x128xf32, #tpu.memory_space<vmem_shared>> -> memref<80x128xf32, #tpu.memory_space<vmem_shared>>
        %dma_start3A_109 = arith.constant 0 : i32
        %dma_start3A_110 = tpu.memref_slice %arg13[%add3A_105, %dma_start3A_109] : memref<10000x128xf32, #tpu.memory_space<vmem_shared>> -> memref<80x128xf32, #tpu.memory_space<vmem_shared>>
        tpu.enqueue_dma source(%arg7 : memref<80x128xf32, #tpu.memory_space<vmem>>) target(%dma_start3A_110 : memref<80x128xf32, #tpu.memory_space<vmem_shared>>) target_semaphore(%run_scoped3A : memref<!tpu.dma_semaphore, #tpu.memory_space<semaphore_mem>>)
        %dma_wait3A_111 = arith.constant 0 : i32
        %dma_wait3A_112 = tpu.memref_slice %arg13[%add3A_105, %dma_wait3A_111] : memref<10000x128xf32, #tpu.memory_space<vmem_shared>> -> memref<80x128xf32, #tpu.memory_space<vmem_shared>>
        %dma_wait3A_113 = arith.constant 0 : i32
        %dma_wait3A_114 = tpu.memref_slice %arg13[%add3A_105, %dma_wait3A_113] : memref<10000x128xf32, #tpu.memory_space<vmem_shared>> -> memref<80x128xf32, #tpu.memory_space<vmem_shared>>
        tpu.wait_dma2 semaphore(%run_scoped3A : memref<!tpu.dma_semaphore, #tpu.memory_space<semaphore_mem>>) src(%arg7 : memref<80x128xf32, #tpu.memory_space<vmem>>) dst(%dma_wait3A_114 : memref<80x128xf32, #tpu.memory_space<vmem_shared>>)
        tpu.yield
      }) : () -> ()
      %while3A_106 = arith.constant 0 : i32
      scf.yield %while3A_106 : i32
    }
    %barrier3A = arith.constant 0 : index
    tpu.barrier barrier_id(%barrier3A)
    %mul3A_24 = arith.constant 10000 : i32
    %mul3A_25 = arith.muli %add3A, %mul3A_24 : i32
    %dma_start3A = arith.constant 0 : i32
    %dma_start3A_26 = tpu.memref_slice %arg6[%dma_start3A] : memref<10000xi32, #tpu.memory_space<vmem>> -> memref<80xi32, #tpu.memory_space<vmem>>
    %dma_start3A_27 = arith.constant 0 : i32
    %dma_start3A_28 = arith.constant 0 : i32
    %dma_start3A_29 = tpu.memref_slice %arg2[%dma_start3A_27, %dma_start3A_28] : memref<10000x128xf32, #tpu.memory_space<hbm>> -> memref<10000x128xf32, #tpu.memory_space<hbm>>
    tpu.enqueue_indirect_dma source(%dma_start3A_29 : memref<10000x128xf32, #tpu.memory_space<hbm>>) target(%arg7 : memref<80x128xf32, #tpu.memory_space<vmem>>) offsets(%dma_start3A_26 : memref<80xi32, #tpu.memory_space<vmem>>) semaphore(%arg14 : memref<!tpu.dma_semaphore, #tpu.memory_space<semaphore_mem>>)
    %add3A_30 = arith.constant 0 : i32
    %add3A_31 = arith.addi %mul3A_25, %add3A_30 : i32
    %dma_start3A_32 = tpu.memref_slice %arg4[%add3A_31] : memref<320000xi32, #tpu.memory_space<hbm>> -> memref<80xi32, #tpu.memory_space<hbm>>
    %dma_start3A_33 = tpu.memref_slice %arg4[%add3A_31] : memref<320000xi32, #tpu.memory_space<hbm>> -> memref<80xi32, #tpu.memory_space<hbm>>
    tpu.enqueue_dma source(%dma_start3A_33 : memref<80xi32, #tpu.memory_space<hbm>>) target(%arg10 : memref<80xi32, #tpu.memory_space<vmem>>) target_semaphore(%arg20 : memref<!tpu.dma_semaphore, #tpu.memory_space<semaphore_mem>>)
    %dma_start3A_34 = arith.constant 80 : i32
    %dma_start3A_35 = tpu.memref_slice %arg6[%dma_start3A_34] : memref<10000xi32, #tpu.memory_space<vmem>> -> memref<80xi32, #tpu.memory_space<vmem>>
    %dma_start3A_36 = arith.constant 0 : i32
    %dma_start3A_37 = arith.constant 0 : i32
    %dma_start3A_38 = tpu.memref_slice %arg2[%dma_start3A_36, %dma_start3A_37] : memref<10000x128xf32, #tpu.memory_space<hbm>> -> memref<10000x128xf32, #tpu.memory_space<hbm>>
    tpu.enqueue_indirect_dma source(%dma_start3A_38 : memref<10000x128xf32, #tpu.memory_space<hbm>>) target(%arg8 : memref<80x128xf32, #tpu.memory_space<vmem>>) offsets(%dma_start3A_35 : memref<80xi32, #tpu.memory_space<vmem>>) semaphore(%arg15 : memref<!tpu.dma_semaphore, #tpu.memory_space<semaphore_mem>>)
    %add3A_39 = arith.constant 80 : i32
    %add3A_40 = arith.addi %mul3A_25, %add3A_39 : i32
    %dma_start3A_41 = tpu.memref_slice %arg4[%add3A_40] : memref<320000xi32, #tpu.memory_space<hbm>> -> memref<80xi32, #tpu.memory_space<hbm>>
    %dma_start3A_42 = tpu.memref_slice %arg4[%add3A_40] : memref<320000xi32, #tpu.memory_space<hbm>> -> memref<80xi32, #tpu.memory_space<hbm>>
    tpu.enqueue_dma source(%dma_start3A_42 : memref<80xi32, #tpu.memory_space<hbm>>) target(%arg11 : memref<80xi32, #tpu.memory_space<vmem>>) target_semaphore(%arg21 : memref<!tpu.dma_semaphore, #tpu.memory_space<semaphore_mem>>)
    %dma_start3A_43 = arith.constant 160 : i32
    %dma_start3A_44 = tpu.memref_slice %arg6[%dma_start3A_43] : memref<10000xi32, #tpu.memory_space<vmem>> -> memref<80xi32, #tpu.memory_space<vmem>>
    %dma_start3A_45 = arith.constant 0 : i32
    %dma_start3A_46 = arith.constant 0 : i32
    %dma_start3A_47 = tpu.memref_slice %arg2[%dma_start3A_45, %dma_start3A_46] : memref<10000x128xf32, #tpu.memory_space<hbm>> -> memref<10000x128xf32, #tpu.memory_space<hbm>>
    tpu.enqueue_indirect_dma source(%dma_start3A_47 : memref<10000x128xf32, #tpu.memory_space<hbm>>) target(%arg9 : memref<80x128xf32, #tpu.memory_space<vmem>>) offsets(%dma_start3A_44 : memref<80xi32, #tpu.memory_space<vmem>>) semaphore(%arg16 : memref<!tpu.dma_semaphore, #tpu.memory_space<semaphore_mem>>)
    %add3A_48 = arith.constant 160 : i32
    %add3A_49 = arith.addi %mul3A_25, %add3A_48 : i32
    %dma_start3A_50 = tpu.memref_slice %arg4[%add3A_49] : memref<320000xi32, #tpu.memory_space<hbm>> -> memref<80xi32, #tpu.memory_space<hbm>>
    %dma_start3A_51 = tpu.memref_slice %arg4[%add3A_49] : memref<320000xi32, #tpu.memory_space<hbm>> -> memref<80xi32, #tpu.memory_space<hbm>>
    tpu.enqueue_dma source(%dma_start3A_51 : memref<80xi32, #tpu.memory_space<hbm>>) target(%arg12 : memref<80xi32, #tpu.memory_space<vmem>>) target_semaphore(%arg22 : memref<!tpu.dma_semaphore, #tpu.memory_space<semaphore_mem>>)
    %scan3A_52 = arith.constant 0 : i32
    %scan3A_53 = arith.constant 0 : i32
    %scan3A_54 = arith.constant 41 : i32
    %scan3A_55 = arith.addi %scan3A_53, %scan3A_54 : i32
    %scan3A_56 = arith.constant 1 : i32
    %scan3A_57 = scf.for %scan3A_101 = %scan3A_53 to %scan3A_55 step %scan3A_56 iter_args(%scan3A_102 = %scan3A_52) -> (i32)  : i32 {
      %mul3A_103 = arith.constant 3 : i32
      %mul3A_104 = arith.muli %mul3A_103, %scan3A_101 : i32
      %mul3A_105 = arith.constant 80 : i32
      %mul3A_106 = arith.muli %mul3A_104, %mul3A_105 : i32
      %dma_wait3A_107 = tpu.memref_slice %arg6[%mul3A_106] : memref<10000xi32, #tpu.memory_space<vmem>> -> memref<80xi32, #tpu.memory_space<vmem>>
      %dma_wait3A_108 = arith.constant 0 : i32
      %dma_wait3A_109 = arith.constant 0 : i32
      %dma_wait3A_110 = tpu.memref_slice %arg2[%dma_wait3A_108, %dma_wait3A_109] : memref<10000x128xf32, #tpu.memory_space<hbm>> -> memref<10000x128xf32, #tpu.memory_space<hbm>>
      tpu.wait_indirect_dma semaphore(%arg14 : memref<!tpu.dma_semaphore, #tpu.memory_space<semaphore_mem>>) src(%dma_wait3A_110 : memref<10000x128xf32, #tpu.memory_space<hbm>>) dst(%arg7 : memref<80x128xf32, #tpu.memory_space<vmem>>)
      %mul3A_111 = arith.constant 80 : i32
      %mul3A_112 = arith.muli %mul3A_104, %mul3A_111 : i32
      %add3A_113 = arith.addi %mul3A_25, %mul3A_112 : i32
      %dma_wait3A_114 = tpu.memref_slice %arg4[%add3A_113] : memref<320000xi32, #tpu.memory_space<hbm>> -> memref<80xi32, #tpu.memory_space<hbm>>
      %dma_wait3A_115 = tpu.memref_slice %arg4[%add3A_113] : memref<320000xi32, #tpu.memory_space<hbm>> -> memref<80xi32, #tpu.memory_space<hbm>>
      tpu.wait_dma2 semaphore(%arg20 : memref<!tpu.dma_semaphore, #tpu.memory_space<semaphore_mem>>) src(%dma_wait3A_115 : memref<80xi32, #tpu.memory_space<hbm>>) dst(%arg10 : memref<80xi32, #tpu.memory_space<vmem>>)
      %dma_start3A_116 = arith.constant 0 : i32
      %dma_start3A_117 = arith.constant 0 : i32
      %dma_start3A_118 = tpu.memref_slice %arg13[%dma_start3A_116, %dma_start3A_117] : memref<10000x128xf32, #tpu.memory_space<vmem_shared>> -> memref<10000x128xf32, #tpu.memory_space<vmem_shared>>
      tpu.enqueue_indirect_dma source(%arg7 : memref<80x128xf32, #tpu.memory_space<vmem>>) target(%dma_start3A_118 : memref<10000x128xf32, #tpu.memory_space<vmem_shared>>) offsets(%arg10 : memref<80xi32, #tpu.memory_space<vmem>>) semaphore(%arg17 : memref<!tpu.dma_semaphore, #tpu.memory_space<semaphore_mem>>) {add = true}
      %add3A_119 = arith.constant 1 : i32
      %add3A_120 = arith.addi %mul3A_104, %add3A_119 : i32
      %mul3A_121 = arith.constant 80 : i32
      %mul3A_122 = arith.muli %add3A_120, %mul3A_121 : i32
      %dma_wait3A_123 = tpu.memref_slice %arg6[%mul3A_122] : memref<10000xi32, #tpu.memory_space<vmem>> -> memref<80xi32, #tpu.memory_space<vmem>>
      %dma_wait3A_124 = arith.constant 0 : i32
      %dma_wait3A_125 = arith.constant 0 : i32
      %dma_wait3A_126 = tpu.memref_slice %arg2[%dma_wait3A_124, %dma_wait3A_125] : memref<10000x128xf32, #tpu.memory_space<hbm>> -> memref<10000x128xf32, #tpu.memory_space<hbm>>
      tpu.wait_indirect_dma semaphore(%arg15 : memref<!tpu.dma_semaphore, #tpu.memory_space<semaphore_mem>>) src(%dma_wait3A_126 : memref<10000x128xf32, #tpu.memory_space<hbm>>) dst(%arg8 : memref<80x128xf32, #tpu.memory_space<vmem>>)
      %mul3A_127 = arith.constant 80 : i32
      %mul3A_128 = arith.muli %add3A_120, %mul3A_127 : i32
      %add3A_129 = arith.addi %mul3A_25, %mul3A_128 : i32
      %dma_wait3A_130 = tpu.memref_slice %arg4[%add3A_129] : memref<320000xi32, #tpu.memory_space<hbm>> -> memref<80xi32, #tpu.memory_space<hbm>>
      %dma_wait3A_131 = tpu.memref_slice %arg4[%add3A_129] : memref<320000xi32, #tpu.memory_space<hbm>> -> memref<80xi32, #tpu.memory_space<hbm>>
      tpu.wait_dma2 semaphore(%arg21 : memref<!tpu.dma_semaphore, #tpu.memory_space<semaphore_mem>>) src(%dma_wait3A_131 : memref<80xi32, #tpu.memory_space<hbm>>) dst(%arg11 : memref<80xi32, #tpu.memory_space<vmem>>)
      %dma_start3A_132 = arith.constant 0 : i32
      %dma_start3A_133 = arith.constant 0 : i32
      %dma_start3A_134 = tpu.memref_slice %arg13[%dma_start3A_132, %dma_start3A_133] : memref<10000x128xf32, #tpu.memory_space<vmem_shared>> -> memref<10000x128xf32, #tpu.memory_space<vmem_shared>>
      tpu.enqueue_indirect_dma source(%arg8 : memref<80x128xf32, #tpu.memory_space<vmem>>) target(%dma_start3A_134 : memref<10000x128xf32, #tpu.memory_space<vmem_shared>>) offsets(%arg11 : memref<80xi32, #tpu.memory_space<vmem>>) semaphore(%arg18 : memref<!tpu.dma_semaphore, #tpu.memory_space<semaphore_mem>>) {add = true}
      %add3A_135 = arith.constant 2 : i32
      %add3A_136 = arith.addi %mul3A_104, %add3A_135 : i32
      %mul3A_137 = arith.constant 80 : i32
      %mul3A_138 = arith.muli %add3A_136, %mul3A_137 : i32
      %dma_wait3A_139 = tpu.memref_slice %arg6[%mul3A_138] : memref<10000xi32, #tpu.memory_space<vmem>> -> memref<80xi32, #tpu.memory_space<vmem>>
      %dma_wait3A_140 = arith.constant 0 : i32
      %dma_wait3A_141 = arith.constant 0 : i32
      %dma_wait3A_142 = tpu.memref_slice %arg2[%dma_wait3A_140, %dma_wait3A_141] : memref<10000x128xf32, #tpu.memory_space<hbm>> -> memref<10000x128xf32, #tpu.memory_space<hbm>>
      tpu.wait_indirect_dma semaphore(%arg16 : memref<!tpu.dma_semaphore, #tpu.memory_space<semaphore_mem>>) src(%dma_wait3A_142 : memref<10000x128xf32, #tpu.memory_space<hbm>>) dst(%arg9 : memref<80x128xf32, #tpu.memory_space<vmem>>)
      %mul3A_143 = arith.constant 80 : i32
      %mul3A_144 = arith.muli %add3A_136, %mul3A_143 : i32
      %add3A_145 = arith.addi %mul3A_25, %mul3A_144 : i32
      %dma_wait3A_146 = tpu.memref_slice %arg4[%add3A_145] : memref<320000xi32, #tpu.memory_space<hbm>> -> memref<80xi32, #tpu.memory_space<hbm>>
      %dma_wait3A_147 = tpu.memref_slice %arg4[%add3A_145] : memref<320000xi32, #tpu.memory_space<hbm>> -> memref<80xi32, #tpu.memory_space<hbm>>
      tpu.wait_dma2 semaphore(%arg22 : memref<!tpu.dma_semaphore, #tpu.memory_space<semaphore_mem>>) src(%dma_wait3A_147 : memref<80xi32, #tpu.memory_space<hbm>>) dst(%arg12 : memref<80xi32, #tpu.memory_space<vmem>>)
      %dma_start3A_148 = arith.constant 0 : i32
      %dma_start3A_149 = arith.constant 0 : i32
      %dma_start3A_150 = tpu.memref_slice %arg13[%dma_start3A_148, %dma_start3A_149] : memref<10000x128xf32, #tpu.memory_space<vmem_shared>> -> memref<10000x128xf32, #tpu.memory_space<vmem_shared>>
      tpu.enqueue_indirect_dma source(%arg9 : memref<80x128xf32, #tpu.memory_space<vmem>>) target(%dma_start3A_150 : memref<10000x128xf32, #tpu.memory_space<vmem_shared>>) offsets(%arg12 : memref<80xi32, #tpu.memory_space<vmem>>) semaphore(%arg19 : memref<!tpu.dma_semaphore, #tpu.memory_space<semaphore_mem>>) {add = true}
      %dma_wait3A_151 = arith.constant 0 : i32
      %dma_wait3A_152 = arith.constant 0 : i32
      %dma_wait3A_153 = tpu.memref_slice %arg13[%dma_wait3A_151, %dma_wait3A_152] : memref<10000x128xf32, #tpu.memory_space<vmem_shared>> -> memref<10000x128xf32, #tpu.memory_space<vmem_shared>>
      tpu.wait_indirect_dma semaphore(%arg17 : memref<!tpu.dma_semaphore, #tpu.memory_space<semaphore_mem>>) src(%arg7 : memref<80x128xf32, #tpu.memory_space<vmem>>) dst(%dma_wait3A_153 : memref<10000x128xf32, #tpu.memory_space<vmem_shared>>)
      %add3A_154 = arith.constant 3 : i32
      %add3A_155 = arith.addi %mul3A_104, %add3A_154 : i32
      %mul3A_156 = arith.constant 80 : i32
      %mul3A_157 = arith.muli %add3A_155, %mul3A_156 : i32
      %dma_start3A_158 = tpu.memref_slice %arg6[%mul3A_157] : memref<10000xi32, #tpu.memory_space<vmem>> -> memref<80xi32, #tpu.memory_space<vmem>>
      %dma_start3A_159 = arith.constant 0 : i32
      %dma_start3A_160 = arith.constant 0 : i32
      %dma_start3A_161 = tpu.memref_slice %arg2[%dma_start3A_159, %dma_start3A_160] : memref<10000x128xf32, #tpu.memory_space<hbm>> -> memref<10000x128xf32, #tpu.memory_space<hbm>>
      tpu.enqueue_indirect_dma source(%dma_start3A_161 : memref<10000x128xf32, #tpu.memory_space<hbm>>) target(%arg7 : memref<80x128xf32, #tpu.memory_space<vmem>>) offsets(%dma_start3A_158 : memref<80xi32, #tpu.memory_space<vmem>>) semaphore(%arg14 : memref<!tpu.dma_semaphore, #tpu.memory_space<semaphore_mem>>)
      %mul3A_162 = arith.constant 80 : i32
      %mul3A_163 = arith.muli %add3A_155, %mul3A_162 : i32
      %add3A_164 = arith.addi %mul3A_25, %mul3A_163 : i32
      %dma_start3A_165 = tpu.memref_slice %arg4[%add3A_164] : memref<320000xi32, #tpu.memory_space<hbm>> -> memref<80xi32, #tpu.memory_space<hbm>>
      %dma_start3A_166 = tpu.memref_slice %arg4[%add3A_164] : memref<320000xi32, #tpu.memory_space<hbm>> -> memref<80xi32, #tpu.memory_space<hbm>>
      tpu.enqueue_dma source(%dma_start3A_166 : memref<80xi32, #tpu.memory_space<hbm>>) target(%arg10 : memref<80xi32, #tpu.memory_space<vmem>>) target_semaphore(%arg20 : memref<!tpu.dma_semaphore, #tpu.memory_space<semaphore_mem>>)
      %dma_wait3A_167 = arith.constant 0 : i32
      %dma_wait3A_168 = arith.constant 0 : i32
      %dma_wait3A_169 = tpu.memref_slice %arg13[%dma_wait3A_167, %dma_wait3A_168] : memref<10000x128xf32, #tpu.memory_space<vmem_shared>> -> memref<10000x128xf32, #tpu.memory_space<vmem_shared>>
      tpu.wait_indirect_dma semaphore(%arg18 : memref<!tpu.dma_semaphore, #tpu.memory_space<semaphore_mem>>) src(%arg8 : memref<80x128xf32, #tpu.memory_space<vmem>>) dst(%dma_wait3A_169 : memref<10000x128xf32, #tpu.memory_space<vmem_shared>>)
      %add3A_170 = arith.constant 4 : i32
      %add3A_171 = arith.addi %mul3A_104, %add3A_170 : i32
      %mul3A_172 = arith.constant 80 : i32
      %mul3A_173 = arith.muli %add3A_171, %mul3A_172 : i32
      %dma_start3A_174 = tpu.memref_slice %arg6[%mul3A_173] : memref<10000xi32, #tpu.memory_space<vmem>> -> memref<80xi32, #tpu.memory_space<vmem>>
      %dma_start3A_175 = arith.constant 0 : i32
      %dma_start3A_176 = arith.constant 0 : i32
      %dma_start3A_177 = tpu.memref_slice %arg2[%dma_start3A_175, %dma_start3A_176] : memref<10000x128xf32, #tpu.memory_space<hbm>> -> memref<10000x128xf32, #tpu.memory_space<hbm>>
      tpu.enqueue_indirect_dma source(%dma_start3A_177 : memref<10000x128xf32, #tpu.memory_space<hbm>>) target(%arg8 : memref<80x128xf32, #tpu.memory_space<vmem>>) offsets(%dma_start3A_174 : memref<80xi32, #tpu.memory_space<vmem>>) semaphore(%arg15 : memref<!tpu.dma_semaphore, #tpu.memory_space<semaphore_mem>>)
      %mul3A_178 = arith.constant 80 : i32
      %mul3A_179 = arith.muli %add3A_171, %mul3A_178 : i32
      %add3A_180 = arith.addi %mul3A_25, %mul3A_179 : i32
      %dma_start3A_181 = tpu.memref_slice %arg4[%add3A_180] : memref<320000xi32, #tpu.memory_space<hbm>> -> memref<80xi32, #tpu.memory_space<hbm>>
      %dma_start3A_182 = tpu.memref_slice %arg4[%add3A_180] : memref<320000xi32, #tpu.memory_space<hbm>> -> memref<80xi32, #tpu.memory_space<hbm>>
      tpu.enqueue_dma source(%dma_start3A_182 : memref<80xi32, #tpu.memory_space<hbm>>) target(%arg11 : memref<80xi32, #tpu.memory_space<vmem>>) target_semaphore(%arg21 : memref<!tpu.dma_semaphore, #tpu.memory_space<semaphore_mem>>)
      %dma_wait3A_183 = arith.constant 0 : i32
      %dma_wait3A_184 = arith.constant 0 : i32
      %dma_wait3A_185 = tpu.memref_slice %arg13[%dma_wait3A_183, %dma_wait3A_184] : memref<10000x128xf32, #tpu.memory_space<vmem_shared>> -> memref<10000x128xf32, #tpu.memory_space<vmem_shared>>
      tpu.wait_indirect_dma semaphore(%arg19 : memref<!tpu.dma_semaphore, #tpu.memory_space<semaphore_mem>>) src(%arg9 : memref<80x128xf32, #tpu.memory_space<vmem>>) dst(%dma_wait3A_185 : memref<10000x128xf32, #tpu.memory_space<vmem_shared>>)
      %add3A_186 = arith.constant 5 : i32
      %add3A_187 = arith.addi %mul3A_104, %add3A_186 : i32
      %lt3A_188 = arith.constant 125 : i32
      %lt3A_189 = arith.cmpi slt, %add3A_187, %lt3A_188 : i32
      %convert_element_type3A = arith.extui %lt3A_189 : i1 to i32
      %cond3A = arith.constant 0 : i32
      %cond3A_190 = arith.cmpi ne, %convert_element_type3A, %cond3A : i32
      scf.if %cond3A_190 {
        %add3A_192 = arith.constant 5 : i32
        %add3A_193 = arith.addi %mul3A_104, %add3A_192 : i32
        %mul3A_194 = arith.constant 80 : i32
        %mul3A_195 = arith.muli %add3A_193, %mul3A_194 : i32
        %dma_start3A_196 = tpu.memref_slice %arg6[%mul3A_195] : memref<10000xi32, #tpu.memory_space<vmem>> -> memref<80xi32, #tpu.memory_space<vmem>>
        %dma_start3A_197 = arith.constant 0 : i32
        %dma_start3A_198 = arith.constant 0 : i32
        %dma_start3A_199 = tpu.memref_slice %arg2[%dma_start3A_197, %dma_start3A_198] : memref<10000x128xf32, #tpu.memory_space<hbm>> -> memref<10000x128xf32, #tpu.memory_space<hbm>>
        tpu.enqueue_indirect_dma source(%dma_start3A_199 : memref<10000x128xf32, #tpu.memory_space<hbm>>) target(%arg9 : memref<80x128xf32, #tpu.memory_space<vmem>>) offsets(%dma_start3A_196 : memref<80xi32, #tpu.memory_space<vmem>>) semaphore(%arg16 : memref<!tpu.dma_semaphore, #tpu.memory_space<semaphore_mem>>)
        %mul3A_200 = arith.constant 80 : i32
        %mul3A_201 = arith.muli %add3A_193, %mul3A_200 : i32
        %add3A_202 = arith.addi %mul3A_25, %mul3A_201 : i32
        %dma_start3A_203 = tpu.memref_slice %arg4[%add3A_202] : memref<320000xi32, #tpu.memory_space<hbm>> -> memref<80xi32, #tpu.memory_space<hbm>>
        %dma_start3A_204 = tpu.memref_slice %arg4[%add3A_202] : memref<320000xi32, #tpu.memory_space<hbm>> -> memref<80xi32, #tpu.memory_space<hbm>>
        tpu.enqueue_dma source(%dma_start3A_204 : memref<80xi32, #tpu.memory_space<hbm>>) target(%arg12 : memref<80xi32, #tpu.memory_space<vmem>>) target_semaphore(%arg22 : memref<!tpu.dma_semaphore, #tpu.memory_space<semaphore_mem>>)
      } else {
      }
      %scan3A_191 = arith.constant 0 : i32
      scf.yield %scan3A_191 : i32
    }
    %scan3A_58 = arith.constant 41 : i32
    %dma_wait3A = arith.constant 9840 : i32
    %dma_wait3A_59 = tpu.memref_slice %arg6[%dma_wait3A] : memref<10000xi32, #tpu.memory_space<vmem>> -> memref<80xi32, #tpu.memory_space<vmem>>
    %dma_wait3A_60 = arith.constant 0 : i32
    %dma_wait3A_61 = arith.constant 0 : i32
    %dma_wait3A_62 = tpu.memref_slice %arg2[%dma_wait3A_60, %dma_wait3A_61] : memref<10000x128xf32, #tpu.memory_space<hbm>> -> memref<10000x128xf32, #tpu.memory_space<hbm>>
    tpu.wait_indirect_dma semaphore(%arg14 : memref<!tpu.dma_semaphore, #tpu.memory_space<semaphore_mem>>) src(%dma_wait3A_62 : memref<10000x128xf32, #tpu.memory_space<hbm>>) dst(%arg7 : memref<80x128xf32, #tpu.memory_space<vmem>>)
    %add3A_63 = arith.constant 9840 : i32
    %add3A_64 = arith.addi %mul3A_25, %add3A_63 : i32
    %dma_wait3A_65 = tpu.memref_slice %arg4[%add3A_64] : memref<320000xi32, #tpu.memory_space<hbm>> -> memref<80xi32, #tpu.memory_space<hbm>>
    %dma_wait3A_66 = tpu.memref_slice %arg4[%add3A_64] : memref<320000xi32, #tpu.memory_space<hbm>> -> memref<80xi32, #tpu.memory_space<hbm>>
    tpu.wait_dma2 semaphore(%arg20 : memref<!tpu.dma_semaphore, #tpu.memory_space<semaphore_mem>>) src(%dma_wait3A_66 : memref<80xi32, #tpu.memory_space<hbm>>) dst(%arg10 : memref<80xi32, #tpu.memory_space<vmem>>)
    %dma_start3A_67 = arith.constant 0 : i32
    %dma_start3A_68 = arith.constant 0 : i32
    %dma_start3A_69 = tpu.memref_slice %arg13[%dma_start3A_67, %dma_start3A_68] : memref<10000x128xf32, #tpu.memory_space<vmem_shared>> -> memref<10000x128xf32, #tpu.memory_space<vmem_shared>>
    tpu.enqueue_indirect_dma source(%arg7 : memref<80x128xf32, #tpu.memory_space<vmem>>) target(%dma_start3A_69 : memref<10000x128xf32, #tpu.memory_space<vmem_shared>>) offsets(%arg10 : memref<80xi32, #tpu.memory_space<vmem>>) semaphore(%arg17 : memref<!tpu.dma_semaphore, #tpu.memory_space<semaphore_mem>>) {add = true}
    %dma_wait3A_70 = arith.constant 9920 : i32
    %dma_wait3A_71 = tpu.memref_slice %arg6[%dma_wait3A_70] : memref<10000xi32, #tpu.memory_space<vmem>> -> memref<80xi32, #tpu.memory_space<vmem>>
    %dma_wait3A_72 = arith.constant 0 : i32
    %dma_wait3A_73 = arith.constant 0 : i32
    %dma_wait3A_74 = tpu.memref_slice %arg2[%dma_wait3A_72, %dma_wait3A_73] : memref<10000x128xf32, #tpu.memory_space<hbm>> -> memref<10000x128xf32, #tpu.memory_space<hbm>>
    tpu.wait_indirect_dma semaphore(%arg15 : memref<!tpu.dma_semaphore, #tpu.memory_space<semaphore_mem>>) src(%dma_wait3A_74 : memref<10000x128xf32, #tpu.memory_space<hbm>>) dst(%arg8 : memref<80x128xf32, #tpu.memory_space<vmem>>)
    %add3A_75 = arith.constant 9920 : i32
    %add3A_76 = arith.addi %mul3A_25, %add3A_75 : i32
    %dma_wait3A_77 = tpu.memref_slice %arg4[%add3A_76] : memref<320000xi32, #tpu.memory_space<hbm>> -> memref<80xi32, #tpu.memory_space<hbm>>
    %dma_wait3A_78 = tpu.memref_slice %arg4[%add3A_76] : memref<320000xi32, #tpu.memory_space<hbm>> -> memref<80xi32, #tpu.memory_space<hbm>>
    tpu.wait_dma2 semaphore(%arg21 : memref<!tpu.dma_semaphore, #tpu.memory_space<semaphore_mem>>) src(%dma_wait3A_78 : memref<80xi32, #tpu.memory_space<hbm>>) dst(%arg11 : memref<80xi32, #tpu.memory_space<vmem>>)
    %dma_start3A_79 = arith.constant 0 : i32
    %dma_start3A_80 = arith.constant 0 : i32
    %dma_start3A_81 = tpu.memref_slice %arg13[%dma_start3A_79, %dma_start3A_80] : memref<10000x128xf32, #tpu.memory_space<vmem_shared>> -> memref<10000x128xf32, #tpu.memory_space<vmem_shared>>
    tpu.enqueue_indirect_dma source(%arg8 : memref<80x128xf32, #tpu.memory_space<vmem>>) target(%dma_start3A_81 : memref<10000x128xf32, #tpu.memory_space<vmem_shared>>) offsets(%arg11 : memref<80xi32, #tpu.memory_space<vmem>>) semaphore(%arg18 : memref<!tpu.dma_semaphore, #tpu.memory_space<semaphore_mem>>) {add = true}
    %dma_wait3A_82 = arith.constant 0 : i32
    %dma_wait3A_83 = arith.constant 0 : i32
    %dma_wait3A_84 = tpu.memref_slice %arg13[%dma_wait3A_82, %dma_wait3A_83] : memref<10000x128xf32, #tpu.memory_space<vmem_shared>> -> memref<10000x128xf32, #tpu.memory_space<vmem_shared>>
    tpu.wait_indirect_dma semaphore(%arg17 : memref<!tpu.dma_semaphore, #tpu.memory_space<semaphore_mem>>) src(%arg7 : memref<80x128xf32, #tpu.memory_space<vmem>>) dst(%dma_wait3A_84 : memref<10000x128xf32, #tpu.memory_space<vmem_shared>>)
    %dma_wait3A_85 = arith.constant 0 : i32
    %dma_wait3A_86 = arith.constant 0 : i32
    %dma_wait3A_87 = tpu.memref_slice %arg13[%dma_wait3A_85, %dma_wait3A_86] : memref<10000x128xf32, #tpu.memory_space<vmem_shared>> -> memref<10000x128xf32, #tpu.memory_space<vmem_shared>>
    tpu.wait_indirect_dma semaphore(%arg18 : memref<!tpu.dma_semaphore, #tpu.memory_space<semaphore_mem>>) src(%arg8 : memref<80x128xf32, #tpu.memory_space<vmem>>) dst(%dma_wait3A_87 : memref<10000x128xf32, #tpu.memory_space<vmem_shared>>)
    %barrier3A_88 = arith.constant 0 : index
    tpu.barrier barrier_id(%barrier3A_88)
    %while3A_89 = arith.constant 0 : i32
    %while3A_90 = arith.constant 0 : i32
    %while3A_91 = arith.subi %select_n3A, %while3A_89 : i32
    %while3A_92 = arith.addi %while3A_89, %while3A_91 : i32
    %while3A_93 = arith.constant 1 : i32
    %while3A_94 = arith.divsi %while3A_91, %while3A_93 : i32
    %while3A_95 = arith.muli %while3A_94, %while3A_93 : i32
    %while3A_96 = arith.addi %while3A_89, %while3A_95 : i32
    %while3A_97 = arith.constant 1 : i32
    %while3A_98 = scf.for %while3A_101 = %while3A_89 to %while3A_96 step %while3A_97 iter_args(%while3A_102 = %while3A_90) -> (i32)  : i32 {
      %mul3A_103 = arith.constant 80 : i32
      %mul3A_104 = arith.muli %while3A_101, %mul3A_103 : i32
      %add3A_105 = arith.addi %mul3A_4, %mul3A_104 : i32
      "tpu.region"() ({
        %run_scoped3A = tpu.sem_alloc : memref<!tpu.dma_semaphore, #tpu.memory_space<semaphore_mem>>
        %dma_start3A_107 = arith.constant 0 : i32
        %dma_start3A_108 = tpu.memref_slice %arg5[%arg0, %add3A_105, %dma_start3A_107] : memref<2x10000x128xf32, #tpu.memory_space<hbm>> -> memref<1x80x128xf32, #tpu.memory_space<hbm>>
        %dma_start3A_109 = tpu.memref_squeeze %dma_start3A_108 : memref<1x80x128xf32, #tpu.memory_space<hbm>> -> memref<80x128xf32, #tpu.memory_space<hbm>>
        %dma_start3A_110 = arith.constant 0 : i32
        %dma_start3A_111 = tpu.memref_slice %arg13[%add3A_105, %dma_start3A_110] : memref<10000x128xf32, #tpu.memory_space<vmem_shared>> -> memref<80x128xf32, #tpu.memory_space<vmem_shared>>
        tpu.enqueue_dma source(%dma_start3A_111 : memref<80x128xf32, #tpu.memory_space<vmem_shared>>) target(%dma_start3A_109 : memref<80x128xf32, #tpu.memory_space<hbm>>) target_semaphore(%run_scoped3A : memref<!tpu.dma_semaphore, #tpu.memory_space<semaphore_mem>>)
        %dma_wait3A_112 = arith.constant 0 : i32
        %dma_wait3A_113 = tpu.memref_slice %arg5[%arg0, %add3A_105, %dma_wait3A_112] : memref<2x10000x128xf32, #tpu.memory_space<hbm>> -> memref<1x80x128xf32, #tpu.memory_space<hbm>>
        %dma_wait3A_114 = tpu.memref_squeeze %dma_wait3A_113 : memref<1x80x128xf32, #tpu.memory_space<hbm>> -> memref<80x128xf32, #tpu.memory_space<hbm>>
        %dma_wait3A_115 = arith.constant 0 : i32
        %dma_wait3A_116 = tpu.memref_slice %arg13[%add3A_105, %dma_wait3A_115] : memref<10000x128xf32, #tpu.memory_space<vmem_shared>> -> memref<80x128xf32, #tpu.memory_space<vmem_shared>>
        tpu.wait_dma2 semaphore(%run_scoped3A : memref<!tpu.dma_semaphore, #tpu.memory_space<semaphore_mem>>) src(%dma_wait3A_116 : memref<80x128xf32, #tpu.memory_space<vmem_shared>>) dst(%dma_wait3A_114 : memref<80x128xf32, #tpu.memory_space<hbm>>)
        tpu.yield
      }) : () -> ()
      %while3A_106 = arith.constant 0 : i32
      scf.yield %while3A_106 : i32
    }
    %while3A_99 = arith.constant 1 : i32
    %while3A_100 = scf.for %while3A_101 = %while3A_96 to %while3A_92 step %while3A_99 iter_args(%while3A_102 = %while3A_98) -> (i32)  : i32 {
      %mul3A_103 = arith.constant 80 : i32
      %mul3A_104 = arith.muli %while3A_101, %mul3A_103 : i32
      %add3A_105 = arith.addi %mul3A_4, %mul3A_104 : i32
      "tpu.region"() ({
        %run_scoped3A = tpu.sem_alloc : memref<!tpu.dma_semaphore, #tpu.memory_space<semaphore_mem>>
        %dma_start3A_107 = arith.constant 0 : i32
        %dma_start3A_108 = tpu.memref_slice %arg5[%arg0, %add3A_105, %dma_start3A_107] : memref<2x10000x128xf32, #tpu.memory_space<hbm>> -> memref<1x80x128xf32, #tpu.memory_space<hbm>>
        %dma_start3A_109 = tpu.memref_squeeze %dma_start3A_108 : memref<1x80x128xf32, #tpu.memory_space<hbm>> -> memref<80x128xf32, #tpu.memory_space<hbm>>
        %dma_start3A_110 = arith.constant 0 : i32
        %dma_start3A_111 = tpu.memref_slice %arg13[%add3A_105, %dma_start3A_110] : memref<10000x128xf32, #tpu.memory_space<vmem_shared>> -> memref<80x128xf32, #tpu.memory_space<vmem_shared>>
        tpu.enqueue_dma source(%dma_start3A_111 : memref<80x128xf32, #tpu.memory_space<vmem_shared>>) target(%dma_start3A_109 : memref<80x128xf32, #tpu.memory_space<hbm>>) target_semaphore(%run_scoped3A : memref<!tpu.dma_semaphore, #tpu.memory_space<semaphore_mem>>)
        %dma_wait3A_112 = arith.constant 0 : i32
        %dma_wait3A_113 = tpu.memref_slice %arg5[%arg0, %add3A_105, %dma_wait3A_112] : memref<2x10000x128xf32, #tpu.memory_space<hbm>> -> memref<1x80x128xf32, #tpu.memory_space<hbm>>
        %dma_wait3A_114 = tpu.memref_squeeze %dma_wait3A_113 : memref<1x80x128xf32, #tpu.memory_space<hbm>> -> memref<80x128xf32, #tpu.memory_space<hbm>>
        %dma_wait3A_115 = arith.constant 0 : i32
        %dma_wait3A_116 = tpu.memref_slice %arg13[%add3A_105, %dma_wait3A_115] : memref<10000x128xf32, #tpu.memory_space<vmem_shared>> -> memref<80x128xf32, #tpu.memory_space<vmem_shared>>
        tpu.wait_dma2 semaphore(%run_scoped3A : memref<!tpu.dma_semaphore, #tpu.memory_space<semaphore_mem>>) src(%dma_wait3A_116 : memref<80x128xf32, #tpu.memory_space<vmem_shared>>) dst(%dma_wait3A_114 : memref<80x128xf32, #tpu.memory_space<hbm>>)
        tpu.yield
      }) : () -> ()
      %while3A_106 = arith.constant 0 : i32
      scf.yield %while3A_106 : i32
    }
    return
  }
}

#map = affine_map<(d0, d1) -> (0, 0, 0)>
#map1 = affine_map<(d0, d1) -> (0)>
module attributes {stable_mosaic.version = 14 : i64} {
  func.func @_deg_kernel(%arg0: i32, %arg1: i32, %arg2: memref<32x125x80xi32, #tpu.memory_space<hbm>>, %arg3: memref<20000xf32, #tpu.memory_space<hbm>>, %arg4: memref<125x80xi32, #tpu.memory_space<vmem>>, %arg5: memref<80xf32, #tpu.memory_space<vmem>>, %arg6: memref<640xf32, #tpu.memory_space<vmem>>, %arg7: memref<10000xf32, #tpu.memory_space<vmem_shared>>) attributes {dimension_semantics = [#tpu.dimension_semantics<core_parallel>, #tpu.dimension_semantics<subcore_parallel>], iteration_bounds = array<i64: 2, 16>, scalar_prefetch = 0 : i64, scratch_operands = 4 : i64, tpu.core_type = #tpu.core_type<sc_vector_subcore>, window_params = [{transform_indices = #map}, {transform_indices = #map1}]} {
    %mul3A = arith.constant 2 : i32
    %mul3A_0 = arith.muli %arg1, %mul3A : i32
    %add3A = arith.addi %mul3A_0, %arg0 : i32
    %scan3A = arith.constant 0 : i32
    %scan3A_1 = arith.constant 0 : i32
    %scan3A_2 = arith.constant 5 : i32
    %scan3A_3 = arith.addi %scan3A_1, %scan3A_2 : i32
    %scan3A_4 = arith.constant 1 : i32
    %scan3A_5 = scf.for %scan3A_40 = %scan3A_1 to %scan3A_3 step %scan3A_4 iter_args(%scan3A_41 = %scan3A) -> (i32)  : i32 {
      %broadcast_in_dim3A = arith.constant 1.000000e+00 : f32
      %broadcast_in_dim3A_42 = vector.broadcast %broadcast_in_dim3A : f32 to vector<16xf32>
      %mul3A_43 = arith.constant 16 : i32
      %mul3A_44 = arith.muli %scan3A_40, %mul3A_43 : i32
      %swap3A = arith.index_cast %mul3A_44 : i32 to index
      %swap3A_45 = tpu.vector_load %arg5[%swap3A] {strides = array<i32>} : memref<80xf32, #tpu.memory_space<vmem>>, vector<16xf32>,
      %swap3A_46 = vector.shape_cast %swap3A_45 : vector<16xf32> to vector<16xf32>
      %swap3A_47 = vector.shape_cast %broadcast_in_dim3A_42 : vector<16xf32> to vector<16xf32>
      tpu.vector_store %arg5[%swap3A], %swap3A_47 {strides = array<i32>} : memref<80xf32, #tpu.memory_space<vmem>>, vector<16xf32>,
      %scan3A_48 = arith.constant 0 : i32
      scf.yield %scan3A_48 : i32
    }
    %scan3A_6 = arith.constant 5 : i32
    %scan3A_7 = arith.constant 0 : i32
    %scan3A_8 = arith.constant 0 : i32
    %scan3A_9 = arith.constant 40 : i32
    %scan3A_10 = arith.addi %scan3A_8, %scan3A_9 : i32
    %scan3A_11 = arith.constant 1 : i32
    %scan3A_12 = scf.for %scan3A_40 = %scan3A_8 to %scan3A_10 step %scan3A_11 iter_args(%scan3A_41 = %scan3A_7) -> (i32)  : i32 {
      %broadcast_in_dim3A = arith.constant 0.000000e+00 : f32
      %broadcast_in_dim3A_42 = vector.broadcast %broadcast_in_dim3A : f32 to vector<16xf32>
      %mul3A_43 = arith.constant 16 : i32
      %mul3A_44 = arith.muli %scan3A_40, %mul3A_43 : i32
      %swap3A = arith.index_cast %mul3A_44 : i32 to index
      %swap3A_45 = tpu.vector_load %arg6[%swap3A] {strides = array<i32>} : memref<640xf32, #tpu.memory_space<vmem>>, vector<16xf32>,
      %swap3A_46 = vector.shape_cast %swap3A_45 : vector<16xf32> to vector<16xf32>
      %swap3A_47 = vector.shape_cast %broadcast_in_dim3A_42 : vector<16xf32> to vector<16xf32>
      tpu.vector_store %arg6[%swap3A], %swap3A_47 {strides = array<i32>} : memref<640xf32, #tpu.memory_space<vmem>>, vector<16xf32>,
      %scan3A_48 = arith.constant 0 : i32
      scf.yield %scan3A_48 : i32
    }
    %scan3A_13 = arith.constant 40 : i32
    %lt3A = arith.constant 15 : i32
    %lt3A_14 = arith.cmpi slt, %arg1, %lt3A : i32
    %convert_element_type3A = arith.extui %lt3A_14 : i1 to i32
    %cond3A = arith.constant 0 : i32
    %cond3A_15 = arith.cmpi ne, %convert_element_type3A, %cond3A : i32
    scf.if %cond3A_15 {
      %mul3A_40 = arith.constant 640 : i32
      %mul3A_41 = arith.muli %arg1, %mul3A_40 : i32
      "tpu.region"() ({
        %run_scoped3A = tpu.sem_alloc : memref<!tpu.dma_semaphore, #tpu.memory_space<semaphore_mem>>
        %dma_start3A = tpu.memref_slice %arg7[%mul3A_41] : memref<10000xf32, #tpu.memory_space<vmem_shared>> -> memref<640xf32, #tpu.memory_space<vmem_shared>>
        %dma_start3A_42 = tpu.memref_slice %arg7[%mul3A_41] : memref<10000xf32, #tpu.memory_space<vmem_shared>> -> memref<640xf32, #tpu.memory_space<vmem_shared>>
        tpu.enqueue_dma source(%arg6 : memref<640xf32, #tpu.memory_space<vmem>>) target(%dma_start3A_42 : memref<640xf32, #tpu.memory_space<vmem_shared>>) target_semaphore(%run_scoped3A : memref<!tpu.dma_semaphore, #tpu.memory_space<semaphore_mem>>)
        %dma_wait3A = tpu.memref_slice %arg7[%mul3A_41] : memref<10000xf32, #tpu.memory_space<vmem_shared>> -> memref<640xf32, #tpu.memory_space<vmem_shared>>
        %dma_wait3A_43 = tpu.memref_slice %arg7[%mul3A_41] : memref<10000xf32, #tpu.memory_space<vmem_shared>> -> memref<640xf32, #tpu.memory_space<vmem_shared>>
        tpu.wait_dma2 semaphore(%run_scoped3A : memref<!tpu.dma_semaphore, #tpu.memory_space<semaphore_mem>>) src(%arg6 : memref<640xf32, #tpu.memory_space<vmem>>) dst(%dma_wait3A_43 : memref<640xf32, #tpu.memory_space<vmem_shared>>)
        tpu.yield
      }) : () -> ()
    } else {
    }
    %eq3A = arith.constant 15 : i32
    %eq3A_16 = arith.cmpi eq, %arg1, %eq3A : i32
    %convert_element_type3A_17 = arith.extui %eq3A_16 : i1 to i32
    %cond3A_18 = arith.constant 0 : i32
    %cond3A_19 = arith.cmpi ne, %convert_element_type3A_17, %cond3A_18 : i32
    scf.if %cond3A_19 {
      %mul3A_40 = arith.constant 640 : i32
      %mul3A_41 = arith.muli %arg1, %mul3A_40 : i32
      "tpu.region"() ({
        %run_scoped3A = tpu.sem_alloc : memref<!tpu.dma_semaphore, #tpu.memory_space<semaphore_mem>>
        %dma_start3A = arith.constant 0 : i32
        %dma_start3A_42 = tpu.memref_slice %arg6[%dma_start3A] : memref<640xf32, #tpu.memory_space<vmem>> -> memref<400xf32, #tpu.memory_space<vmem>>
        %dma_start3A_43 = tpu.memref_slice %arg7[%mul3A_41] : memref<10000xf32, #tpu.memory_space<vmem_shared>> -> memref<400xf32, #tpu.memory_space<vmem_shared>>
        %dma_start3A_44 = tpu.memref_slice %arg7[%mul3A_41] : memref<10000xf32, #tpu.memory_space<vmem_shared>> -> memref<400xf32, #tpu.memory_space<vmem_shared>>
        %dma_start3A_45 = arith.constant 0 : i32
        %dma_start3A_46 = tpu.memref_slice %arg6[%dma_start3A_45] : memref<640xf32, #tpu.memory_space<vmem>> -> memref<400xf32, #tpu.memory_space<vmem>>
        tpu.enqueue_dma source(%dma_start3A_46 : memref<400xf32, #tpu.memory_space<vmem>>) target(%dma_start3A_44 : memref<400xf32, #tpu.memory_space<vmem_shared>>) target_semaphore(%run_scoped3A : memref<!tpu.dma_semaphore, #tpu.memory_space<semaphore_mem>>)
        %dma_wait3A = arith.constant 0 : i32
        %dma_wait3A_47 = tpu.memref_slice %arg6[%dma_wait3A] : memref<640xf32, #tpu.memory_space<vmem>> -> memref<400xf32, #tpu.memory_space<vmem>>
        %dma_wait3A_48 = tpu.memref_slice %arg7[%mul3A_41] : memref<10000xf32, #tpu.memory_space<vmem_shared>> -> memref<400xf32, #tpu.memory_space<vmem_shared>>
        %dma_wait3A_49 = tpu.memref_slice %arg7[%mul3A_41] : memref<10000xf32, #tpu.memory_space<vmem_shared>> -> memref<400xf32, #tpu.memory_space<vmem_shared>>
        %dma_wait3A_50 = arith.constant 0 : i32
        %dma_wait3A_51 = tpu.memref_slice %arg6[%dma_wait3A_50] : memref<640xf32, #tpu.memory_space<vmem>> -> memref<400xf32, #tpu.memory_space<vmem>>
        tpu.wait_dma2 semaphore(%run_scoped3A : memref<!tpu.dma_semaphore, #tpu.memory_space<semaphore_mem>>) src(%dma_wait3A_51 : memref<400xf32, #tpu.memory_space<vmem>>) dst(%dma_wait3A_49 : memref<400xf32, #tpu.memory_space<vmem_shared>>)
        tpu.yield
      }) : () -> ()
    } else {
    }
    %barrier3A = arith.constant 0 : index
    tpu.barrier barrier_id(%barrier3A)
    "tpu.region"() ({
      %run_scoped3A = tpu.sem_alloc : memref<!tpu.dma_semaphore, #tpu.memory_space<semaphore_mem>>
      %dma_start3A = arith.constant 0 : i32
      %dma_start3A_40 = arith.constant 0 : i32
      %dma_start3A_41 = tpu.memref_slice %arg2[%add3A, %dma_start3A, %dma_start3A_40] : memref<32x125x80xi32, #tpu.memory_space<hbm>> -> memref<1x125x80xi32, #tpu.memory_space<hbm>>
      %dma_start3A_42 = tpu.memref_squeeze %dma_start3A_41 : memref<1x125x80xi32, #tpu.memory_space<hbm>> -> memref<125x80xi32, #tpu.memory_space<hbm>>
      %dma_start3A_43 = arith.constant 0 : i32
      %dma_start3A_44 = arith.constant 0 : i32
      %dma_start3A_45 = tpu.memref_slice %arg2[%add3A, %dma_start3A_43, %dma_start3A_44] : memref<32x125x80xi32, #tpu.memory_space<hbm>> -> memref<1x125x80xi32, #tpu.memory_space<hbm>>
      %dma_start3A_46 = tpu.memref_squeeze %dma_start3A_45 : memref<1x125x80xi32, #tpu.memory_space<hbm>> -> memref<125x80xi32, #tpu.memory_space<hbm>>
      tpu.enqueue_dma source(%dma_start3A_46 : memref<125x80xi32, #tpu.memory_space<hbm>>) target(%arg4 : memref<125x80xi32, #tpu.memory_space<vmem>>) target_semaphore(%run_scoped3A : memref<!tpu.dma_semaphore, #tpu.memory_space<semaphore_mem>>)
      %dma_wait3A = arith.constant 0 : i32
      %dma_wait3A_47 = arith.constant 0 : i32
      %dma_wait3A_48 = tpu.memref_slice %arg2[%add3A, %dma_wait3A, %dma_wait3A_47] : memref<32x125x80xi32, #tpu.memory_space<hbm>> -> memref<1x125x80xi32, #tpu.memory_space<hbm>>
      %dma_wait3A_49 = tpu.memref_squeeze %dma_wait3A_48 : memref<1x125x80xi32, #tpu.memory_space<hbm>> -> memref<125x80xi32, #tpu.memory_space<hbm>>
      %dma_wait3A_50 = arith.constant 0 : i32
      %dma_wait3A_51 = arith.constant 0 : i32
      %dma_wait3A_52 = tpu.memref_slice %arg2[%add3A, %dma_wait3A_50, %dma_wait3A_51] : memref<32x125x80xi32, #tpu.memory_space<hbm>> -> memref<1x125x80xi32, #tpu.memory_space<hbm>>
      %dma_wait3A_53 = tpu.memref_squeeze %dma_wait3A_52 : memref<1x125x80xi32, #tpu.memory_space<hbm>> -> memref<125x80xi32, #tpu.memory_space<hbm>>
      tpu.wait_dma2 semaphore(%run_scoped3A : memref<!tpu.dma_semaphore, #tpu.memory_space<semaphore_mem>>) src(%dma_wait3A_53 : memref<125x80xi32, #tpu.memory_space<hbm>>) dst(%arg4 : memref<125x80xi32, #tpu.memory_space<vmem>>)
      tpu.yield
    }) : () -> ()
    %scan3A_20 = arith.constant 0 : i32
    %scan3A_21 = arith.constant 0 : i32
    %scan3A_22 = arith.constant 125 : i32
    %scan3A_23 = arith.addi %scan3A_21, %scan3A_22 : i32
    %scan3A_24 = arith.constant 1 : i32
    %scan3A_25 = scf.for %scan3A_40 = %scan3A_21 to %scan3A_23 step %scan3A_24 iter_args(%scan3A_41 = %scan3A_20) -> (i32)  : i32 {
      "tpu.region"() ({
        %run_scoped3A = tpu.sem_alloc : memref<!tpu.dma_semaphore, #tpu.memory_space<semaphore_mem>>
        %dma_start3A = arith.constant 0 : i32
        %dma_start3A_43 = tpu.memref_slice %arg4[%scan3A_40, %dma_start3A] : memref<125x80xi32, #tpu.memory_space<vmem>> -> memref<1x80xi32, #tpu.memory_space<vmem>>
        %dma_start3A_44 = tpu.memref_squeeze %dma_start3A_43 : memref<1x80xi32, #tpu.memory_space<vmem>> -> memref<80xi32, #tpu.memory_space<vmem>>
        %dma_start3A_45 = arith.constant 0 : i32
        %dma_start3A_46 = tpu.memref_slice %arg7[%dma_start3A_45] : memref<10000xf32, #tpu.memory_space<vmem_shared>> -> memref<10000xf32, #tpu.memory_space<vmem_shared>>
        tpu.enqueue_indirect_dma source(%arg5 : memref<80xf32, #tpu.memory_space<vmem>>) target(%dma_start3A_46 : memref<10000xf32, #tpu.memory_space<vmem_shared>>) offsets(%dma_start3A_44 : memref<80xi32, #tpu.memory_space<vmem>>) semaphore(%run_scoped3A : memref<!tpu.dma_semaphore, #tpu.memory_space<semaphore_mem>>) {add = true}
        %dma_wait3A = arith.constant 0 : i32
        %dma_wait3A_47 = tpu.memref_slice %arg4[%scan3A_40, %dma_wait3A] : memref<125x80xi32, #tpu.memory_space<vmem>> -> memref<1x80xi32, #tpu.memory_space<vmem>>
        %dma_wait3A_48 = tpu.memref_squeeze %dma_wait3A_47 : memref<1x80xi32, #tpu.memory_space<vmem>> -> memref<80xi32, #tpu.memory_space<vmem>>
        %dma_wait3A_49 = arith.constant 0 : i32
        %dma_wait3A_50 = tpu.memref_slice %arg7[%dma_wait3A_49] : memref<10000xf32, #tpu.memory_space<vmem_shared>> -> memref<10000xf32, #tpu.memory_space<vmem_shared>>
        tpu.wait_indirect_dma semaphore(%run_scoped3A : memref<!tpu.dma_semaphore, #tpu.memory_space<semaphore_mem>>) src(%arg5 : memref<80xf32, #tpu.memory_space<vmem>>) dst(%dma_wait3A_50 : memref<10000xf32, #tpu.memory_space<vmem_shared>>)
        tpu.yield
      }) : () -> ()
      %scan3A_42 = arith.constant 0 : i32
      scf.yield %scan3A_42 : i32
    }
    %scan3A_26 = arith.constant 125 : i32
    %barrier3A_27 = arith.constant 0 : index
    tpu.barrier barrier_id(%barrier3A_27)
    %mul3A_28 = arith.constant 640 : i32
    %mul3A_29 = arith.muli %arg1, %mul3A_28 : i32
    %lt3A_30 = arith.constant 15 : i32
    %lt3A_31 = arith.cmpi slt, %arg1, %lt3A_30 : i32
    %convert_element_type3A_32 = arith.extui %lt3A_31 : i1 to i32
    %cond3A_33 = arith.constant 0 : i32
    %cond3A_34 = arith.cmpi ne, %convert_element_type3A_32, %cond3A_33 : i32
    scf.if %cond3A_34 {
      "tpu.region"() ({
        %run_scoped3A = tpu.sem_alloc : memref<!tpu.dma_semaphore, #tpu.memory_space<semaphore_mem>>
        %dma_start3A = tpu.memref_slice %arg7[%mul3A_29] : memref<10000xf32, #tpu.memory_space<vmem_shared>> -> memref<640xf32, #tpu.memory_space<vmem_shared>>
        %dma_start3A_43 = tpu.memref_slice %arg7[%mul3A_29] : memref<10000xf32, #tpu.memory_space<vmem_shared>> -> memref<640xf32, #tpu.memory_space<vmem_shared>>
        tpu.enqueue_dma source(%dma_start3A_43 : memref<640xf32, #tpu.memory_space<vmem_shared>>) target(%arg6 : memref<640xf32, #tpu.memory_space<vmem>>) target_semaphore(%run_scoped3A : memref<!tpu.dma_semaphore, #tpu.memory_space<semaphore_mem>>)
        %dma_wait3A = tpu.memref_slice %arg7[%mul3A_29] : memref<10000xf32, #tpu.memory_space<vmem_shared>> -> memref<640xf32, #tpu.memory_space<vmem_shared>>
        %dma_wait3A_44 = tpu.memref_slice %arg7[%mul3A_29] : memref<10000xf32, #tpu.memory_space<vmem_shared>> -> memref<640xf32, #tpu.memory_space<vmem_shared>>
        tpu.wait_dma2 semaphore(%run_scoped3A : memref<!tpu.dma_semaphore, #tpu.memory_space<semaphore_mem>>) src(%dma_wait3A_44 : memref<640xf32, #tpu.memory_space<vmem_shared>>) dst(%arg6 : memref<640xf32, #tpu.memory_space<vmem>>)
        tpu.yield
      }) : () -> ()
      %mul3A_40 = arith.constant 10000 : i32
      %mul3A_41 = arith.muli %arg0, %mul3A_40 : i32
      %add3A_42 = arith.addi %mul3A_41, %mul3A_29 : i32
      "tpu.region"() ({
        %run_scoped3A = tpu.sem_alloc : memref<!tpu.dma_semaphore, #tpu.memory_space<semaphore_mem>>
        %dma_start3A = tpu.memref_slice %arg3[%add3A_42] : memref<20000xf32, #tpu.memory_space<hbm>> -> memref<640xf32, #tpu.memory_space<hbm>>
        %dma_start3A_43 = tpu.memref_slice %arg3[%add3A_42] : memref<20000xf32, #tpu.memory_space<hbm>> -> memref<640xf32, #tpu.memory_space<hbm>>
        tpu.enqueue_dma source(%arg6 : memref<640xf32, #tpu.memory_space<vmem>>) target(%dma_start3A_43 : memref<640xf32, #tpu.memory_space<hbm>>) target_semaphore(%run_scoped3A : memref<!tpu.dma_semaphore, #tpu.memory_space<semaphore_mem>>)
        %dma_wait3A = tpu.memref_slice %arg3[%add3A_42] : memref<20000xf32, #tpu.memory_space<hbm>> -> memref<640xf32, #tpu.memory_space<hbm>>
        %dma_wait3A_44 = tpu.memref_slice %arg3[%add3A_42] : memref<20000xf32, #tpu.memory_space<hbm>> -> memref<640xf32, #tpu.memory_space<hbm>>
        tpu.wait_dma2 semaphore(%run_scoped3A : memref<!tpu.dma_semaphore, #tpu.memory_space<semaphore_mem>>) src(%arg6 : memref<640xf32, #tpu.memory_space<vmem>>) dst(%dma_wait3A_44 : memref<640xf32, #tpu.memory_space<hbm>>)
        tpu.yield
      }) : () -> ()
    } else {
    }
    %eq3A_35 = arith.constant 15 : i32
    %eq3A_36 = arith.cmpi eq, %arg1, %eq3A_35 : i32
    %convert_element_type3A_37 = arith.extui %eq3A_36 : i1 to i32
    %cond3A_38 = arith.constant 0 : i32
    %cond3A_39 = arith.cmpi ne, %convert_element_type3A_37, %cond3A_38 : i32
    scf.if %cond3A_39 {
      "tpu.region"() ({
        %run_scoped3A = tpu.sem_alloc : memref<!tpu.dma_semaphore, #tpu.memory_space<semaphore_mem>>
        %dma_start3A = arith.constant 0 : i32
        %dma_start3A_43 = tpu.memref_slice %arg6[%dma_start3A] : memref<640xf32, #tpu.memory_space<vmem>> -> memref<400xf32, #tpu.memory_space<vmem>>
        %dma_start3A_44 = tpu.memref_slice %arg7[%mul3A_29] : memref<10000xf32, #tpu.memory_space<vmem_shared>> -> memref<400xf32, #tpu.memory_space<vmem_shared>>
        %dma_start3A_45 = arith.constant 0 : i32
        %dma_start3A_46 = tpu.memref_slice %arg6[%dma_start3A_45] : memref<640xf32, #tpu.memory_space<vmem>> -> memref<400xf32, #tpu.memory_space<vmem>>
        %dma_start3A_47 = tpu.memref_slice %arg7[%mul3A_29] : memref<10000xf32, #tpu.memory_space<vmem_shared>> -> memref<400xf32, #tpu.memory_space<vmem_shared>>
        tpu.enqueue_dma source(%dma_start3A_47 : memref<400xf32, #tpu.memory_space<vmem_shared>>) target(%dma_start3A_46 : memref<400xf32, #tpu.memory_space<vmem>>) target_semaphore(%run_scoped3A : memref<!tpu.dma_semaphore, #tpu.memory_space<semaphore_mem>>)
        %dma_wait3A = arith.constant 0 : i32
        %dma_wait3A_48 = tpu.memref_slice %arg6[%dma_wait3A] : memref<640xf32, #tpu.memory_space<vmem>> -> memref<400xf32, #tpu.memory_space<vmem>>
        %dma_wait3A_49 = tpu.memref_slice %arg7[%mul3A_29] : memref<10000xf32, #tpu.memory_space<vmem_shared>> -> memref<400xf32, #tpu.memory_space<vmem_shared>>
        %dma_wait3A_50 = arith.constant 0 : i32
        %dma_wait3A_51 = tpu.memref_slice %arg6[%dma_wait3A_50] : memref<640xf32, #tpu.memory_space<vmem>> -> memref<400xf32, #tpu.memory_space<vmem>>
        %dma_wait3A_52 = tpu.memref_slice %arg7[%mul3A_29] : memref<10000xf32, #tpu.memory_space<vmem_shared>> -> memref<400xf32, #tpu.memory_space<vmem_shared>>
        tpu.wait_dma2 semaphore(%run_scoped3A : memref<!tpu.dma_semaphore, #tpu.memory_space<semaphore_mem>>) src(%dma_wait3A_52 : memref<400xf32, #tpu.memory_space<vmem_shared>>) dst(%dma_wait3A_51 : memref<400xf32, #tpu.memory_space<vmem>>)
        tpu.yield
      }) : () -> ()
      %mul3A_40 = arith.constant 10000 : i32
      %mul3A_41 = arith.muli %arg0, %mul3A_40 : i32
      %add3A_42 = arith.addi %mul3A_41, %mul3A_29 : i32
      "tpu.region"() ({
        %run_scoped3A = tpu.sem_alloc : memref<!tpu.dma_semaphore, #tpu.memory_space<semaphore_mem>>
        %dma_start3A = arith.constant 0 : i32
        %dma_start3A_43 = tpu.memref_slice %arg6[%dma_start3A] : memref<640xf32, #tpu.memory_space<vmem>> -> memref<400xf32, #tpu.memory_space<vmem>>
        %dma_start3A_44 = tpu.memref_slice %arg3[%add3A_42] : memref<20000xf32, #tpu.memory_space<hbm>> -> memref<400xf32, #tpu.memory_space<hbm>>
        %dma_start3A_45 = tpu.memref_slice %arg3[%add3A_42] : memref<20000xf32, #tpu.memory_space<hbm>> -> memref<400xf32, #tpu.memory_space<hbm>>
        %dma_start3A_46 = arith.constant 0 : i32
        %dma_start3A_47 = tpu.memref_slice %arg6[%dma_start3A_46] : memref<640xf32, #tpu.memory_space<vmem>> -> memref<400xf32, #tpu.memory_space<vmem>>
        tpu.enqueue_dma source(%dma_start3A_47 : memref<400xf32, #tpu.memory_space<vmem>>) target(%dma_start3A_45 : memref<400xf32, #tpu.memory_space<hbm>>) target_semaphore(%run_scoped3A : memref<!tpu.dma_semaphore, #tpu.memory_space<semaphore_mem>>)
        %dma_wait3A = arith.constant 0 : i32
        %dma_wait3A_48 = tpu.memref_slice %arg6[%dma_wait3A] : memref<640xf32, #tpu.memory_space<vmem>> -> memref<400xf32, #tpu.memory_space<vmem>>
        %dma_wait3A_49 = tpu.memref_slice %arg3[%add3A_42] : memref<20000xf32, #tpu.memory_space<hbm>> -> memref<400xf32, #tpu.memory_space<hbm>>
        %dma_wait3A_50 = tpu.memref_slice %arg3[%add3A_42] : memref<20000xf32, #tpu.memory_space<hbm>> -> memref<400xf32, #tpu.memory_space<hbm>>
        %dma_wait3A_51 = arith.constant 0 : i32
        %dma_wait3A_52 = tpu.memref_slice %arg6[%dma_wait3A_51] : memref<640xf32, #tpu.memory_space<vmem>> -> memref<400xf32, #tpu.memory_space<vmem>>
        tpu.wait_dma2 semaphore(%run_scoped3A : memref<!tpu.dma_semaphore, #tpu.memory_space<semaphore_mem>>) src(%dma_wait3A_52 : memref<400xf32, #tpu.memory_space<vmem>>) dst(%dma_wait3A_50 : memref<400xf32, #tpu.memory_space<hbm>>)
        tpu.yield
      }) : () -> ()
    } else {
    }
    return
  }
}

#map = affine_map<(d0, d1) -> (0, 0)>
#map1 = affine_map<(d0, d1) -> (0)>
#map2 = affine_map<(d0, d1) -> (0, 0, 0, 0)>
module attributes {stable_mosaic.version = 14 : i64} {
  func.func @_agg2_kernel(%arg0: i32, %arg1: i32, %arg2: memref<10000x128xf32, #tpu.memory_space<hbm>>, %arg3: memref<10000x128xf32, #tpu.memory_space<hbm>>, %arg4: memref<320000xi32, #tpu.memory_space<hbm>>, %arg5: memref<320000xi32, #tpu.memory_space<hbm>>, %arg6: memref<2x2x10000x128xf32, #tpu.memory_space<hbm>>, %arg7: memref<10000xi32, #tpu.memory_space<vmem>>, %arg8: memref<80x128xf32, #tpu.memory_space<vmem>>, %arg9: memref<80x128xf32, #tpu.memory_space<vmem>>, %arg10: memref<80x128xf32, #tpu.memory_space<vmem>>, %arg11: memref<80xi32, #tpu.memory_space<vmem>>, %arg12: memref<80xi32, #tpu.memory_space<vmem>>, %arg13: memref<80xi32, #tpu.memory_space<vmem>>, %arg14: memref<10000x128xf32, #tpu.memory_space<vmem_shared>>, %arg15: memref<!tpu.dma_semaphore, #tpu.memory_space<semaphore_mem>>, %arg16: memref<!tpu.dma_semaphore, #tpu.memory_space<semaphore_mem>>, %arg17: memref<!tpu.dma_semaphore, #tpu.memory_space<semaphore_mem>>, %arg18: memref<!tpu.dma_semaphore, #tpu.memory_space<semaphore_mem>>, %arg19: memref<!tpu.dma_semaphore, #tpu.memory_space<semaphore_mem>>, %arg20: memref<!tpu.dma_semaphore, #tpu.memory_space<semaphore_mem>>, %arg21: memref<!tpu.dma_semaphore, #tpu.memory_space<semaphore_mem>>, %arg22: memref<!tpu.dma_semaphore, #tpu.memory_space<semaphore_mem>>, %arg23: memref<!tpu.dma_semaphore, #tpu.memory_space<semaphore_mem>>) attributes {dimension_semantics = [#tpu.dimension_semantics<core_parallel>, #tpu.dimension_semantics<subcore_parallel>], iteration_bounds = array<i64: 2, 16>, scalar_prefetch = 0 : i64, scratch_operands = 17 : i64, tpu.core_type = #tpu.core_type<sc_vector_subcore>, window_params = [{transform_indices = #map}, {transform_indices = #map}, {transform_indices = #map1}, {transform_indices = #map1}, {transform_indices = #map2}]} {
    %mul3A = arith.constant 2 : i32
    %mul3A_0 = arith.muli %arg1, %mul3A : i32
    %add3A = arith.addi %mul3A_0, %arg0 : i32
    %mul3A_1 = arith.constant 10000 : i32
    %mul3A_2 = arith.muli %add3A, %mul3A_1 : i32
    "tpu.region"() ({
      %run_scoped3A = tpu.sem_alloc : memref<!tpu.dma_semaphore, #tpu.memory_space<semaphore_mem>>
      %dma_start3A_207 = tpu.memref_slice %arg4[%mul3A_2] : memref<320000xi32, #tpu.memory_space<hbm>> -> memref<10000xi32, #tpu.memory_space<hbm>>
      %dma_start3A_208 = tpu.memref_slice %arg4[%mul3A_2] : memref<320000xi32, #tpu.memory_space<hbm>> -> memref<10000xi32, #tpu.memory_space<hbm>>
      tpu.enqueue_dma source(%dma_start3A_208 : memref<10000xi32, #tpu.memory_space<hbm>>) target(%arg7 : memref<10000xi32, #tpu.memory_space<vmem>>) target_semaphore(%run_scoped3A : memref<!tpu.dma_semaphore, #tpu.memory_space<semaphore_mem>>)
      %dma_wait3A_209 = tpu.memref_slice %arg4[%mul3A_2] : memref<320000xi32, #tpu.memory_space<hbm>> -> memref<10000xi32, #tpu.memory_space<hbm>>
      %dma_wait3A_210 = tpu.memref_slice %arg4[%mul3A_2] : memref<320000xi32, #tpu.memory_space<hbm>> -> memref<10000xi32, #tpu.memory_space<hbm>>
      tpu.wait_dma2 semaphore(%run_scoped3A : memref<!tpu.dma_semaphore, #tpu.memory_space<semaphore_mem>>) src(%dma_wait3A_210 : memref<10000xi32, #tpu.memory_space<hbm>>) dst(%arg7 : memref<10000xi32, #tpu.memory_space<vmem>>)
      tpu.yield
    }) : () -> ()
    %mul3A_3 = arith.constant 640 : i32
    %mul3A_4 = arith.muli %arg1, %mul3A_3 : i32
    %lt3A = arith.constant 15 : i32
    %lt3A_5 = arith.cmpi slt, %arg1, %lt3A : i32
    %jit3A = arith.constant 8 : i32
    %jit3A_6 = arith.constant 5 : i32
    %select_n3A = arith.select %lt3A_5, %jit3A, %jit3A_6 : i32
    %scan3A = arith.constant 0 : i32
    %scan3A_7 = arith.constant 0 : i32
    %scan3A_8 = arith.constant 80 : i32
    %scan3A_9 = arith.addi %scan3A_7, %scan3A_8 : i32
    %scan3A_10 = arith.constant 1 : i32
    %scan3A_11 = scf.for %scan3A_207 = %scan3A_7 to %scan3A_9 step %scan3A_10 iter_args(%scan3A_208 = %scan3A) -> (i32)  : i32 {
      %scan3A_209 = arith.constant 0 : i32
      %scan3A_210 = arith.constant 0 : i32
      %scan3A_211 = arith.constant 8 : i32
      %scan3A_212 = arith.addi %scan3A_210, %scan3A_211 : i32
      %scan3A_213 = arith.constant 1 : i32
      %scan3A_214 = scf.for %scan3A_217 = %scan3A_210 to %scan3A_212 step %scan3A_213 iter_args(%scan3A_218 = %scan3A_209) -> (i32)  : i32 {
        %broadcast_in_dim3A = arith.constant 0.000000e+00 : f32
        %broadcast_in_dim3A_219 = vector.broadcast %broadcast_in_dim3A : f32 to vector<16xf32>
        %mul3A_220 = arith.constant 16 : i32
        %mul3A_221 = arith.muli %scan3A_217, %mul3A_220 : i32
        %swap3A = arith.index_cast %scan3A_207 : i32 to index
        %swap3A_222 = arith.index_cast %mul3A_221 : i32 to index
        %swap3A_223 = tpu.vector_load %arg8[%swap3A, %swap3A_222] {strides = array<i32>} : memref<80x128xf32, #tpu.memory_space<vmem>>, vector<1x16xf32>,
        %swap3A_224 = vector.shape_cast %swap3A_223 : vector<1x16xf32> to vector<16xf32>
        %swap3A_225 = vector.shape_cast %broadcast_in_dim3A_219 : vector<16xf32> to vector<1x16xf32>
        tpu.vector_store %arg8[%swap3A, %swap3A_222], %swap3A_225 {strides = array<i32>} : memref<80x128xf32, #tpu.memory_space<vmem>>, vector<1x16xf32>,
        %scan3A_226 = arith.constant 0 : i32
        scf.yield %scan3A_226 : i32
      }
      %scan3A_215 = arith.constant 8 : i32
      %scan3A_216 = arith.constant 0 : i32
      scf.yield %scan3A_216 : i32
    }
    %scan3A_12 = arith.constant 80 : i32
    %while3A = arith.constant 0 : i32
    %while3A_13 = arith.constant 0 : i32
    %while3A_14 = arith.subi %select_n3A, %while3A : i32
    %while3A_15 = arith.addi %while3A, %while3A_14 : i32
    %while3A_16 = arith.constant 1 : i32
    %while3A_17 = arith.divsi %while3A_14, %while3A_16 : i32
    %while3A_18 = arith.muli %while3A_17, %while3A_16 : i32
    %while3A_19 = arith.addi %while3A, %while3A_18 : i32
    %while3A_20 = arith.constant 1 : i32
    %while3A_21 = scf.for %while3A_207 = %while3A to %while3A_19 step %while3A_20 iter_args(%while3A_208 = %while3A_13) -> (i32)  : i32 {
      %mul3A_209 = arith.constant 80 : i32
      %mul3A_210 = arith.muli %while3A_207, %mul3A_209 : i32
      %add3A_211 = arith.addi %mul3A_4, %mul3A_210 : i32
      "tpu.region"() ({
        %run_scoped3A = tpu.sem_alloc : memref<!tpu.dma_semaphore, #tpu.memory_space<semaphore_mem>>
        %dma_start3A_213 = arith.constant 0 : i32
        %dma_start3A_214 = tpu.memref_slice %arg14[%add3A_211, %dma_start3A_213] : memref<10000x128xf32, #tpu.memory_space<vmem_shared>> -> memref<80x128xf32, #tpu.memory_space<vmem_shared>>
        %dma_start3A_215 = arith.constant 0 : i32
        %dma_start3A_216 = tpu.memref_slice %arg14[%add3A_211, %dma_start3A_215] : memref<10000x128xf32, #tpu.memory_space<vmem_shared>> -> memref<80x128xf32, #tpu.memory_space<vmem_shared>>
        tpu.enqueue_dma source(%arg8 : memref<80x128xf32, #tpu.memory_space<vmem>>) target(%dma_start3A_216 : memref<80x128xf32, #tpu.memory_space<vmem_shared>>) target_semaphore(%run_scoped3A : memref<!tpu.dma_semaphore, #tpu.memory_space<semaphore_mem>>)
        %dma_wait3A_217 = arith.constant 0 : i32
        %dma_wait3A_218 = tpu.memref_slice %arg14[%add3A_211, %dma_wait3A_217] : memref<10000x128xf32, #tpu.memory_space<vmem_shared>> -> memref<80x128xf32, #tpu.memory_space<vmem_shared>>
        %dma_wait3A_219 = arith.constant 0 : i32
        %dma_wait3A_220 = tpu.memref_slice %arg14[%add3A_211, %dma_wait3A_219] : memref<10000x128xf32, #tpu.memory_space<vmem_shared>> -> memref<80x128xf32, #tpu.memory_space<vmem_shared>>
        tpu.wait_dma2 semaphore(%run_scoped3A : memref<!tpu.dma_semaphore, #tpu.memory_space<semaphore_mem>>) src(%arg8 : memref<80x128xf32, #tpu.memory_space<vmem>>) dst(%dma_wait3A_220 : memref<80x128xf32, #tpu.memory_space<vmem_shared>>)
        tpu.yield
      }) : () -> ()
      %while3A_212 = arith.constant 0 : i32
      scf.yield %while3A_212 : i32
    }
    %while3A_22 = arith.constant 1 : i32
    %while3A_23 = scf.for %while3A_207 = %while3A_19 to %while3A_15 step %while3A_22 iter_args(%while3A_208 = %while3A_21) -> (i32)  : i32 {
      %mul3A_209 = arith.constant 80 : i32
      %mul3A_210 = arith.muli %while3A_207, %mul3A_209 : i32
      %add3A_211 = arith.addi %mul3A_4, %mul3A_210 : i32
      "tpu.region"() ({
        %run_scoped3A = tpu.sem_alloc : memref<!tpu.dma_semaphore, #tpu.memory_space<semaphore_mem>>
        %dma_start3A_213 = arith.constant 0 : i32
        %dma_start3A_214 = tpu.memref_slice %arg14[%add3A_211, %dma_start3A_213] : memref<10000x128xf32, #tpu.memory_space<vmem_shared>> -> memref<80x128xf32, #tpu.memory_space<vmem_shared>>
        %dma_start3A_215 = arith.constant 0 : i32
        %dma_start3A_216 = tpu.memref_slice %arg14[%add3A_211, %dma_start3A_215] : memref<10000x128xf32, #tpu.memory_space<vmem_shared>> -> memref<80x128xf32, #tpu.memory_space<vmem_shared>>
        tpu.enqueue_dma source(%arg8 : memref<80x128xf32, #tpu.memory_space<vmem>>) target(%dma_start3A_216 : memref<80x128xf32, #tpu.memory_space<vmem_shared>>) target_semaphore(%run_scoped3A : memref<!tpu.dma_semaphore, #tpu.memory_space<semaphore_mem>>)
        %dma_wait3A_217 = arith.constant 0 : i32
        %dma_wait3A_218 = tpu.memref_slice %arg14[%add3A_211, %dma_wait3A_217] : memref<10000x128xf32, #tpu.memory_space<vmem_shared>> -> memref<80x128xf32, #tpu.memory_space<vmem_shared>>
        %dma_wait3A_219 = arith.constant 0 : i32
        %dma_wait3A_220 = tpu.memref_slice %arg14[%add3A_211, %dma_wait3A_219] : memref<10000x128xf32, #tpu.memory_space<vmem_shared>> -> memref<80x128xf32, #tpu.memory_space<vmem_shared>>
        tpu.wait_dma2 semaphore(%run_scoped3A : memref<!tpu.dma_semaphore, #tpu.memory_space<semaphore_mem>>) src(%arg8 : memref<80x128xf32, #tpu.memory_space<vmem>>) dst(%dma_wait3A_220 : memref<80x128xf32, #tpu.memory_space<vmem_shared>>)
        tpu.yield
      }) : () -> ()
      %while3A_212 = arith.constant 0 : i32
      scf.yield %while3A_212 : i32
    }
    %barrier3A = arith.constant 0 : index
    tpu.barrier barrier_id(%barrier3A)
    %mul3A_24 = arith.constant 10000 : i32
    %mul3A_25 = arith.muli %add3A, %mul3A_24 : i32
    %dma_start3A = arith.constant 0 : i32
    %dma_start3A_26 = tpu.memref_slice %arg7[%dma_start3A] : memref<10000xi32, #tpu.memory_space<vmem>> -> memref<80xi32, #tpu.memory_space<vmem>>
    %dma_start3A_27 = arith.constant 0 : i32
    %dma_start3A_28 = arith.constant 0 : i32
    %dma_start3A_29 = tpu.memref_slice %arg2[%dma_start3A_27, %dma_start3A_28] : memref<10000x128xf32, #tpu.memory_space<hbm>> -> memref<10000x128xf32, #tpu.memory_space<hbm>>
    tpu.enqueue_indirect_dma source(%dma_start3A_29 : memref<10000x128xf32, #tpu.memory_space<hbm>>) target(%arg8 : memref<80x128xf32, #tpu.memory_space<vmem>>) offsets(%dma_start3A_26 : memref<80xi32, #tpu.memory_space<vmem>>) semaphore(%arg15 : memref<!tpu.dma_semaphore, #tpu.memory_space<semaphore_mem>>)
    %add3A_30 = arith.constant 0 : i32
    %add3A_31 = arith.addi %mul3A_25, %add3A_30 : i32
    %dma_start3A_32 = tpu.memref_slice %arg5[%add3A_31] : memref<320000xi32, #tpu.memory_space<hbm>> -> memref<80xi32, #tpu.memory_space<hbm>>
    %dma_start3A_33 = tpu.memref_slice %arg5[%add3A_31] : memref<320000xi32, #tpu.memory_space<hbm>> -> memref<80xi32, #tpu.memory_space<hbm>>
    tpu.enqueue_dma source(%dma_start3A_33 : memref<80xi32, #tpu.memory_space<hbm>>) target(%arg11 : memref<80xi32, #tpu.memory_space<vmem>>) target_semaphore(%arg21 : memref<!tpu.dma_semaphore, #tpu.memory_space<semaphore_mem>>)
    %dma_start3A_34 = arith.constant 80 : i32
    %dma_start3A_35 = tpu.memref_slice %arg7[%dma_start3A_34] : memref<10000xi32, #tpu.memory_space<vmem>> -> memref<80xi32, #tpu.memory_space<vmem>>
    %dma_start3A_36 = arith.constant 0 : i32
    %dma_start3A_37 = arith.constant 0 : i32
    %dma_start3A_38 = tpu.memref_slice %arg2[%dma_start3A_36, %dma_start3A_37] : memref<10000x128xf32, #tpu.memory_space<hbm>> -> memref<10000x128xf32, #tpu.memory_space<hbm>>
    tpu.enqueue_indirect_dma source(%dma_start3A_38 : memref<10000x128xf32, #tpu.memory_space<hbm>>) target(%arg9 : memref<80x128xf32, #tpu.memory_space<vmem>>) offsets(%dma_start3A_35 : memref<80xi32, #tpu.memory_space<vmem>>) semaphore(%arg16 : memref<!tpu.dma_semaphore, #tpu.memory_space<semaphore_mem>>)
    %add3A_39 = arith.constant 80 : i32
    %add3A_40 = arith.addi %mul3A_25, %add3A_39 : i32
    %dma_start3A_41 = tpu.memref_slice %arg5[%add3A_40] : memref<320000xi32, #tpu.memory_space<hbm>> -> memref<80xi32, #tpu.memory_space<hbm>>
    %dma_start3A_42 = tpu.memref_slice %arg5[%add3A_40] : memref<320000xi32, #tpu.memory_space<hbm>> -> memref<80xi32, #tpu.memory_space<hbm>>
    tpu.enqueue_dma source(%dma_start3A_42 : memref<80xi32, #tpu.memory_space<hbm>>) target(%arg12 : memref<80xi32, #tpu.memory_space<vmem>>) target_semaphore(%arg22 : memref<!tpu.dma_semaphore, #tpu.memory_space<semaphore_mem>>)
    %dma_start3A_43 = arith.constant 160 : i32
    %dma_start3A_44 = tpu.memref_slice %arg7[%dma_start3A_43] : memref<10000xi32, #tpu.memory_space<vmem>> -> memref<80xi32, #tpu.memory_space<vmem>>
    %dma_start3A_45 = arith.constant 0 : i32
    %dma_start3A_46 = arith.constant 0 : i32
    %dma_start3A_47 = tpu.memref_slice %arg2[%dma_start3A_45, %dma_start3A_46] : memref<10000x128xf32, #tpu.memory_space<hbm>> -> memref<10000x128xf32, #tpu.memory_space<hbm>>
    tpu.enqueue_indirect_dma source(%dma_start3A_47 : memref<10000x128xf32, #tpu.memory_space<hbm>>) target(%arg10 : memref<80x128xf32, #tpu.memory_space<vmem>>) offsets(%dma_start3A_44 : memref<80xi32, #tpu.memory_space<vmem>>) semaphore(%arg17 : memref<!tpu.dma_semaphore, #tpu.memory_space<semaphore_mem>>)
    %add3A_48 = arith.constant 160 : i32
    %add3A_49 = arith.addi %mul3A_25, %add3A_48 : i32
    %dma_start3A_50 = tpu.memref_slice %arg5[%add3A_49] : memref<320000xi32, #tpu.memory_space<hbm>> -> memref<80xi32, #tpu.memory_space<hbm>>
    %dma_start3A_51 = tpu.memref_slice %arg5[%add3A_49] : memref<320000xi32, #tpu.memory_space<hbm>> -> memref<80xi32, #tpu.memory_space<hbm>>
    tpu.enqueue_dma source(%dma_start3A_51 : memref<80xi32, #tpu.memory_space<hbm>>) target(%arg13 : memref<80xi32, #tpu.memory_space<vmem>>) target_semaphore(%arg23 : memref<!tpu.dma_semaphore, #tpu.memory_space<semaphore_mem>>)
    %scan3A_52 = arith.constant 0 : i32
    %scan3A_53 = arith.constant 0 : i32
    %scan3A_54 = arith.constant 41 : i32
    %scan3A_55 = arith.addi %scan3A_53, %scan3A_54 : i32
    %scan3A_56 = arith.constant 1 : i32
    %scan3A_57 = scf.for %scan3A_207 = %scan3A_53 to %scan3A_55 step %scan3A_56 iter_args(%scan3A_208 = %scan3A_52) -> (i32)  : i32 {
      %mul3A_209 = arith.constant 3 : i32
      %mul3A_210 = arith.muli %mul3A_209, %scan3A_207 : i32
      %mul3A_211 = arith.constant 80 : i32
      %mul3A_212 = arith.muli %mul3A_210, %mul3A_211 : i32
      %dma_wait3A_213 = tpu.memref_slice %arg7[%mul3A_212] : memref<10000xi32, #tpu.memory_space<vmem>> -> memref<80xi32, #tpu.memory_space<vmem>>
      %dma_wait3A_214 = arith.constant 0 : i32
      %dma_wait3A_215 = arith.constant 0 : i32
      %dma_wait3A_216 = tpu.memref_slice %arg2[%dma_wait3A_214, %dma_wait3A_215] : memref<10000x128xf32, #tpu.memory_space<hbm>> -> memref<10000x128xf32, #tpu.memory_space<hbm>>
      tpu.wait_indirect_dma semaphore(%arg15 : memref<!tpu.dma_semaphore, #tpu.memory_space<semaphore_mem>>) src(%dma_wait3A_216 : memref<10000x128xf32, #tpu.memory_space<hbm>>) dst(%arg8 : memref<80x128xf32, #tpu.memory_space<vmem>>)
      %mul3A_217 = arith.constant 80 : i32
      %mul3A_218 = arith.muli %mul3A_210, %mul3A_217 : i32
      %add3A_219 = arith.addi %mul3A_25, %mul3A_218 : i32
      %dma_wait3A_220 = tpu.memref_slice %arg5[%add3A_219] : memref<320000xi32, #tpu.memory_space<hbm>> -> memref<80xi32, #tpu.memory_space<hbm>>
      %dma_wait3A_221 = tpu.memref_slice %arg5[%add3A_219] : memref<320000xi32, #tpu.memory_space<hbm>> -> memref<80xi32, #tpu.memory_space<hbm>>
      tpu.wait_dma2 semaphore(%arg21 : memref<!tpu.dma_semaphore, #tpu.memory_space<semaphore_mem>>) src(%dma_wait3A_221 : memref<80xi32, #tpu.memory_space<hbm>>) dst(%arg11 : memref<80xi32, #tpu.memory_space<vmem>>)
      %dma_start3A_222 = arith.constant 0 : i32
      %dma_start3A_223 = arith.constant 0 : i32
      %dma_start3A_224 = tpu.memref_slice %arg14[%dma_start3A_222, %dma_start3A_223] : memref<10000x128xf32, #tpu.memory_space<vmem_shared>> -> memref<10000x128xf32, #tpu.memory_space<vmem_shared>>
      tpu.enqueue_indirect_dma source(%arg8 : memref<80x128xf32, #tpu.memory_space<vmem>>) target(%dma_start3A_224 : memref<10000x128xf32, #tpu.memory_space<vmem_shared>>) offsets(%arg11 : memref<80xi32, #tpu.memory_space<vmem>>) semaphore(%arg18 : memref<!tpu.dma_semaphore, #tpu.memory_space<semaphore_mem>>) {add = true}
      %add3A_225 = arith.constant 1 : i32
      %add3A_226 = arith.addi %mul3A_210, %add3A_225 : i32
      %mul3A_227 = arith.constant 80 : i32
      %mul3A_228 = arith.muli %add3A_226, %mul3A_227 : i32
      %dma_wait3A_229 = tpu.memref_slice %arg7[%mul3A_228] : memref<10000xi32, #tpu.memory_space<vmem>> -> memref<80xi32, #tpu.memory_space<vmem>>
      %dma_wait3A_230 = arith.constant 0 : i32
      %dma_wait3A_231 = arith.constant 0 : i32
      %dma_wait3A_232 = tpu.memref_slice %arg2[%dma_wait3A_230, %dma_wait3A_231] : memref<10000x128xf32, #tpu.memory_space<hbm>> -> memref<10000x128xf32, #tpu.memory_space<hbm>>
      tpu.wait_indirect_dma semaphore(%arg16 : memref<!tpu.dma_semaphore, #tpu.memory_space<semaphore_mem>>) src(%dma_wait3A_232 : memref<10000x128xf32, #tpu.memory_space<hbm>>) dst(%arg9 : memref<80x128xf32, #tpu.memory_space<vmem>>)
      %mul3A_233 = arith.constant 80 : i32
      %mul3A_234 = arith.muli %add3A_226, %mul3A_233 : i32
      %add3A_235 = arith.addi %mul3A_25, %mul3A_234 : i32
      %dma_wait3A_236 = tpu.memref_slice %arg5[%add3A_235] : memref<320000xi32, #tpu.memory_space<hbm>> -> memref<80xi32, #tpu.memory_space<hbm>>
      %dma_wait3A_237 = tpu.memref_slice %arg5[%add3A_235] : memref<320000xi32, #tpu.memory_space<hbm>> -> memref<80xi32, #tpu.memory_space<hbm>>
      tpu.wait_dma2 semaphore(%arg22 : memref<!tpu.dma_semaphore, #tpu.memory_space<semaphore_mem>>) src(%dma_wait3A_237 : memref<80xi32, #tpu.memory_space<hbm>>) dst(%arg12 : memref<80xi32, #tpu.memory_space<vmem>>)
      %dma_start3A_238 = arith.constant 0 : i32
      %dma_start3A_239 = arith.constant 0 : i32
      %dma_start3A_240 = tpu.memref_slice %arg14[%dma_start3A_238, %dma_start3A_239] : memref<10000x128xf32, #tpu.memory_space<vmem_shared>> -> memref<10000x128xf32, #tpu.memory_space<vmem_shared>>
      tpu.enqueue_indirect_dma source(%arg9 : memref<80x128xf32, #tpu.memory_space<vmem>>) target(%dma_start3A_240 : memref<10000x128xf32, #tpu.memory_space<vmem_shared>>) offsets(%arg12 : memref<80xi32, #tpu.memory_space<vmem>>) semaphore(%arg19 : memref<!tpu.dma_semaphore, #tpu.memory_space<semaphore_mem>>) {add = true}
      %add3A_241 = arith.constant 2 : i32
      %add3A_242 = arith.addi %mul3A_210, %add3A_241 : i32
      %mul3A_243 = arith.constant 80 : i32
      %mul3A_244 = arith.muli %add3A_242, %mul3A_243 : i32
      %dma_wait3A_245 = tpu.memref_slice %arg7[%mul3A_244] : memref<10000xi32, #tpu.memory_space<vmem>> -> memref<80xi32, #tpu.memory_space<vmem>>
      %dma_wait3A_246 = arith.constant 0 : i32
      %dma_wait3A_247 = arith.constant 0 : i32
      %dma_wait3A_248 = tpu.memref_slice %arg2[%dma_wait3A_246, %dma_wait3A_247] : memref<10000x128xf32, #tpu.memory_space<hbm>> -> memref<10000x128xf32, #tpu.memory_space<hbm>>
      tpu.wait_indirect_dma semaphore(%arg17 : memref<!tpu.dma_semaphore, #tpu.memory_space<semaphore_mem>>) src(%dma_wait3A_248 : memref<10000x128xf32, #tpu.memory_space<hbm>>) dst(%arg10 : memref<80x128xf32, #tpu.memory_space<vmem>>)
      %mul3A_249 = arith.constant 80 : i32
      %mul3A_250 = arith.muli %add3A_242, %mul3A_249 : i32
      %add3A_251 = arith.addi %mul3A_25, %mul3A_250 : i32
      %dma_wait3A_252 = tpu.memref_slice %arg5[%add3A_251] : memref<320000xi32, #tpu.memory_space<hbm>> -> memref<80xi32, #tpu.memory_space<hbm>>
      %dma_wait3A_253 = tpu.memref_slice %arg5[%add3A_251] : memref<320000xi32, #tpu.memory_space<hbm>> -> memref<80xi32, #tpu.memory_space<hbm>>
      tpu.wait_dma2 semaphore(%arg23 : memref<!tpu.dma_semaphore, #tpu.memory_space<semaphore_mem>>) src(%dma_wait3A_253 : memref<80xi32, #tpu.memory_space<hbm>>) dst(%arg13 : memref<80xi32, #tpu.memory_space<vmem>>)
      %dma_start3A_254 = arith.constant 0 : i32
      %dma_start3A_255 = arith.constant 0 : i32
      %dma_start3A_256 = tpu.memref_slice %arg14[%dma_start3A_254, %dma_start3A_255] : memref<10000x128xf32, #tpu.memory_space<vmem_shared>> -> memref<10000x128xf32, #tpu.memory_space<vmem_shared>>
      tpu.enqueue_indirect_dma source(%arg10 : memref<80x128xf32, #tpu.memory_space<vmem>>) target(%dma_start3A_256 : memref<10000x128xf32, #tpu.memory_space<vmem_shared>>) offsets(%arg13 : memref<80xi32, #tpu.memory_space<vmem>>) semaphore(%arg20 : memref<!tpu.dma_semaphore, #tpu.memory_space<semaphore_mem>>) {add = true}
      %dma_wait3A_257 = arith.constant 0 : i32
      %dma_wait3A_258 = arith.constant 0 : i32
      %dma_wait3A_259 = tpu.memref_slice %arg14[%dma_wait3A_257, %dma_wait3A_258] : memref<10000x128xf32, #tpu.memory_space<vmem_shared>> -> memref<10000x128xf32, #tpu.memory_space<vmem_shared>>
      tpu.wait_indirect_dma semaphore(%arg18 : memref<!tpu.dma_semaphore, #tpu.memory_space<semaphore_mem>>) src(%arg8 : memref<80x128xf32, #tpu.memory_space<vmem>>) dst(%dma_wait3A_259 : memref<10000x128xf32, #tpu.memory_space<vmem_shared>>)
      %add3A_260 = arith.constant 3 : i32
      %add3A_261 = arith.addi %mul3A_210, %add3A_260 : i32
      %mul3A_262 = arith.constant 80 : i32
      %mul3A_263 = arith.muli %add3A_261, %mul3A_262 : i32
      %dma_start3A_264 = tpu.memref_slice %arg7[%mul3A_263] : memref<10000xi32, #tpu.memory_space<vmem>> -> memref<80xi32, #tpu.memory_space<vmem>>
      %dma_start3A_265 = arith.constant 0 : i32
      %dma_start3A_266 = arith.constant 0 : i32
      %dma_start3A_267 = tpu.memref_slice %arg2[%dma_start3A_265, %dma_start3A_266] : memref<10000x128xf32, #tpu.memory_space<hbm>> -> memref<10000x128xf32, #tpu.memory_space<hbm>>
      tpu.enqueue_indirect_dma source(%dma_start3A_267 : memref<10000x128xf32, #tpu.memory_space<hbm>>) target(%arg8 : memref<80x128xf32, #tpu.memory_space<vmem>>) offsets(%dma_start3A_264 : memref<80xi32, #tpu.memory_space<vmem>>) semaphore(%arg15 : memref<!tpu.dma_semaphore, #tpu.memory_space<semaphore_mem>>)
      %mul3A_268 = arith.constant 80 : i32
      %mul3A_269 = arith.muli %add3A_261, %mul3A_268 : i32
      %add3A_270 = arith.addi %mul3A_25, %mul3A_269 : i32
      %dma_start3A_271 = tpu.memref_slice %arg5[%add3A_270] : memref<320000xi32, #tpu.memory_space<hbm>> -> memref<80xi32, #tpu.memory_space<hbm>>
      %dma_start3A_272 = tpu.memref_slice %arg5[%add3A_270] : memref<320000xi32, #tpu.memory_space<hbm>> -> memref<80xi32, #tpu.memory_space<hbm>>
      tpu.enqueue_dma source(%dma_start3A_272 : memref<80xi32, #tpu.memory_space<hbm>>) target(%arg11 : memref<80xi32, #tpu.memory_space<vmem>>) target_semaphore(%arg21 : memref<!tpu.dma_semaphore, #tpu.memory_space<semaphore_mem>>)
      %dma_wait3A_273 = arith.constant 0 : i32
      %dma_wait3A_274 = arith.constant 0 : i32
      %dma_wait3A_275 = tpu.memref_slice %arg14[%dma_wait3A_273, %dma_wait3A_274] : memref<10000x128xf32, #tpu.memory_space<vmem_shared>> -> memref<10000x128xf32, #tpu.memory_space<vmem_shared>>
      tpu.wait_indirect_dma semaphore(%arg19 : memref<!tpu.dma_semaphore, #tpu.memory_space<semaphore_mem>>) src(%arg9 : memref<80x128xf32, #tpu.memory_space<vmem>>) dst(%dma_wait3A_275 : memref<10000x128xf32, #tpu.memory_space<vmem_shared>>)
      %add3A_276 = arith.constant 4 : i32
      %add3A_277 = arith.addi %mul3A_210, %add3A_276 : i32
      %mul3A_278 = arith.constant 80 : i32
      %mul3A_279 = arith.muli %add3A_277, %mul3A_278 : i32
      %dma_start3A_280 = tpu.memref_slice %arg7[%mul3A_279] : memref<10000xi32, #tpu.memory_space<vmem>> -> memref<80xi32, #tpu.memory_space<vmem>>
      %dma_start3A_281 = arith.constant 0 : i32
      %dma_start3A_282 = arith.constant 0 : i32
      %dma_start3A_283 = tpu.memref_slice %arg2[%dma_start3A_281, %dma_start3A_282] : memref<10000x128xf32, #tpu.memory_space<hbm>> -> memref<10000x128xf32, #tpu.memory_space<hbm>>
      tpu.enqueue_indirect_dma source(%dma_start3A_283 : memref<10000x128xf32, #tpu.memory_space<hbm>>) target(%arg9 : memref<80x128xf32, #tpu.memory_space<vmem>>) offsets(%dma_start3A_280 : memref<80xi32, #tpu.memory_space<vmem>>) semaphore(%arg16 : memref<!tpu.dma_semaphore, #tpu.memory_space<semaphore_mem>>)
      %mul3A_284 = arith.constant 80 : i32
      %mul3A_285 = arith.muli %add3A_277, %mul3A_284 : i32
      %add3A_286 = arith.addi %mul3A_25, %mul3A_285 : i32
      %dma_start3A_287 = tpu.memref_slice %arg5[%add3A_286] : memref<320000xi32, #tpu.memory_space<hbm>> -> memref<80xi32, #tpu.memory_space<hbm>>
      %dma_start3A_288 = tpu.memref_slice %arg5[%add3A_286] : memref<320000xi32, #tpu.memory_space<hbm>> -> memref<80xi32, #tpu.memory_space<hbm>>
      tpu.enqueue_dma source(%dma_start3A_288 : memref<80xi32, #tpu.memory_space<hbm>>) target(%arg12 : memref<80xi32, #tpu.memory_space<vmem>>) target_semaphore(%arg22 : memref<!tpu.dma_semaphore, #tpu.memory_space<semaphore_mem>>)
      %dma_wait3A_289 = arith.constant 0 : i32
      %dma_wait3A_290 = arith.constant 0 : i32
      %dma_wait3A_291 = tpu.memref_slice %arg14[%dma_wait3A_289, %dma_wait3A_290] : memref<10000x128xf32, #tpu.memory_space<vmem_shared>> -> memref<10000x128xf32, #tpu.memory_space<vmem_shared>>
      tpu.wait_indirect_dma semaphore(%arg20 : memref<!tpu.dma_semaphore, #tpu.memory_space<semaphore_mem>>) src(%arg10 : memref<80x128xf32, #tpu.memory_space<vmem>>) dst(%dma_wait3A_291 : memref<10000x128xf32, #tpu.memory_space<vmem_shared>>)
      %add3A_292 = arith.constant 5 : i32
      %add3A_293 = arith.addi %mul3A_210, %add3A_292 : i32
      %lt3A_294 = arith.constant 125 : i32
      %lt3A_295 = arith.cmpi slt, %add3A_293, %lt3A_294 : i32
      %convert_element_type3A = arith.extui %lt3A_295 : i1 to i32
      %cond3A = arith.constant 0 : i32
      %cond3A_296 = arith.cmpi ne, %convert_element_type3A, %cond3A : i32
      scf.if %cond3A_296 {
        %add3A_298 = arith.constant 5 : i32
        %add3A_299 = arith.addi %mul3A_210, %add3A_298 : i32
        %mul3A_300 = arith.constant 80 : i32
        %mul3A_301 = arith.muli %add3A_299, %mul3A_300 : i32
        %dma_start3A_302 = tpu.memref_slice %arg7[%mul3A_301] : memref<10000xi32, #tpu.memory_space<vmem>> -> memref<80xi32, #tpu.memory_space<vmem>>
        %dma_start3A_303 = arith.constant 0 : i32
        %dma_start3A_304 = arith.constant 0 : i32
        %dma_start3A_305 = tpu.memref_slice %arg2[%dma_start3A_303, %dma_start3A_304] : memref<10000x128xf32, #tpu.memory_space<hbm>> -> memref<10000x128xf32, #tpu.memory_space<hbm>>
        tpu.enqueue_indirect_dma source(%dma_start3A_305 : memref<10000x128xf32, #tpu.memory_space<hbm>>) target(%arg10 : memref<80x128xf32, #tpu.memory_space<vmem>>) offsets(%dma_start3A_302 : memref<80xi32, #tpu.memory_space<vmem>>) semaphore(%arg17 : memref<!tpu.dma_semaphore, #tpu.memory_space<semaphore_mem>>)
        %mul3A_306 = arith.constant 80 : i32
        %mul3A_307 = arith.muli %add3A_299, %mul3A_306 : i32
        %add3A_308 = arith.addi %mul3A_25, %mul3A_307 : i32
        %dma_start3A_309 = tpu.memref_slice %arg5[%add3A_308] : memref<320000xi32, #tpu.memory_space<hbm>> -> memref<80xi32, #tpu.memory_space<hbm>>
        %dma_start3A_310 = tpu.memref_slice %arg5[%add3A_308] : memref<320000xi32, #tpu.memory_space<hbm>> -> memref<80xi32, #tpu.memory_space<hbm>>
        tpu.enqueue_dma source(%dma_start3A_310 : memref<80xi32, #tpu.memory_space<hbm>>) target(%arg13 : memref<80xi32, #tpu.memory_space<vmem>>) target_semaphore(%arg23 : memref<!tpu.dma_semaphore, #tpu.memory_space<semaphore_mem>>)
      } else {
      }
      %scan3A_297 = arith.constant 0 : i32
      scf.yield %scan3A_297 : i32
    }
    %scan3A_58 = arith.constant 41 : i32
    %dma_wait3A = arith.constant 9840 : i32
    %dma_wait3A_59 = tpu.memref_slice %arg7[%dma_wait3A] : memref<10000xi32, #tpu.memory_space<vmem>> -> memref<80xi32, #tpu.memory_space<vmem>>
    %dma_wait3A_60 = arith.constant 0 : i32
    %dma_wait3A_61 = arith.constant 0 : i32
    %dma_wait3A_62 = tpu.memref_slice %arg2[%dma_wait3A_60, %dma_wait3A_61] : memref<10000x128xf32, #tpu.memory_space<hbm>> -> memref<10000x128xf32, #tpu.memory_space<hbm>>
    tpu.wait_indirect_dma semaphore(%arg15 : memref<!tpu.dma_semaphore, #tpu.memory_space<semaphore_mem>>) src(%dma_wait3A_62 : memref<10000x128xf32, #tpu.memory_space<hbm>>) dst(%arg8 : memref<80x128xf32, #tpu.memory_space<vmem>>)
    %add3A_63 = arith.constant 9840 : i32
    %add3A_64 = arith.addi %mul3A_25, %add3A_63 : i32
    %dma_wait3A_65 = tpu.memref_slice %arg5[%add3A_64] : memref<320000xi32, #tpu.memory_space<hbm>> -> memref<80xi32, #tpu.memory_space<hbm>>
    %dma_wait3A_66 = tpu.memref_slice %arg5[%add3A_64] : memref<320000xi32, #tpu.memory_space<hbm>> -> memref<80xi32, #tpu.memory_space<hbm>>
    tpu.wait_dma2 semaphore(%arg21 : memref<!tpu.dma_semaphore, #tpu.memory_space<semaphore_mem>>) src(%dma_wait3A_66 : memref<80xi32, #tpu.memory_space<hbm>>) dst(%arg11 : memref<80xi32, #tpu.memory_space<vmem>>)
    %dma_start3A_67 = arith.constant 0 : i32
    %dma_start3A_68 = arith.constant 0 : i32
    %dma_start3A_69 = tpu.memref_slice %arg14[%dma_start3A_67, %dma_start3A_68] : memref<10000x128xf32, #tpu.memory_space<vmem_shared>> -> memref<10000x128xf32, #tpu.memory_space<vmem_shared>>
    tpu.enqueue_indirect_dma source(%arg8 : memref<80x128xf32, #tpu.memory_space<vmem>>) target(%dma_start3A_69 : memref<10000x128xf32, #tpu.memory_space<vmem_shared>>) offsets(%arg11 : memref<80xi32, #tpu.memory_space<vmem>>) semaphore(%arg18 : memref<!tpu.dma_semaphore, #tpu.memory_space<semaphore_mem>>) {add = true}
    %dma_wait3A_70 = arith.constant 9920 : i32
    %dma_wait3A_71 = tpu.memref_slice %arg7[%dma_wait3A_70] : memref<10000xi32, #tpu.memory_space<vmem>> -> memref<80xi32, #tpu.memory_space<vmem>>
    %dma_wait3A_72 = arith.constant 0 : i32
    %dma_wait3A_73 = arith.constant 0 : i32
    %dma_wait3A_74 = tpu.memref_slice %arg2[%dma_wait3A_72, %dma_wait3A_73] : memref<10000x128xf32, #tpu.memory_space<hbm>> -> memref<10000x128xf32, #tpu.memory_space<hbm>>
    tpu.wait_indirect_dma semaphore(%arg16 : memref<!tpu.dma_semaphore, #tpu.memory_space<semaphore_mem>>) src(%dma_wait3A_74 : memref<10000x128xf32, #tpu.memory_space<hbm>>) dst(%arg9 : memref<80x128xf32, #tpu.memory_space<vmem>>)
    %add3A_75 = arith.constant 9920 : i32
    %add3A_76 = arith.addi %mul3A_25, %add3A_75 : i32
    %dma_wait3A_77 = tpu.memref_slice %arg5[%add3A_76] : memref<320000xi32, #tpu.memory_space<hbm>> -> memref<80xi32, #tpu.memory_space<hbm>>
    %dma_wait3A_78 = tpu.memref_slice %arg5[%add3A_76] : memref<320000xi32, #tpu.memory_space<hbm>> -> memref<80xi32, #tpu.memory_space<hbm>>
    tpu.wait_dma2 semaphore(%arg22 : memref<!tpu.dma_semaphore, #tpu.memory_space<semaphore_mem>>) src(%dma_wait3A_78 : memref<80xi32, #tpu.memory_space<hbm>>) dst(%arg12 : memref<80xi32, #tpu.memory_space<vmem>>)
    %dma_start3A_79 = arith.constant 0 : i32
    %dma_start3A_80 = arith.constant 0 : i32
    %dma_start3A_81 = tpu.memref_slice %arg14[%dma_start3A_79, %dma_start3A_80] : memref<10000x128xf32, #tpu.memory_space<vmem_shared>> -> memref<10000x128xf32, #tpu.memory_space<vmem_shared>>
    tpu.enqueue_indirect_dma source(%arg9 : memref<80x128xf32, #tpu.memory_space<vmem>>) target(%dma_start3A_81 : memref<10000x128xf32, #tpu.memory_space<vmem_shared>>) offsets(%arg12 : memref<80xi32, #tpu.memory_space<vmem>>) semaphore(%arg19 : memref<!tpu.dma_semaphore, #tpu.memory_space<semaphore_mem>>) {add = true}
    %dma_wait3A_82 = arith.constant 0 : i32
    %dma_wait3A_83 = arith.constant 0 : i32
    %dma_wait3A_84 = tpu.memref_slice %arg14[%dma_wait3A_82, %dma_wait3A_83] : memref<10000x128xf32, #tpu.memory_space<vmem_shared>> -> memref<10000x128xf32, #tpu.memory_space<vmem_shared>>
    tpu.wait_indirect_dma semaphore(%arg18 : memref<!tpu.dma_semaphore, #tpu.memory_space<semaphore_mem>>) src(%arg8 : memref<80x128xf32, #tpu.memory_space<vmem>>) dst(%dma_wait3A_84 : memref<10000x128xf32, #tpu.memory_space<vmem_shared>>)
    %dma_wait3A_85 = arith.constant 0 : i32
    %dma_wait3A_86 = arith.constant 0 : i32
    %dma_wait3A_87 = tpu.memref_slice %arg14[%dma_wait3A_85, %dma_wait3A_86] : memref<10000x128xf32, #tpu.memory_space<vmem_shared>> -> memref<10000x128xf32, #tpu.memory_space<vmem_shared>>
    tpu.wait_indirect_dma semaphore(%arg19 : memref<!tpu.dma_semaphore, #tpu.memory_space<semaphore_mem>>) src(%arg9 : memref<80x128xf32, #tpu.memory_space<vmem>>) dst(%dma_wait3A_87 : memref<10000x128xf32, #tpu.memory_space<vmem_shared>>)
    %barrier3A_88 = arith.constant 0 : index
    tpu.barrier barrier_id(%barrier3A_88)
    %while3A_89 = arith.constant 0 : i32
    %while3A_90 = arith.constant 0 : i32
    %while3A_91 = arith.subi %select_n3A, %while3A_89 : i32
    %while3A_92 = arith.addi %while3A_89, %while3A_91 : i32
    %while3A_93 = arith.constant 1 : i32
    %while3A_94 = arith.divsi %while3A_91, %while3A_93 : i32
    %while3A_95 = arith.muli %while3A_94, %while3A_93 : i32
    %while3A_96 = arith.addi %while3A_89, %while3A_95 : i32
    %while3A_97 = arith.constant 1 : i32
    %while3A_98 = scf.for %while3A_207 = %while3A_89 to %while3A_96 step %while3A_97 iter_args(%while3A_208 = %while3A_90) -> (i32)  : i32 {
      %mul3A_209 = arith.constant 80 : i32
      %mul3A_210 = arith.muli %while3A_207, %mul3A_209 : i32
      %add3A_211 = arith.addi %mul3A_4, %mul3A_210 : i32
      %run_scoped3A = arith.constant 0 : i32
      "tpu.region"() ({
        %run_scoped3A_213 = tpu.sem_alloc : memref<!tpu.dma_semaphore, #tpu.memory_space<semaphore_mem>>
        %dma_start3A_214 = arith.constant 0 : i32
        %dma_start3A_215 = tpu.memref_slice %arg6[%run_scoped3A, %arg0, %add3A_211, %dma_start3A_214] : memref<2x2x10000x128xf32, #tpu.memory_space<hbm>> -> memref<1x1x80x128xf32, #tpu.memory_space<hbm>>
        %dma_start3A_216 = tpu.memref_squeeze %dma_start3A_215 : memref<1x1x80x128xf32, #tpu.memory_space<hbm>> -> memref<80x128xf32, #tpu.memory_space<hbm>>
        %dma_start3A_217 = arith.constant 0 : i32
        %dma_start3A_218 = tpu.memref_slice %arg14[%add3A_211, %dma_start3A_217] : memref<10000x128xf32, #tpu.memory_space<vmem_shared>> -> memref<80x128xf32, #tpu.memory_space<vmem_shared>>
        tpu.enqueue_dma source(%dma_start3A_218 : memref<80x128xf32, #tpu.memory_space<vmem_shared>>) target(%dma_start3A_216 : memref<80x128xf32, #tpu.memory_space<hbm>>) target_semaphore(%run_scoped3A_213 : memref<!tpu.dma_semaphore, #tpu.memory_space<semaphore_mem>>)
        %dma_wait3A_219 = arith.constant 0 : i32
        %dma_wait3A_220 = tpu.memref_slice %arg6[%run_scoped3A, %arg0, %add3A_211, %dma_wait3A_219] : memref<2x2x10000x128xf32, #tpu.memory_space<hbm>> -> memref<1x1x80x128xf32, #tpu.memory_space<hbm>>
        %dma_wait3A_221 = tpu.memref_squeeze %dma_wait3A_220 : memref<1x1x80x128xf32, #tpu.memory_space<hbm>> -> memref<80x128xf32, #tpu.memory_space<hbm>>
        %dma_wait3A_222 = arith.constant 0 : i32
        %dma_wait3A_223 = tpu.memref_slice %arg14[%add3A_211, %dma_wait3A_222] : memref<10000x128xf32, #tpu.memory_space<vmem_shared>> -> memref<80x128xf32, #tpu.memory_space<vmem_shared>>
        tpu.wait_dma2 semaphore(%run_scoped3A_213 : memref<!tpu.dma_semaphore, #tpu.memory_space<semaphore_mem>>) src(%dma_wait3A_223 : memref<80x128xf32, #tpu.memory_space<vmem_shared>>) dst(%dma_wait3A_221 : memref<80x128xf32, #tpu.memory_space<hbm>>)
        tpu.yield
      }) : () -> ()
      %while3A_212 = arith.constant 0 : i32
      scf.yield %while3A_212 : i32
    }
    %while3A_99 = arith.constant 1 : i32
    %while3A_100 = scf.for %while3A_207 = %while3A_96 to %while3A_92 step %while3A_99 iter_args(%while3A_208 = %while3A_98) -> (i32)  : i32 {
      %mul3A_209 = arith.constant 80 : i32
      %mul3A_210 = arith.muli %while3A_207, %mul3A_209 : i32
      %add3A_211 = arith.addi %mul3A_4, %mul3A_210 : i32
      %run_scoped3A = arith.constant 0 : i32
      "tpu.region"() ({
        %run_scoped3A_213 = tpu.sem_alloc : memref<!tpu.dma_semaphore, #tpu.memory_space<semaphore_mem>>
        %dma_start3A_214 = arith.constant 0 : i32
        %dma_start3A_215 = tpu.memref_slice %arg6[%run_scoped3A, %arg0, %add3A_211, %dma_start3A_214] : memref<2x2x10000x128xf32, #tpu.memory_space<hbm>> -> memref<1x1x80x128xf32, #tpu.memory_space<hbm>>
        %dma_start3A_216 = tpu.memref_squeeze %dma_start3A_215 : memref<1x1x80x128xf32, #tpu.memory_space<hbm>> -> memref<80x128xf32, #tpu.memory_space<hbm>>
        %dma_start3A_217 = arith.constant 0 : i32
        %dma_start3A_218 = tpu.memref_slice %arg14[%add3A_211, %dma_start3A_217] : memref<10000x128xf32, #tpu.memory_space<vmem_shared>> -> memref<80x128xf32, #tpu.memory_space<vmem_shared>>
        tpu.enqueue_dma source(%dma_start3A_218 : memref<80x128xf32, #tpu.memory_space<vmem_shared>>) target(%dma_start3A_216 : memref<80x128xf32, #tpu.memory_space<hbm>>) target_semaphore(%run_scoped3A_213 : memref<!tpu.dma_semaphore, #tpu.memory_space<semaphore_mem>>)
        %dma_wait3A_219 = arith.constant 0 : i32
        %dma_wait3A_220 = tpu.memref_slice %arg6[%run_scoped3A, %arg0, %add3A_211, %dma_wait3A_219] : memref<2x2x10000x128xf32, #tpu.memory_space<hbm>> -> memref<1x1x80x128xf32, #tpu.memory_space<hbm>>
        %dma_wait3A_221 = tpu.memref_squeeze %dma_wait3A_220 : memref<1x1x80x128xf32, #tpu.memory_space<hbm>> -> memref<80x128xf32, #tpu.memory_space<hbm>>
        %dma_wait3A_222 = arith.constant 0 : i32
        %dma_wait3A_223 = tpu.memref_slice %arg14[%add3A_211, %dma_wait3A_222] : memref<10000x128xf32, #tpu.memory_space<vmem_shared>> -> memref<80x128xf32, #tpu.memory_space<vmem_shared>>
        tpu.wait_dma2 semaphore(%run_scoped3A_213 : memref<!tpu.dma_semaphore, #tpu.memory_space<semaphore_mem>>) src(%dma_wait3A_223 : memref<80x128xf32, #tpu.memory_space<vmem_shared>>) dst(%dma_wait3A_221 : memref<80x128xf32, #tpu.memory_space<hbm>>)
        tpu.yield
      }) : () -> ()
      %while3A_212 = arith.constant 0 : i32
      scf.yield %while3A_212 : i32
    }
    %mul3A_101 = arith.constant 640 : i32
    %mul3A_102 = arith.muli %arg1, %mul3A_101 : i32
    %lt3A_103 = arith.constant 15 : i32
    %lt3A_104 = arith.cmpi slt, %arg1, %lt3A_103 : i32
    %jit3A_105 = arith.constant 8 : i32
    %jit3A_106 = arith.constant 5 : i32
    %select_n3A_107 = arith.select %lt3A_104, %jit3A_105, %jit3A_106 : i32
    %scan3A_108 = arith.constant 0 : i32
    %scan3A_109 = arith.constant 0 : i32
    %scan3A_110 = arith.constant 80 : i32
    %scan3A_111 = arith.addi %scan3A_109, %scan3A_110 : i32
    %scan3A_112 = arith.constant 1 : i32
    %scan3A_113 = scf.for %scan3A_207 = %scan3A_109 to %scan3A_111 step %scan3A_112 iter_args(%scan3A_208 = %scan3A_108) -> (i32)  : i32 {
      %scan3A_209 = arith.constant 0 : i32
      %scan3A_210 = arith.constant 0 : i32
      %scan3A_211 = arith.constant 8 : i32
      %scan3A_212 = arith.addi %scan3A_210, %scan3A_211 : i32
      %scan3A_213 = arith.constant 1 : i32
      %scan3A_214 = scf.for %scan3A_217 = %scan3A_210 to %scan3A_212 step %scan3A_213 iter_args(%scan3A_218 = %scan3A_209) -> (i32)  : i32 {
        %broadcast_in_dim3A = arith.constant 0.000000e+00 : f32
        %broadcast_in_dim3A_219 = vector.broadcast %broadcast_in_dim3A : f32 to vector<16xf32>
        %mul3A_220 = arith.constant 16 : i32
        %mul3A_221 = arith.muli %scan3A_217, %mul3A_220 : i32
        %swap3A = arith.index_cast %scan3A_207 : i32 to index
        %swap3A_222 = arith.index_cast %mul3A_221 : i32 to index
        %swap3A_223 = tpu.vector_load %arg8[%swap3A, %swap3A_222] {strides = array<i32>} : memref<80x128xf32, #tpu.memory_space<vmem>>, vector<1x16xf32>,
        %swap3A_224 = vector.shape_cast %swap3A_223 : vector<1x16xf32> to vector<16xf32>
        %swap3A_225 = vector.shape_cast %broadcast_in_dim3A_219 : vector<16xf32> to vector<1x16xf32>
        tpu.vector_store %arg8[%swap3A, %swap3A_222], %swap3A_225 {strides = array<i32>} : memref<80x128xf32, #tpu.memory_space<vmem>>, vector<1x16xf32>,
        %scan3A_226 = arith.constant 0 : i32
        scf.yield %scan3A_226 : i32
      }
      %scan3A_215 = arith.constant 8 : i32
      %scan3A_216 = arith.constant 0 : i32
      scf.yield %scan3A_216 : i32
    }
    %scan3A_114 = arith.constant 80 : i32
    %while3A_115 = arith.constant 0 : i32
    %while3A_116 = arith.constant 0 : i32
    %while3A_117 = arith.subi %select_n3A_107, %while3A_115 : i32
    %while3A_118 = arith.addi %while3A_115, %while3A_117 : i32
    %while3A_119 = arith.constant 1 : i32
    %while3A_120 = arith.divsi %while3A_117, %while3A_119 : i32
    %while3A_121 = arith.muli %while3A_120, %while3A_119 : i32
    %while3A_122 = arith.addi %while3A_115, %while3A_121 : i32
    %while3A_123 = arith.constant 1 : i32
    %while3A_124 = scf.for %while3A_207 = %while3A_115 to %while3A_122 step %while3A_123 iter_args(%while3A_208 = %while3A_116) -> (i32)  : i32 {
      %mul3A_209 = arith.constant 80 : i32
      %mul3A_210 = arith.muli %while3A_207, %mul3A_209 : i32
      %add3A_211 = arith.addi %mul3A_102, %mul3A_210 : i32
      "tpu.region"() ({
        %run_scoped3A = tpu.sem_alloc : memref<!tpu.dma_semaphore, #tpu.memory_space<semaphore_mem>>
        %dma_start3A_213 = arith.constant 0 : i32
        %dma_start3A_214 = tpu.memref_slice %arg14[%add3A_211, %dma_start3A_213] : memref<10000x128xf32, #tpu.memory_space<vmem_shared>> -> memref<80x128xf32, #tpu.memory_space<vmem_shared>>
        %dma_start3A_215 = arith.constant 0 : i32
        %dma_start3A_216 = tpu.memref_slice %arg14[%add3A_211, %dma_start3A_215] : memref<10000x128xf32, #tpu.memory_space<vmem_shared>> -> memref<80x128xf32, #tpu.memory_space<vmem_shared>>
        tpu.enqueue_dma source(%arg8 : memref<80x128xf32, #tpu.memory_space<vmem>>) target(%dma_start3A_216 : memref<80x128xf32, #tpu.memory_space<vmem_shared>>) target_semaphore(%run_scoped3A : memref<!tpu.dma_semaphore, #tpu.memory_space<semaphore_mem>>)
        %dma_wait3A_217 = arith.constant 0 : i32
        %dma_wait3A_218 = tpu.memref_slice %arg14[%add3A_211, %dma_wait3A_217] : memref<10000x128xf32, #tpu.memory_space<vmem_shared>> -> memref<80x128xf32, #tpu.memory_space<vmem_shared>>
        %dma_wait3A_219 = arith.constant 0 : i32
        %dma_wait3A_220 = tpu.memref_slice %arg14[%add3A_211, %dma_wait3A_219] : memref<10000x128xf32, #tpu.memory_space<vmem_shared>> -> memref<80x128xf32, #tpu.memory_space<vmem_shared>>
        tpu.wait_dma2 semaphore(%run_scoped3A : memref<!tpu.dma_semaphore, #tpu.memory_space<semaphore_mem>>) src(%arg8 : memref<80x128xf32, #tpu.memory_space<vmem>>) dst(%dma_wait3A_220 : memref<80x128xf32, #tpu.memory_space<vmem_shared>>)
        tpu.yield
      }) : () -> ()
      %while3A_212 = arith.constant 0 : i32
      scf.yield %while3A_212 : i32
    }
    %while3A_125 = arith.constant 1 : i32
    %while3A_126 = scf.for %while3A_207 = %while3A_122 to %while3A_118 step %while3A_125 iter_args(%while3A_208 = %while3A_124) -> (i32)  : i32 {
      %mul3A_209 = arith.constant 80 : i32
      %mul3A_210 = arith.muli %while3A_207, %mul3A_209 : i32
      %add3A_211 = arith.addi %mul3A_102, %mul3A_210 : i32
      "tpu.region"() ({
        %run_scoped3A = tpu.sem_alloc : memref<!tpu.dma_semaphore, #tpu.memory_space<semaphore_mem>>
        %dma_start3A_213 = arith.constant 0 : i32
        %dma_start3A_214 = tpu.memref_slice %arg14[%add3A_211, %dma_start3A_213] : memref<10000x128xf32, #tpu.memory_space<vmem_shared>> -> memref<80x128xf32, #tpu.memory_space<vmem_shared>>
        %dma_start3A_215 = arith.constant 0 : i32
        %dma_start3A_216 = tpu.memref_slice %arg14[%add3A_211, %dma_start3A_215] : memref<10000x128xf32, #tpu.memory_space<vmem_shared>> -> memref<80x128xf32, #tpu.memory_space<vmem_shared>>
        tpu.enqueue_dma source(%arg8 : memref<80x128xf32, #tpu.memory_space<vmem>>) target(%dma_start3A_216 : memref<80x128xf32, #tpu.memory_space<vmem_shared>>) target_semaphore(%run_scoped3A : memref<!tpu.dma_semaphore, #tpu.memory_space<semaphore_mem>>)
        %dma_wait3A_217 = arith.constant 0 : i32
        %dma_wait3A_218 = tpu.memref_slice %arg14[%add3A_211, %dma_wait3A_217] : memref<10000x128xf32, #tpu.memory_space<vmem_shared>> -> memref<80x128xf32, #tpu.memory_space<vmem_shared>>
        %dma_wait3A_219 = arith.constant 0 : i32
        %dma_wait3A_220 = tpu.memref_slice %arg14[%add3A_211, %dma_wait3A_219] : memref<10000x128xf32, #tpu.memory_space<vmem_shared>> -> memref<80x128xf32, #tpu.memory_space<vmem_shared>>
        tpu.wait_dma2 semaphore(%run_scoped3A : memref<!tpu.dma_semaphore, #tpu.memory_space<semaphore_mem>>) src(%arg8 : memref<80x128xf32, #tpu.memory_space<vmem>>) dst(%dma_wait3A_220 : memref<80x128xf32, #tpu.memory_space<vmem_shared>>)
        tpu.yield
      }) : () -> ()
      %while3A_212 = arith.constant 0 : i32
      scf.yield %while3A_212 : i32
    }
    %barrier3A_127 = arith.constant 0 : index
    tpu.barrier barrier_id(%barrier3A_127)
    %mul3A_128 = arith.constant 10000 : i32
    %mul3A_129 = arith.muli %add3A, %mul3A_128 : i32
    %dma_start3A_130 = arith.constant 0 : i32
    %dma_start3A_131 = tpu.memref_slice %arg7[%dma_start3A_130] : memref<10000xi32, #tpu.memory_space<vmem>> -> memref<80xi32, #tpu.memory_space<vmem>>
    %dma_start3A_132 = arith.constant 0 : i32
    %dma_start3A_133 = arith.constant 0 : i32
    %dma_start3A_134 = tpu.memref_slice %arg3[%dma_start3A_132, %dma_start3A_133] : memref<10000x128xf32, #tpu.memory_space<hbm>> -> memref<10000x128xf32, #tpu.memory_space<hbm>>
    tpu.enqueue_indirect_dma source(%dma_start3A_134 : memref<10000x128xf32, #tpu.memory_space<hbm>>) target(%arg8 : memref<80x128xf32, #tpu.memory_space<vmem>>) offsets(%dma_start3A_131 : memref<80xi32, #tpu.memory_space<vmem>>) semaphore(%arg15 : memref<!tpu.dma_semaphore, #tpu.memory_space<semaphore_mem>>)
    %add3A_135 = arith.constant 0 : i32
    %add3A_136 = arith.addi %mul3A_129, %add3A_135 : i32
    %dma_start3A_137 = tpu.memref_slice %arg5[%add3A_136] : memref<320000xi32, #tpu.memory_space<hbm>> -> memref<80xi32, #tpu.memory_space<hbm>>
    %dma_start3A_138 = tpu.memref_slice %arg5[%add3A_136] : memref<320000xi32, #tpu.memory_space<hbm>> -> memref<80xi32, #tpu.memory_space<hbm>>
    tpu.enqueue_dma source(%dma_start3A_138 : memref<80xi32, #tpu.memory_space<hbm>>) target(%arg11 : memref<80xi32, #tpu.memory_space<vmem>>) target_semaphore(%arg21 : memref<!tpu.dma_semaphore, #tpu.memory_space<semaphore_mem>>)
    %dma_start3A_139 = arith.constant 80 : i32
    %dma_start3A_140 = tpu.memref_slice %arg7[%dma_start3A_139] : memref<10000xi32, #tpu.memory_space<vmem>> -> memref<80xi32, #tpu.memory_space<vmem>>
    %dma_start3A_141 = arith.constant 0 : i32
    %dma_start3A_142 = arith.constant 0 : i32
    %dma_start3A_143 = tpu.memref_slice %arg3[%dma_start3A_141, %dma_start3A_142] : memref<10000x128xf32, #tpu.memory_space<hbm>> -> memref<10000x128xf32, #tpu.memory_space<hbm>>
    tpu.enqueue_indirect_dma source(%dma_start3A_143 : memref<10000x128xf32, #tpu.memory_space<hbm>>) target(%arg9 : memref<80x128xf32, #tpu.memory_space<vmem>>) offsets(%dma_start3A_140 : memref<80xi32, #tpu.memory_space<vmem>>) semaphore(%arg16 : memref<!tpu.dma_semaphore, #tpu.memory_space<semaphore_mem>>)
    %add3A_144 = arith.constant 80 : i32
    %add3A_145 = arith.addi %mul3A_129, %add3A_144 : i32
    %dma_start3A_146 = tpu.memref_slice %arg5[%add3A_145] : memref<320000xi32, #tpu.memory_space<hbm>> -> memref<80xi32, #tpu.memory_space<hbm>>
    %dma_start3A_147 = tpu.memref_slice %arg5[%add3A_145] : memref<320000xi32, #tpu.memory_space<hbm>> -> memref<80xi32, #tpu.memory_space<hbm>>
    tpu.enqueue_dma source(%dma_start3A_147 : memref<80xi32, #tpu.memory_space<hbm>>) target(%arg12 : memref<80xi32, #tpu.memory_space<vmem>>) target_semaphore(%arg22 : memref<!tpu.dma_semaphore, #tpu.memory_space<semaphore_mem>>)
    %dma_start3A_148 = arith.constant 160 : i32
    %dma_start3A_149 = tpu.memref_slice %arg7[%dma_start3A_148] : memref<10000xi32, #tpu.memory_space<vmem>> -> memref<80xi32, #tpu.memory_space<vmem>>
    %dma_start3A_150 = arith.constant 0 : i32
    %dma_start3A_151 = arith.constant 0 : i32
    %dma_start3A_152 = tpu.memref_slice %arg3[%dma_start3A_150, %dma_start3A_151] : memref<10000x128xf32, #tpu.memory_space<hbm>> -> memref<10000x128xf32, #tpu.memory_space<hbm>>
    tpu.enqueue_indirect_dma source(%dma_start3A_152 : memref<10000x128xf32, #tpu.memory_space<hbm>>) target(%arg10 : memref<80x128xf32, #tpu.memory_space<vmem>>) offsets(%dma_start3A_149 : memref<80xi32, #tpu.memory_space<vmem>>) semaphore(%arg17 : memref<!tpu.dma_semaphore, #tpu.memory_space<semaphore_mem>>)
    %add3A_153 = arith.constant 160 : i32
    %add3A_154 = arith.addi %mul3A_129, %add3A_153 : i32
    %dma_start3A_155 = tpu.memref_slice %arg5[%add3A_154] : memref<320000xi32, #tpu.memory_space<hbm>> -> memref<80xi32, #tpu.memory_space<hbm>>
    %dma_start3A_156 = tpu.memref_slice %arg5[%add3A_154] : memref<320000xi32, #tpu.memory_space<hbm>> -> memref<80xi32, #tpu.memory_space<hbm>>
    tpu.enqueue_dma source(%dma_start3A_156 : memref<80xi32, #tpu.memory_space<hbm>>) target(%arg13 : memref<80xi32, #tpu.memory_space<vmem>>) target_semaphore(%arg23 : memref<!tpu.dma_semaphore, #tpu.memory_space<semaphore_mem>>)
    %scan3A_157 = arith.constant 0 : i32
    %scan3A_158 = arith.constant 0 : i32
    %scan3A_159 = arith.constant 41 : i32
    %scan3A_160 = arith.addi %scan3A_158, %scan3A_159 : i32
    %scan3A_161 = arith.constant 1 : i32
    %scan3A_162 = scf.for %scan3A_207 = %scan3A_158 to %scan3A_160 step %scan3A_161 iter_args(%scan3A_208 = %scan3A_157) -> (i32)  : i32 {
      %mul3A_209 = arith.constant 3 : i32
      %mul3A_210 = arith.muli %mul3A_209, %scan3A_207 : i32
      %mul3A_211 = arith.constant 80 : i32
      %mul3A_212 = arith.muli %mul3A_210, %mul3A_211 : i32
      %dma_wait3A_213 = tpu.memref_slice %arg7[%mul3A_212] : memref<10000xi32, #tpu.memory_space<vmem>> -> memref<80xi32, #tpu.memory_space<vmem>>
      %dma_wait3A_214 = arith.constant 0 : i32
      %dma_wait3A_215 = arith.constant 0 : i32
      %dma_wait3A_216 = tpu.memref_slice %arg3[%dma_wait3A_214, %dma_wait3A_215] : memref<10000x128xf32, #tpu.memory_space<hbm>> -> memref<10000x128xf32, #tpu.memory_space<hbm>>
      tpu.wait_indirect_dma semaphore(%arg15 : memref<!tpu.dma_semaphore, #tpu.memory_space<semaphore_mem>>) src(%dma_wait3A_216 : memref<10000x128xf32, #tpu.memory_space<hbm>>) dst(%arg8 : memref<80x128xf32, #tpu.memory_space<vmem>>)
      %mul3A_217 = arith.constant 80 : i32
      %mul3A_218 = arith.muli %mul3A_210, %mul3A_217 : i32
      %add3A_219 = arith.addi %mul3A_129, %mul3A_218 : i32
      %dma_wait3A_220 = tpu.memref_slice %arg5[%add3A_219] : memref<320000xi32, #tpu.memory_space<hbm>> -> memref<80xi32, #tpu.memory_space<hbm>>
      %dma_wait3A_221 = tpu.memref_slice %arg5[%add3A_219] : memref<320000xi32, #tpu.memory_space<hbm>> -> memref<80xi32, #tpu.memory_space<hbm>>
      tpu.wait_dma2 semaphore(%arg21 : memref<!tpu.dma_semaphore, #tpu.memory_space<semaphore_mem>>) src(%dma_wait3A_221 : memref<80xi32, #tpu.memory_space<hbm>>) dst(%arg11 : memref<80xi32, #tpu.memory_space<vmem>>)
      %dma_start3A_222 = arith.constant 0 : i32
      %dma_start3A_223 = arith.constant 0 : i32
      %dma_start3A_224 = tpu.memref_slice %arg14[%dma_start3A_222, %dma_start3A_223] : memref<10000x128xf32, #tpu.memory_space<vmem_shared>> -> memref<10000x128xf32, #tpu.memory_space<vmem_shared>>
      tpu.enqueue_indirect_dma source(%arg8 : memref<80x128xf32, #tpu.memory_space<vmem>>) target(%dma_start3A_224 : memref<10000x128xf32, #tpu.memory_space<vmem_shared>>) offsets(%arg11 : memref<80xi32, #tpu.memory_space<vmem>>) semaphore(%arg18 : memref<!tpu.dma_semaphore, #tpu.memory_space<semaphore_mem>>) {add = true}
      %add3A_225 = arith.constant 1 : i32
      %add3A_226 = arith.addi %mul3A_210, %add3A_225 : i32
      %mul3A_227 = arith.constant 80 : i32
      %mul3A_228 = arith.muli %add3A_226, %mul3A_227 : i32
      %dma_wait3A_229 = tpu.memref_slice %arg7[%mul3A_228] : memref<10000xi32, #tpu.memory_space<vmem>> -> memref<80xi32, #tpu.memory_space<vmem>>
      %dma_wait3A_230 = arith.constant 0 : i32
      %dma_wait3A_231 = arith.constant 0 : i32
      %dma_wait3A_232 = tpu.memref_slice %arg3[%dma_wait3A_230, %dma_wait3A_231] : memref<10000x128xf32, #tpu.memory_space<hbm>> -> memref<10000x128xf32, #tpu.memory_space<hbm>>
      tpu.wait_indirect_dma semaphore(%arg16 : memref<!tpu.dma_semaphore, #tpu.memory_space<semaphore_mem>>) src(%dma_wait3A_232 : memref<10000x128xf32, #tpu.memory_space<hbm>>) dst(%arg9 : memref<80x128xf32, #tpu.memory_space<vmem>>)
      %mul3A_233 = arith.constant 80 : i32
      %mul3A_234 = arith.muli %add3A_226, %mul3A_233 : i32
      %add3A_235 = arith.addi %mul3A_129, %mul3A_234 : i32
      %dma_wait3A_236 = tpu.memref_slice %arg5[%add3A_235] : memref<320000xi32, #tpu.memory_space<hbm>> -> memref<80xi32, #tpu.memory_space<hbm>>
      %dma_wait3A_237 = tpu.memref_slice %arg5[%add3A_235] : memref<320000xi32, #tpu.memory_space<hbm>> -> memref<80xi32, #tpu.memory_space<hbm>>
      tpu.wait_dma2 semaphore(%arg22 : memref<!tpu.dma_semaphore, #tpu.memory_space<semaphore_mem>>) src(%dma_wait3A_237 : memref<80xi32, #tpu.memory_space<hbm>>) dst(%arg12 : memref<80xi32, #tpu.memory_space<vmem>>)
      %dma_start3A_238 = arith.constant 0 : i32
      %dma_start3A_239 = arith.constant 0 : i32
      %dma_start3A_240 = tpu.memref_slice %arg14[%dma_start3A_238, %dma_start3A_239] : memref<10000x128xf32, #tpu.memory_space<vmem_shared>> -> memref<10000x128xf32, #tpu.memory_space<vmem_shared>>
      tpu.enqueue_indirect_dma source(%arg9 : memref<80x128xf32, #tpu.memory_space<vmem>>) target(%dma_start3A_240 : memref<10000x128xf32, #tpu.memory_space<vmem_shared>>) offsets(%arg12 : memref<80xi32, #tpu.memory_space<vmem>>) semaphore(%arg19 : memref<!tpu.dma_semaphore, #tpu.memory_space<semaphore_mem>>) {add = true}
      %add3A_241 = arith.constant 2 : i32
      %add3A_242 = arith.addi %mul3A_210, %add3A_241 : i32
      %mul3A_243 = arith.constant 80 : i32
      %mul3A_244 = arith.muli %add3A_242, %mul3A_243 : i32
      %dma_wait3A_245 = tpu.memref_slice %arg7[%mul3A_244] : memref<10000xi32, #tpu.memory_space<vmem>> -> memref<80xi32, #tpu.memory_space<vmem>>
      %dma_wait3A_246 = arith.constant 0 : i32
      %dma_wait3A_247 = arith.constant 0 : i32
      %dma_wait3A_248 = tpu.memref_slice %arg3[%dma_wait3A_246, %dma_wait3A_247] : memref<10000x128xf32, #tpu.memory_space<hbm>> -> memref<10000x128xf32, #tpu.memory_space<hbm>>
      tpu.wait_indirect_dma semaphore(%arg17 : memref<!tpu.dma_semaphore, #tpu.memory_space<semaphore_mem>>) src(%dma_wait3A_248 : memref<10000x128xf32, #tpu.memory_space<hbm>>) dst(%arg10 : memref<80x128xf32, #tpu.memory_space<vmem>>)
      %mul3A_249 = arith.constant 80 : i32
      %mul3A_250 = arith.muli %add3A_242, %mul3A_249 : i32
      %add3A_251 = arith.addi %mul3A_129, %mul3A_250 : i32
      %dma_wait3A_252 = tpu.memref_slice %arg5[%add3A_251] : memref<320000xi32, #tpu.memory_space<hbm>> -> memref<80xi32, #tpu.memory_space<hbm>>
      %dma_wait3A_253 = tpu.memref_slice %arg5[%add3A_251] : memref<320000xi32, #tpu.memory_space<hbm>> -> memref<80xi32, #tpu.memory_space<hbm>>
      tpu.wait_dma2 semaphore(%arg23 : memref<!tpu.dma_semaphore, #tpu.memory_space<semaphore_mem>>) src(%dma_wait3A_253 : memref<80xi32, #tpu.memory_space<hbm>>) dst(%arg13 : memref<80xi32, #tpu.memory_space<vmem>>)
      %dma_start3A_254 = arith.constant 0 : i32
      %dma_start3A_255 = arith.constant 0 : i32
      %dma_start3A_256 = tpu.memref_slice %arg14[%dma_start3A_254, %dma_start3A_255] : memref<10000x128xf32, #tpu.memory_space<vmem_shared>> -> memref<10000x128xf32, #tpu.memory_space<vmem_shared>>
      tpu.enqueue_indirect_dma source(%arg10 : memref<80x128xf32, #tpu.memory_space<vmem>>) target(%dma_start3A_256 : memref<10000x128xf32, #tpu.memory_space<vmem_shared>>) offsets(%arg13 : memref<80xi32, #tpu.memory_space<vmem>>) semaphore(%arg20 : memref<!tpu.dma_semaphore, #tpu.memory_space<semaphore_mem>>) {add = true}
      %dma_wait3A_257 = arith.constant 0 : i32
      %dma_wait3A_258 = arith.constant 0 : i32
      %dma_wait3A_259 = tpu.memref_slice %arg14[%dma_wait3A_257, %dma_wait3A_258] : memref<10000x128xf32, #tpu.memory_space<vmem_shared>> -> memref<10000x128xf32, #tpu.memory_space<vmem_shared>>
      tpu.wait_indirect_dma semaphore(%arg18 : memref<!tpu.dma_semaphore, #tpu.memory_space<semaphore_mem>>) src(%arg8 : memref<80x128xf32, #tpu.memory_space<vmem>>) dst(%dma_wait3A_259 : memref<10000x128xf32, #tpu.memory_space<vmem_shared>>)
      %add3A_260 = arith.constant 3 : i32
      %add3A_261 = arith.addi %mul3A_210, %add3A_260 : i32
      %mul3A_262 = arith.constant 80 : i32
      %mul3A_263 = arith.muli %add3A_261, %mul3A_262 : i32
      %dma_start3A_264 = tpu.memref_slice %arg7[%mul3A_263] : memref<10000xi32, #tpu.memory_space<vmem>> -> memref<80xi32, #tpu.memory_space<vmem>>
      %dma_start3A_265 = arith.constant 0 : i32
      %dma_start3A_266 = arith.constant 0 : i32
      %dma_start3A_267 = tpu.memref_slice %arg3[%dma_start3A_265, %dma_start3A_266] : memref<10000x128xf32, #tpu.memory_space<hbm>> -> memref<10000x128xf32, #tpu.memory_space<hbm>>
      tpu.enqueue_indirect_dma source(%dma_start3A_267 : memref<10000x128xf32, #tpu.memory_space<hbm>>) target(%arg8 : memref<80x128xf32, #tpu.memory_space<vmem>>) offsets(%dma_start3A_264 : memref<80xi32, #tpu.memory_space<vmem>>) semaphore(%arg15 : memref<!tpu.dma_semaphore, #tpu.memory_space<semaphore_mem>>)
      %mul3A_268 = arith.constant 80 : i32
      %mul3A_269 = arith.muli %add3A_261, %mul3A_268 : i32
      %add3A_270 = arith.addi %mul3A_129, %mul3A_269 : i32
      %dma_start3A_271 = tpu.memref_slice %arg5[%add3A_270] : memref<320000xi32, #tpu.memory_space<hbm>> -> memref<80xi32, #tpu.memory_space<hbm>>
      %dma_start3A_272 = tpu.memref_slice %arg5[%add3A_270] : memref<320000xi32, #tpu.memory_space<hbm>> -> memref<80xi32, #tpu.memory_space<hbm>>
      tpu.enqueue_dma source(%dma_start3A_272 : memref<80xi32, #tpu.memory_space<hbm>>) target(%arg11 : memref<80xi32, #tpu.memory_space<vmem>>) target_semaphore(%arg21 : memref<!tpu.dma_semaphore, #tpu.memory_space<semaphore_mem>>)
      %dma_wait3A_273 = arith.constant 0 : i32
      %dma_wait3A_274 = arith.constant 0 : i32
      %dma_wait3A_275 = tpu.memref_slice %arg14[%dma_wait3A_273, %dma_wait3A_274] : memref<10000x128xf32, #tpu.memory_space<vmem_shared>> -> memref<10000x128xf32, #tpu.memory_space<vmem_shared>>
      tpu.wait_indirect_dma semaphore(%arg19 : memref<!tpu.dma_semaphore, #tpu.memory_space<semaphore_mem>>) src(%arg9 : memref<80x128xf32, #tpu.memory_space<vmem>>) dst(%dma_wait3A_275 : memref<10000x128xf32, #tpu.memory_space<vmem_shared>>)
      %add3A_276 = arith.constant 4 : i32
      %add3A_277 = arith.addi %mul3A_210, %add3A_276 : i32
      %mul3A_278 = arith.constant 80 : i32
      %mul3A_279 = arith.muli %add3A_277, %mul3A_278 : i32
      %dma_start3A_280 = tpu.memref_slice %arg7[%mul3A_279] : memref<10000xi32, #tpu.memory_space<vmem>> -> memref<80xi32, #tpu.memory_space<vmem>>
      %dma_start3A_281 = arith.constant 0 : i32
      %dma_start3A_282 = arith.constant 0 : i32
      %dma_start3A_283 = tpu.memref_slice %arg3[%dma_start3A_281, %dma_start3A_282] : memref<10000x128xf32, #tpu.memory_space<hbm>> -> memref<10000x128xf32, #tpu.memory_space<hbm>>
      tpu.enqueue_indirect_dma source(%dma_start3A_283 : memref<10000x128xf32, #tpu.memory_space<hbm>>) target(%arg9 : memref<80x128xf32, #tpu.memory_space<vmem>>) offsets(%dma_start3A_280 : memref<80xi32, #tpu.memory_space<vmem>>) semaphore(%arg16 : memref<!tpu.dma_semaphore, #tpu.memory_space<semaphore_mem>>)
      %mul3A_284 = arith.constant 80 : i32
      %mul3A_285 = arith.muli %add3A_277, %mul3A_284 : i32
      %add3A_286 = arith.addi %mul3A_129, %mul3A_285 : i32
      %dma_start3A_287 = tpu.memref_slice %arg5[%add3A_286] : memref<320000xi32, #tpu.memory_space<hbm>> -> memref<80xi32, #tpu.memory_space<hbm>>
      %dma_start3A_288 = tpu.memref_slice %arg5[%add3A_286] : memref<320000xi32, #tpu.memory_space<hbm>> -> memref<80xi32, #tpu.memory_space<hbm>>
      tpu.enqueue_dma source(%dma_start3A_288 : memref<80xi32, #tpu.memory_space<hbm>>) target(%arg12 : memref<80xi32, #tpu.memory_space<vmem>>) target_semaphore(%arg22 : memref<!tpu.dma_semaphore, #tpu.memory_space<semaphore_mem>>)
      %dma_wait3A_289 = arith.constant 0 : i32
      %dma_wait3A_290 = arith.constant 0 : i32
      %dma_wait3A_291 = tpu.memref_slice %arg14[%dma_wait3A_289, %dma_wait3A_290] : memref<10000x128xf32, #tpu.memory_space<vmem_shared>> -> memref<10000x128xf32, #tpu.memory_space<vmem_shared>>
      tpu.wait_indirect_dma semaphore(%arg20 : memref<!tpu.dma_semaphore, #tpu.memory_space<semaphore_mem>>) src(%arg10 : memref<80x128xf32, #tpu.memory_space<vmem>>) dst(%dma_wait3A_291 : memref<10000x128xf32, #tpu.memory_space<vmem_shared>>)
      %add3A_292 = arith.constant 5 : i32
      %add3A_293 = arith.addi %mul3A_210, %add3A_292 : i32
      %lt3A_294 = arith.constant 125 : i32
      %lt3A_295 = arith.cmpi slt, %add3A_293, %lt3A_294 : i32
      %convert_element_type3A = arith.extui %lt3A_295 : i1 to i32
      %cond3A = arith.constant 0 : i32
      %cond3A_296 = arith.cmpi ne, %convert_element_type3A, %cond3A : i32
      scf.if %cond3A_296 {
        %add3A_298 = arith.constant 5 : i32
        %add3A_299 = arith.addi %mul3A_210, %add3A_298 : i32
        %mul3A_300 = arith.constant 80 : i32
        %mul3A_301 = arith.muli %add3A_299, %mul3A_300 : i32
        %dma_start3A_302 = tpu.memref_slice %arg7[%mul3A_301] : memref<10000xi32, #tpu.memory_space<vmem>> -> memref<80xi32, #tpu.memory_space<vmem>>
        %dma_start3A_303 = arith.constant 0 : i32
        %dma_start3A_304 = arith.constant 0 : i32
        %dma_start3A_305 = tpu.memref_slice %arg3[%dma_start3A_303, %dma_start3A_304] : memref<10000x128xf32, #tpu.memory_space<hbm>> -> memref<10000x128xf32, #tpu.memory_space<hbm>>
        tpu.enqueue_indirect_dma source(%dma_start3A_305 : memref<10000x128xf32, #tpu.memory_space<hbm>>) target(%arg10 : memref<80x128xf32, #tpu.memory_space<vmem>>) offsets(%dma_start3A_302 : memref<80xi32, #tpu.memory_space<vmem>>) semaphore(%arg17 : memref<!tpu.dma_semaphore, #tpu.memory_space<semaphore_mem>>)
        %mul3A_306 = arith.constant 80 : i32
        %mul3A_307 = arith.muli %add3A_299, %mul3A_306 : i32
        %add3A_308 = arith.addi %mul3A_129, %mul3A_307 : i32
        %dma_start3A_309 = tpu.memref_slice %arg5[%add3A_308] : memref<320000xi32, #tpu.memory_space<hbm>> -> memref<80xi32, #tpu.memory_space<hbm>>
        %dma_start3A_310 = tpu.memref_slice %arg5[%add3A_308] : memref<320000xi32, #tpu.memory_space<hbm>> -> memref<80xi32, #tpu.memory_space<hbm>>
        tpu.enqueue_dma source(%dma_start3A_310 : memref<80xi32, #tpu.memory_space<hbm>>) target(%arg13 : memref<80xi32, #tpu.memory_space<vmem>>) target_semaphore(%arg23 : memref<!tpu.dma_semaphore, #tpu.memory_space<semaphore_mem>>)
      } else {
      }
      %scan3A_297 = arith.constant 0 : i32
      scf.yield %scan3A_297 : i32
    }
    %scan3A_163 = arith.constant 41 : i32
    %dma_wait3A_164 = arith.constant 9840 : i32
    %dma_wait3A_165 = tpu.memref_slice %arg7[%dma_wait3A_164] : memref<10000xi32, #tpu.memory_space<vmem>> -> memref<80xi32, #tpu.memory_space<vmem>>
    %dma_wait3A_166 = arith.constant 0 : i32
    %dma_wait3A_167 = arith.constant 0 : i32
    %dma_wait3A_168 = tpu.memref_slice %arg3[%dma_wait3A_166, %dma_wait3A_167] : memref<10000x128xf32, #tpu.memory_space<hbm>> -> memref<10000x128xf32, #tpu.memory_space<hbm>>
    tpu.wait_indirect_dma semaphore(%arg15 : memref<!tpu.dma_semaphore, #tpu.memory_space<semaphore_mem>>) src(%dma_wait3A_168 : memref<10000x128xf32, #tpu.memory_space<hbm>>) dst(%arg8 : memref<80x128xf32, #tpu.memory_space<vmem>>)
    %add3A_169 = arith.constant 9840 : i32
    %add3A_170 = arith.addi %mul3A_129, %add3A_169 : i32
    %dma_wait3A_171 = tpu.memref_slice %arg5[%add3A_170] : memref<320000xi32, #tpu.memory_space<hbm>> -> memref<80xi32, #tpu.memory_space<hbm>>
    %dma_wait3A_172 = tpu.memref_slice %arg5[%add3A_170] : memref<320000xi32, #tpu.memory_space<hbm>> -> memref<80xi32, #tpu.memory_space<hbm>>
    tpu.wait_dma2 semaphore(%arg21 : memref<!tpu.dma_semaphore, #tpu.memory_space<semaphore_mem>>) src(%dma_wait3A_172 : memref<80xi32, #tpu.memory_space<hbm>>) dst(%arg11 : memref<80xi32, #tpu.memory_space<vmem>>)
    %dma_start3A_173 = arith.constant 0 : i32
    %dma_start3A_174 = arith.constant 0 : i32
    %dma_start3A_175 = tpu.memref_slice %arg14[%dma_start3A_173, %dma_start3A_174] : memref<10000x128xf32, #tpu.memory_space<vmem_shared>> -> memref<10000x128xf32, #tpu.memory_space<vmem_shared>>
    tpu.enqueue_indirect_dma source(%arg8 : memref<80x128xf32, #tpu.memory_space<vmem>>) target(%dma_start3A_175 : memref<10000x128xf32, #tpu.memory_space<vmem_shared>>) offsets(%arg11 : memref<80xi32, #tpu.memory_space<vmem>>) semaphore(%arg18 : memref<!tpu.dma_semaphore, #tpu.memory_space<semaphore_mem>>) {add = true}
    %dma_wait3A_176 = arith.constant 9920 : i32
    %dma_wait3A_177 = tpu.memref_slice %arg7[%dma_wait3A_176] : memref<10000xi32, #tpu.memory_space<vmem>> -> memref<80xi32, #tpu.memory_space<vmem>>
    %dma_wait3A_178 = arith.constant 0 : i32
    %dma_wait3A_179 = arith.constant 0 : i32
    %dma_wait3A_180 = tpu.memref_slice %arg3[%dma_wait3A_178, %dma_wait3A_179] : memref<10000x128xf32, #tpu.memory_space<hbm>> -> memref<10000x128xf32, #tpu.memory_space<hbm>>
    tpu.wait_indirect_dma semaphore(%arg16 : memref<!tpu.dma_semaphore, #tpu.memory_space<semaphore_mem>>) src(%dma_wait3A_180 : memref<10000x128xf32, #tpu.memory_space<hbm>>) dst(%arg9 : memref<80x128xf32, #tpu.memory_space<vmem>>)
    %add3A_181 = arith.constant 9920 : i32
    %add3A_182 = arith.addi %mul3A_129, %add3A_181 : i32
    %dma_wait3A_183 = tpu.memref_slice %arg5[%add3A_182] : memref<320000xi32, #tpu.memory_space<hbm>> -> memref<80xi32, #tpu.memory_space<hbm>>
    %dma_wait3A_184 = tpu.memref_slice %arg5[%add3A_182] : memref<320000xi32, #tpu.memory_space<hbm>> -> memref<80xi32, #tpu.memory_space<hbm>>
    tpu.wait_dma2 semaphore(%arg22 : memref<!tpu.dma_semaphore, #tpu.memory_space<semaphore_mem>>) src(%dma_wait3A_184 : memref<80xi32, #tpu.memory_space<hbm>>) dst(%arg12 : memref<80xi32, #tpu.memory_space<vmem>>)
    %dma_start3A_185 = arith.constant 0 : i32
    %dma_start3A_186 = arith.constant 0 : i32
    %dma_start3A_187 = tpu.memref_slice %arg14[%dma_start3A_185, %dma_start3A_186] : memref<10000x128xf32, #tpu.memory_space<vmem_shared>> -> memref<10000x128xf32, #tpu.memory_space<vmem_shared>>
    tpu.enqueue_indirect_dma source(%arg9 : memref<80x128xf32, #tpu.memory_space<vmem>>) target(%dma_start3A_187 : memref<10000x128xf32, #tpu.memory_space<vmem_shared>>) offsets(%arg12 : memref<80xi32, #tpu.memory_space<vmem>>) semaphore(%arg19 : memref<!tpu.dma_semaphore, #tpu.memory_space<semaphore_mem>>) {add = true}
    %dma_wait3A_188 = arith.constant 0 : i32
    %dma_wait3A_189 = arith.constant 0 : i32
    %dma_wait3A_190 = tpu.memref_slice %arg14[%dma_wait3A_188, %dma_wait3A_189] : memref<10000x128xf32, #tpu.memory_space<vmem_shared>> -> memref<10000x128xf32, #tpu.memory_space<vmem_shared>>
    tpu.wait_indirect_dma semaphore(%arg18 : memref<!tpu.dma_semaphore, #tpu.memory_space<semaphore_mem>>) src(%arg8 : memref<80x128xf32, #tpu.memory_space<vmem>>) dst(%dma_wait3A_190 : memref<10000x128xf32, #tpu.memory_space<vmem_shared>>)
    %dma_wait3A_191 = arith.constant 0 : i32
    %dma_wait3A_192 = arith.constant 0 : i32
    %dma_wait3A_193 = tpu.memref_slice %arg14[%dma_wait3A_191, %dma_wait3A_192] : memref<10000x128xf32, #tpu.memory_space<vmem_shared>> -> memref<10000x128xf32, #tpu.memory_space<vmem_shared>>
    tpu.wait_indirect_dma semaphore(%arg19 : memref<!tpu.dma_semaphore, #tpu.memory_space<semaphore_mem>>) src(%arg9 : memref<80x128xf32, #tpu.memory_space<vmem>>) dst(%dma_wait3A_193 : memref<10000x128xf32, #tpu.memory_space<vmem_shared>>)
    %barrier3A_194 = arith.constant 0 : index
    tpu.barrier barrier_id(%barrier3A_194)
    %while3A_195 = arith.constant 0 : i32
    %while3A_196 = arith.constant 0 : i32
    %while3A_197 = arith.subi %select_n3A_107, %while3A_195 : i32
    %while3A_198 = arith.addi %while3A_195, %while3A_197 : i32
    %while3A_199 = arith.constant 1 : i32
    %while3A_200 = arith.divsi %while3A_197, %while3A_199 : i32
    %while3A_201 = arith.muli %while3A_200, %while3A_199 : i32
    %while3A_202 = arith.addi %while3A_195, %while3A_201 : i32
    %while3A_203 = arith.constant 1 : i32
    %while3A_204 = scf.for %while3A_207 = %while3A_195 to %while3A_202 step %while3A_203 iter_args(%while3A_208 = %while3A_196) -> (i32)  : i32 {
      %mul3A_209 = arith.constant 80 : i32
      %mul3A_210 = arith.muli %while3A_207, %mul3A_209 : i32
      %add3A_211 = arith.addi %mul3A_102, %mul3A_210 : i32
      %run_scoped3A = arith.constant 1 : i32
      "tpu.region"() ({
        %run_scoped3A_213 = tpu.sem_alloc : memref<!tpu.dma_semaphore, #tpu.memory_space<semaphore_mem>>
        %dma_start3A_214 = arith.constant 0 : i32
        %dma_start3A_215 = tpu.memref_slice %arg6[%run_scoped3A, %arg0, %add3A_211, %dma_start3A_214] : memref<2x2x10000x128xf32, #tpu.memory_space<hbm>> -> memref<1x1x80x128xf32, #tpu.memory_space<hbm>>
        %dma_start3A_216 = tpu.memref_squeeze %dma_start3A_215 : memref<1x1x80x128xf32, #tpu.memory_space<hbm>> -> memref<80x128xf32, #tpu.memory_space<hbm>>
        %dma_start3A_217 = arith.constant 0 : i32
        %dma_start3A_218 = tpu.memref_slice %arg14[%add3A_211, %dma_start3A_217] : memref<10000x128xf32, #tpu.memory_space<vmem_shared>> -> memref<80x128xf32, #tpu.memory_space<vmem_shared>>
        tpu.enqueue_dma source(%dma_start3A_218 : memref<80x128xf32, #tpu.memory_space<vmem_shared>>) target(%dma_start3A_216 : memref<80x128xf32, #tpu.memory_space<hbm>>) target_semaphore(%run_scoped3A_213 : memref<!tpu.dma_semaphore, #tpu.memory_space<semaphore_mem>>)
        %dma_wait3A_219 = arith.constant 0 : i32
        %dma_wait3A_220 = tpu.memref_slice %arg6[%run_scoped3A, %arg0, %add3A_211, %dma_wait3A_219] : memref<2x2x10000x128xf32, #tpu.memory_space<hbm>> -> memref<1x1x80x128xf32, #tpu.memory_space<hbm>>
        %dma_wait3A_221 = tpu.memref_squeeze %dma_wait3A_220 : memref<1x1x80x128xf32, #tpu.memory_space<hbm>> -> memref<80x128xf32, #tpu.memory_space<hbm>>
        %dma_wait3A_222 = arith.constant 0 : i32
        %dma_wait3A_223 = tpu.memref_slice %arg14[%add3A_211, %dma_wait3A_222] : memref<10000x128xf32, #tpu.memory_space<vmem_shared>> -> memref<80x128xf32, #tpu.memory_space<vmem_shared>>
        tpu.wait_dma2 semaphore(%run_scoped3A_213 : memref<!tpu.dma_semaphore, #tpu.memory_space<semaphore_mem>>) src(%dma_wait3A_223 : memref<80x128xf32, #tpu.memory_space<vmem_shared>>) dst(%dma_wait3A_221 : memref<80x128xf32, #tpu.memory_space<hbm>>)
        tpu.yield
      }) : () -> ()
      %while3A_212 = arith.constant 0 : i32
      scf.yield %while3A_212 : i32
    }
    %while3A_205 = arith.constant 1 : i32
    %while3A_206 = scf.for %while3A_207 = %while3A_202 to %while3A_198 step %while3A_205 iter_args(%while3A_208 = %while3A_204) -> (i32)  : i32 {
      %mul3A_209 = arith.constant 80 : i32
      %mul3A_210 = arith.muli %while3A_207, %mul3A_209 : i32
      %add3A_211 = arith.addi %mul3A_102, %mul3A_210 : i32
      %run_scoped3A = arith.constant 1 : i32
      "tpu.region"() ({
        %run_scoped3A_213 = tpu.sem_alloc : memref<!tpu.dma_semaphore, #tpu.memory_space<semaphore_mem>>
        %dma_start3A_214 = arith.constant 0 : i32
        %dma_start3A_215 = tpu.memref_slice %arg6[%run_scoped3A, %arg0, %add3A_211, %dma_start3A_214] : memref<2x2x10000x128xf32, #tpu.memory_space<hbm>> -> memref<1x1x80x128xf32, #tpu.memory_space<hbm>>
        %dma_start3A_216 = tpu.memref_squeeze %dma_start3A_215 : memref<1x1x80x128xf32, #tpu.memory_space<hbm>> -> memref<80x128xf32, #tpu.memory_space<hbm>>
        %dma_start3A_217 = arith.constant 0 : i32
        %dma_start3A_218 = tpu.memref_slice %arg14[%add3A_211, %dma_start3A_217] : memref<10000x128xf32, #tpu.memory_space<vmem_shared>> -> memref<80x128xf32, #tpu.memory_space<vmem_shared>>
        tpu.enqueue_dma source(%dma_start3A_218 : memref<80x128xf32, #tpu.memory_space<vmem_shared>>) target(%dma_start3A_216 : memref<80x128xf32, #tpu.memory_space<hbm>>) target_semaphore(%run_scoped3A_213 : memref<!tpu.dma_semaphore, #tpu.memory_space<semaphore_mem>>)
        %dma_wait3A_219 = arith.constant 0 : i32
        %dma_wait3A_220 = tpu.memref_slice %arg6[%run_scoped3A, %arg0, %add3A_211, %dma_wait3A_219] : memref<2x2x10000x128xf32, #tpu.memory_space<hbm>> -> memref<1x1x80x128xf32, #tpu.memory_space<hbm>>
        %dma_wait3A_221 = tpu.memref_squeeze %dma_wait3A_220 : memref<1x1x80x128xf32, #tpu.memory_space<hbm>> -> memref<80x128xf32, #tpu.memory_space<hbm>>
        %dma_wait3A_222 = arith.constant 0 : i32
        %dma_wait3A_223 = tpu.memref_slice %arg14[%add3A_211, %dma_wait3A_222] : memref<10000x128xf32, #tpu.memory_space<vmem_shared>> -> memref<80x128xf32, #tpu.memory_space<vmem_shared>>
        tpu.wait_dma2 semaphore(%run_scoped3A_213 : memref<!tpu.dma_semaphore, #tpu.memory_space<semaphore_mem>>) src(%dma_wait3A_223 : memref<80x128xf32, #tpu.memory_space<vmem_shared>>) dst(%dma_wait3A_221 : memref<80x128xf32, #tpu.memory_space<hbm>>)
        tpu.yield
      }) : () -> ()
      %while3A_212 = arith.constant 0 : i32
      scf.yield %while3A_212 : i32
    }
    return
  }
}

module attributes {stable_mosaic.version = 14 : i64} {
  func.func @_tc_a_body(%arg0: i32, %arg1: memref<2000x128xf32, #tpu.memory_space<vmem>>, %arg2: memref<128x256xf32, #tpu.memory_space<vmem>>, %arg3: memref<2000x2xf32, #tpu.memory_space<vmem>>, %arg4: memref<2000x128xf32, #tpu.memory_space<vmem>>, %arg5: memref<2000x128xf32, #tpu.memory_space<vmem>>) attributes {dimension_semantics = [#tpu.dimension_semantics<arbitrary>], iteration_bounds = array<i64: 5>, scalar_prefetch = 0 : i64, scratch_operands = 0 : i64, tpu.core_type = #tpu.core_type<tc>, window_params = [{transform_indices = @transform_0, window_bounds = array<i64: 2000, 128>}, {pipeline_mode = #tpu.pipeline_mode<synchronous>, transform_indices = @transform_1, window_bounds = array<i64: 128, 256>}, {transform_indices = @transform_2, window_bounds = array<i64: 2000, 2>}, {transform_indices = @transform_3, window_bounds = array<i64: 2000, 128>}, {transform_indices = @transform_4, window_bounds = array<i64: 2000, 128>}]} {
    %get3A = arith.constant 0 : index
    %get3A_0 = arith.constant 0 : index
    %get3A_1 = vector.load %arg3[%get3A, %get3A_0] : memref<2000x2xf32, #tpu.memory_space<vmem>>, vector<2000x2xf32>
    %reduce_sum3A = arith.constant dense<0.000000e+00> : vector<2000xf32>
    %reduce_sum3A_2 = vector.multi_reduction <add>, %get3A_1, %reduce_sum3A [1] : vector<2000x2xf32> to vector<2000xf32>
    %add3A = arith.constant 1.000000e+00 : f32
    %add3A_3 = vector.broadcast %add3A : f32 to vector<2000xf32>
    %add3A_4 = arith.addf %reduce_sum3A_2, %add3A_3 : vector<2000xf32>
    %rsqrt3A = math.rsqrt %add3A_4 : vector<2000xf32>
    %broadcast_in_dim3A = vector.shape_cast %rsqrt3A : vector<2000xf32> to vector<2000x1xf32>
    %get3A_5 = arith.constant 0 : index
    %get3A_6 = arith.constant 0 : index
    %get3A_7 = vector.load %arg1[%get3A_5, %get3A_6] : memref<2000x128xf32, #tpu.memory_space<vmem>>, vector<2000x128xf32>
    %get3A_8 = arith.constant 0 : index
    %get3A_9 = arith.constant 0 : index
    %get3A_10 = vector.load %arg2[%get3A_8, %get3A_9] : memref<128x256xf32, #tpu.memory_space<vmem>>, vector<128x256xf32>
    %dot_general3A = arith.constant dense<0.000000e+00> : vector<2000x256xf32>
    %dot_general3A_11 = tpu.matmul %get3A_7, %get3A_10, %dot_general3A {dimension_numbers = #tpu.dot_dimension_numbers<[1], [0], [0], [1], [0, 0, 1, 1], [], []>, transpose_lhs_hint = false} : vector<2000x128xf32>, vector<128x256xf32>, vector<2000x256xf32> -> vector<2000x256xf32>
    %mul3A = vector.broadcast %broadcast_in_dim3A : vector<2000x1xf32> to vector<2000x256xf32>
    %mul3A_12 = arith.mulf %dot_general3A_11, %mul3A : vector<2000x256xf32>
    %slice3A = vector.extract_strided_slice %mul3A_12 {offsets = [0, 0], sizes = [2000, 128], strides = [1, 1]} : vector<2000x256xf32> to vector<2000x128xf32>
    %swap3A = arith.constant 0 : index
    %swap3A_13 = arith.constant 0 : index
    %swap3A_14 = vector.load %arg4[%swap3A, %swap3A_13] : memref<2000x128xf32, #tpu.memory_space<vmem>>, vector<2000x128xf32>
    tpu.vector_store %arg4[%swap3A, %swap3A_13], %slice3A {strides = array<i32>} : memref<2000x128xf32, #tpu.memory_space<vmem>>, vector<2000x128xf32>,
    %slice3A_15 = vector.extract_strided_slice %mul3A_12 {offsets = [0, 128], sizes = [2000, 128], strides = [1, 1]} : vector<2000x256xf32> to vector<2000x128xf32>
    %swap3A_16 = arith.constant 0 : index
    %swap3A_17 = arith.constant 0 : index
    %swap3A_18 = vector.load %arg5[%swap3A_16, %swap3A_17] : memref<2000x128xf32, #tpu.memory_space<vmem>>, vector<2000x128xf32>
    tpu.vector_store %arg5[%swap3A_16, %swap3A_17], %slice3A_15 {strides = array<i32>} : memref<2000x128xf32, #tpu.memory_space<vmem>>, vector<2000x128xf32>,
    return
  }
  func.func @transform_0(%arg0: i32) -> (i32, i32) {
    %c0_i32 = arith.constant 0 : i32
    %c0_i32_0 = arith.constant 0 : i32
    return %arg0, %c0_i32 : i32, i32
  }
  func.func @transform_1(%arg0: i32) -> (i32, i32) {
    %c0_i32 = arith.constant 0 : i32
    %c0_i32_0 = arith.constant 0 : i32
    %c0_i32_1 = arith.constant 0 : i32
    return %c0_i32, %c0_i32_0 : i32, i32
  }
  func.func @transform_2(%arg0: i32) -> (i32, i32) {
    %c0_i32 = arith.constant 0 : i32
    %c0_i32_0 = arith.constant 0 : i32
    return %arg0, %c0_i32 : i32, i32
  }
  func.func @transform_3(%arg0: i32) -> (i32, i32) {
    %c0_i32 = arith.constant 0 : i32
    %c0_i32_0 = arith.constant 0 : i32
    return %arg0, %c0_i32 : i32, i32
  }
  func.func @transform_4(%arg0: i32) -> (i32, i32) {
    %c0_i32 = arith.constant 0 : i32
    %c0_i32_0 = arith.constant 0 : i32
    return %arg0, %c0_i32 : i32, i32
  }
}

module attributes {stable_mosaic.version = 14 : i64} {
  func.func @_tc_b_body(%arg0: i32, %arg1: memref<2x2x2000x128xf32, #tpu.memory_space<vmem>>, %arg2: memref<2000x128xf32, #tpu.memory_space<vmem>>, %arg3: memref<2000x128xf32, #tpu.memory_space<vmem>>, %arg4: memref<2000x2xf32, #tpu.memory_space<vmem>>, %arg5: memref<1x256xf32, #tpu.memory_space<vmem>>, %arg6: memref<1x1xf32, #tpu.memory_space<vmem>>, %arg7: memref<256x128xf32, #tpu.memory_space<vmem>>, %arg8: memref<2000x128xf32, #tpu.memory_space<vmem>>) attributes {dimension_semantics = [#tpu.dimension_semantics<arbitrary>], iteration_bounds = array<i64: 5>, scalar_prefetch = 0 : i64, scratch_operands = 0 : i64, tpu.core_type = #tpu.core_type<tc>, window_params = [{transform_indices = @transform_0, window_bounds = array<i64: 2, 2, 2000, 128>}, {transform_indices = @transform_1, window_bounds = array<i64: 2000, 128>}, {transform_indices = @transform_2, window_bounds = array<i64: 2000, 128>}, {transform_indices = @transform_3, window_bounds = array<i64: 2000, 2>}, {pipeline_mode = #tpu.pipeline_mode<synchronous>, transform_indices = @transform_4, window_bounds = array<i64: 1, 256>}, {pipeline_mode = #tpu.pipeline_mode<synchronous>, transform_indices = @transform_5, window_bounds = array<i64: 1, 1>}, {pipeline_mode = #tpu.pipeline_mode<synchronous>, transform_indices = @transform_6, window_bounds = array<i64: 256, 128>}, {transform_indices = @transform_7, window_bounds = array<i64: 2000, 128>}]} {
    %get3A = arith.constant 0 : index
    %get3A_0 = arith.constant 0 : index
    %get3A_1 = vector.load %arg4[%get3A, %get3A_0] : memref<2000x2xf32, #tpu.memory_space<vmem>>, vector<2000x2xf32>
    %reduce_sum3A = arith.constant dense<0.000000e+00> : vector<2000xf32>
    %reduce_sum3A_2 = vector.multi_reduction <add>, %get3A_1, %reduce_sum3A [1] : vector<2000x2xf32> to vector<2000xf32>
    %add3A = arith.constant 1.000000e+00 : f32
    %add3A_3 = vector.broadcast %add3A : f32 to vector<2000xf32>
    %add3A_4 = arith.addf %reduce_sum3A_2, %add3A_3 : vector<2000xf32>
    %rsqrt3A = math.rsqrt %add3A_4 : vector<2000xf32>
    %broadcast_in_dim3A = vector.shape_cast %rsqrt3A : vector<2000xf32> to vector<2000x1xf32>
    %get3A_5 = arith.constant 0 : index
    %get3A_6 = arith.constant 0 : index
    %get3A_7 = arith.constant 0 : index
    %get3A_8 = arith.constant 0 : index
    %get3A_9 = vector.load %arg1[%get3A_5, %get3A_6, %get3A_7, %get3A_8] : memref<2x2x2000x128xf32, #tpu.memory_space<vmem>>, vector<1x1x2000x128xf32>
    %get3A_10 = vector.shape_cast %get3A_9 : vector<1x1x2000x128xf32> to vector<2000x128xf32>
    %get3A_11 = arith.constant 0 : index
    %get3A_12 = arith.constant 1 : index
    %get3A_13 = arith.constant 0 : index
    %get3A_14 = arith.constant 0 : index
    %get3A_15 = vector.load %arg1[%get3A_11, %get3A_12, %get3A_13, %get3A_14] : memref<2x2x2000x128xf32, #tpu.memory_space<vmem>>, vector<1x1x2000x128xf32>
    %get3A_16 = vector.shape_cast %get3A_15 : vector<1x1x2000x128xf32> to vector<2000x128xf32>
    %add3A_17 = arith.addf %get3A_10, %get3A_16 : vector<2000x128xf32>
    %get3A_18 = arith.constant 0 : index
    %get3A_19 = arith.constant 0 : index
    %get3A_20 = vector.load %arg2[%get3A_18, %get3A_19] : memref<2000x128xf32, #tpu.memory_space<vmem>>, vector<2000x128xf32>
    %add3A_21 = arith.addf %add3A_17, %get3A_20 : vector<2000x128xf32>
    %mul3A = vector.broadcast %broadcast_in_dim3A : vector<2000x1xf32> to vector<2000x128xf32>
    %mul3A_22 = arith.mulf %mul3A, %add3A_21 : vector<2000x128xf32>
    %get3A_23 = arith.constant 0 : index
    %get3A_24 = arith.constant 0 : index
    %get3A_25 = vector.load %arg5[%get3A_23, %get3A_24] : memref<1x256xf32, #tpu.memory_space<vmem>>, vector<1x128xf32>
    %add3A_26 = vector.broadcast %get3A_25 : vector<1x128xf32> to vector<2000x128xf32>
    %add3A_27 = arith.addf %mul3A_22, %add3A_26 : vector<2000x128xf32>
    %get3A_28 = arith.constant 1 : index
    %get3A_29 = arith.constant 0 : index
    %get3A_30 = arith.constant 0 : index
    %get3A_31 = arith.constant 0 : index
    %get3A_32 = vector.load %arg1[%get3A_28, %get3A_29, %get3A_30, %get3A_31] : memref<2x2x2000x128xf32, #tpu.memory_space<vmem>>, vector<1x1x2000x128xf32>
    %get3A_33 = vector.shape_cast %get3A_32 : vector<1x1x2000x128xf32> to vector<2000x128xf32>
    %get3A_34 = arith.constant 1 : index
    %get3A_35 = arith.constant 1 : index
    %get3A_36 = arith.constant 0 : index
    %get3A_37 = arith.constant 0 : index
    %get3A_38 = vector.load %arg1[%get3A_34, %get3A_35, %get3A_36, %get3A_37] : memref<2x2x2000x128xf32, #tpu.memory_space<vmem>>, vector<1x1x2000x128xf32>
    %get3A_39 = vector.shape_cast %get3A_38 : vector<1x1x2000x128xf32> to vector<2000x128xf32>
    %add3A_40 = arith.addf %get3A_33, %get3A_39 : vector<2000x128xf32>
    %get3A_41 = arith.constant 0 : index
    %get3A_42 = arith.constant 0 : index
    %get3A_43 = vector.load %arg3[%get3A_41, %get3A_42] : memref<2000x128xf32, #tpu.memory_space<vmem>>, vector<2000x128xf32>
    %add3A_44 = arith.addf %add3A_40, %get3A_43 : vector<2000x128xf32>
    %mul3A_45 = vector.broadcast %broadcast_in_dim3A : vector<2000x1xf32> to vector<2000x128xf32>
    %mul3A_46 = arith.mulf %mul3A_45, %add3A_44 : vector<2000x128xf32>
    %get3A_47 = arith.constant 0 : index
    %get3A_48 = arith.constant 128 : index
    %get3A_49 = vector.load %arg5[%get3A_47, %get3A_48] : memref<1x256xf32, #tpu.memory_space<vmem>>, vector<1x128xf32>
    %add3A_50 = vector.broadcast %get3A_49 : vector<1x128xf32> to vector<2000x128xf32>
    %add3A_51 = arith.addf %mul3A_46, %add3A_50 : vector<2000x128xf32>
    %concatenate3A = tpu.concatenate %add3A_27, %add3A_51 in 1 : vector<2000x128xf32>, vector<2000x128xf32> -> vector<2000x256xf32>
    %get3A_52 = arith.constant 0 : index
    %get3A_53 = arith.constant 0 : index
    %get3A_54 = vector.load %arg6[%get3A_52, %get3A_53] : memref<1x1xf32, #tpu.memory_space<vmem>>, vector<1x1xf32>
    %get3A_55 = vector.extract %get3A_54[0, 0] : f32 from vector<1x1xf32>
    %ge3A = arith.constant 0.000000e+00 : f32
    %ge3A_56 = vector.broadcast %ge3A : f32 to vector<2000x256xf32>
    %ge3A_57 = arith.cmpf oge, %concatenate3A, %ge3A_56 : vector<2000x256xf32>
    %mul3A_58 = vector.broadcast %get3A_55 : f32 to vector<2000x256xf32>
    %mul3A_59 = arith.mulf %mul3A_58, %concatenate3A : vector<2000x256xf32>
    %select_n3A = arith.select %ge3A_57, %concatenate3A, %mul3A_59 : vector<2000x256xi1>, vector<2000x256xf32>
    %get3A_60 = arith.constant 0 : index
    %get3A_61 = arith.constant 0 : index
    %get3A_62 = vector.load %arg7[%get3A_60, %get3A_61] : memref<256x128xf32, #tpu.memory_space<vmem>>, vector<256x128xf32>
    %dot_general3A = arith.constant dense<0.000000e+00> : vector<2000x128xf32>
    %dot_general3A_63 = tpu.matmul %select_n3A, %get3A_62, %dot_general3A {dimension_numbers = #tpu.dot_dimension_numbers<[1], [0], [0], [1], [0, 0, 1, 1], [], []>, transpose_lhs_hint = false} : vector<2000x256xf32>, vector<256x128xf32>, vector<2000x128xf32> -> vector<2000x128xf32>
    %mul3A_64 = vector.broadcast %broadcast_in_dim3A : vector<2000x1xf32> to vector<2000x128xf32>
    %mul3A_65 = arith.mulf %dot_general3A_63, %mul3A_64 : vector<2000x128xf32>
    %swap3A = arith.constant 0 : index
    %swap3A_66 = arith.constant 0 : index
    %swap3A_67 = vector.load %arg8[%swap3A, %swap3A_66] : memref<2000x128xf32, #tpu.memory_space<vmem>>, vector<2000x128xf32>
    tpu.vector_store %arg8[%swap3A, %swap3A_66], %mul3A_65 {strides = array<i32>} : memref<2000x128xf32, #tpu.memory_space<vmem>>, vector<2000x128xf32>,
    return
  }
  func.func @transform_0(%arg0: i32) -> (i32, i32, i32, i32) {
    %c0_i32 = arith.constant 0 : i32
    %c0_i32_0 = arith.constant 0 : i32
    %c0_i32_1 = arith.constant 0 : i32
    %c0_i32_2 = arith.constant 0 : i32
    return %c0_i32, %c0_i32_0, %arg0, %c0_i32_1 : i32, i32, i32, i32
  }
  func.func @transform_1(%arg0: i32) -> (i32, i32) {
    %c0_i32 = arith.constant 0 : i32
    %c0_i32_0 = arith.constant 0 : i32
    return %arg0, %c0_i32 : i32, i32
  }
  func.func @transform_2(%arg0: i32) -> (i32, i32) {
    %c0_i32 = arith.constant 0 : i32
    %c0_i32_0 = arith.constant 0 : i32
    return %arg0, %c0_i32 : i32, i32
  }
  func.func @transform_3(%arg0: i32) -> (i32, i32) {
    %c0_i32 = arith.constant 0 : i32
    %c0_i32_0 = arith.constant 0 : i32
    return %arg0, %c0_i32 : i32, i32
  }
  func.func @transform_4(%arg0: i32) -> (i32, i32) {
    %c0_i32 = arith.constant 0 : i32
    %c0_i32_0 = arith.constant 0 : i32
    %c0_i32_1 = arith.constant 0 : i32
    return %c0_i32, %c0_i32_0 : i32, i32
  }
  func.func @transform_5(%arg0: i32) -> (i32, i32) {
    %c0_i32 = arith.constant 0 : i32
    %c0_i32_0 = arith.constant 0 : i32
    %c0_i32_1 = arith.constant 0 : i32
    return %c0_i32, %c0_i32_0 : i32, i32
  }
  func.func @transform_6(%arg0: i32) -> (i32, i32) {
    %c0_i32 = arith.constant 0 : i32
    %c0_i32_0 = arith.constant 0 : i32
    %c0_i32_1 = arith.constant 0 : i32
    return %c0_i32, %c0_i32_0 : i32, i32
  }
  func.func @transform_7(%arg0: i32) -> (i32, i32) {
    %c0_i32 = arith.constant 0 : i32
    %c0_i32_0 = arith.constant 0 : i32
    return %arg0, %c0_i32 : i32, i32
  }
}

module attributes {stable_mosaic.version = 14 : i64} {
  func.func @_tc_c_body(%arg0: i32, %arg1: memref<2x2000x128xf32, #tpu.memory_space<vmem>>, %arg2: memref<2000x128xf32, #tpu.memory_space<vmem>>, %arg3: memref<2000x2xf32, #tpu.memory_space<vmem>>, %arg4: memref<1x128xf32, #tpu.memory_space<vmem>>, %arg5: memref<1x1xf32, #tpu.memory_space<vmem>>, %arg6: memref<128x128xf32, #tpu.memory_space<vmem>>, %arg7: memref<1x128xf32, #tpu.memory_space<vmem>>, %arg8: memref<128x128xf32, #tpu.memory_space<vmem>>, %arg9: memref<1x128xf32, #tpu.memory_space<vmem>>, %arg10: memref<2000x128xf32, #tpu.memory_space<vmem>>) attributes {dimension_semantics = [#tpu.dimension_semantics<arbitrary>], iteration_bounds = array<i64: 5>, scalar_prefetch = 0 : i64, scratch_operands = 0 : i64, tpu.core_type = #tpu.core_type<tc>, window_params = [{transform_indices = @transform_0, window_bounds = array<i64: 2, 2000, 128>}, {transform_indices = @transform_1, window_bounds = array<i64: 2000, 128>}, {transform_indices = @transform_2, window_bounds = array<i64: 2000, 2>}, {pipeline_mode = #tpu.pipeline_mode<synchronous>, transform_indices = @transform_3, window_bounds = array<i64: 1, 128>}, {pipeline_mode = #tpu.pipeline_mode<synchronous>, transform_indices = @transform_4, window_bounds = array<i64: 1, 1>}, {pipeline_mode = #tpu.pipeline_mode<synchronous>, transform_indices = @transform_5, window_bounds = array<i64: 128, 128>}, {pipeline_mode = #tpu.pipeline_mode<synchronous>, transform_indices = @transform_6, window_bounds = array<i64: 1, 128>}, {pipeline_mode = #tpu.pipeline_mode<synchronous>, transform_indices = @transform_7, window_bounds = array<i64: 128, 128>}, {pipeline_mode = #tpu.pipeline_mode<synchronous>, transform_indices = @transform_8, window_bounds = array<i64: 1, 128>}, {transform_indices = @transform_9, window_bounds = array<i64: 2000, 128>}]} {
    %get3A = arith.constant 0 : index
    %get3A_0 = arith.constant 0 : index
    %get3A_1 = vector.load %arg3[%get3A, %get3A_0] : memref<2000x2xf32, #tpu.memory_space<vmem>>, vector<2000x2xf32>
    %reduce_sum3A = arith.constant dense<0.000000e+00> : vector<2000xf32>
    %reduce_sum3A_2 = vector.multi_reduction <add>, %get3A_1, %reduce_sum3A [1] : vector<2000x2xf32> to vector<2000xf32>
    %add3A = arith.constant 1.000000e+00 : f32
    %add3A_3 = vector.broadcast %add3A : f32 to vector<2000xf32>
    %add3A_4 = arith.addf %reduce_sum3A_2, %add3A_3 : vector<2000xf32>
    %rsqrt3A = math.rsqrt %add3A_4 : vector<2000xf32>
    %broadcast_in_dim3A = vector.shape_cast %rsqrt3A : vector<2000xf32> to vector<2000x1xf32>
    %get3A_5 = arith.constant 0 : index
    %get3A_6 = arith.constant 0 : index
    %get3A_7 = vector.load %arg5[%get3A_5, %get3A_6] : memref<1x1xf32, #tpu.memory_space<vmem>>, vector<1x1xf32>
    %get3A_8 = vector.extract %get3A_7[0, 0] : f32 from vector<1x1xf32>
    %get3A_9 = arith.constant 0 : index
    %get3A_10 = arith.constant 0 : index
    %get3A_11 = arith.constant 0 : index
    %get3A_12 = vector.load %arg1[%get3A_9, %get3A_10, %get3A_11] : memref<2x2000x128xf32, #tpu.memory_space<vmem>>, vector<1x2000x128xf32>
    %get3A_13 = vector.shape_cast %get3A_12 : vector<1x2000x128xf32> to vector<2000x128xf32>
    %get3A_14 = arith.constant 1 : index
    %get3A_15 = arith.constant 0 : index
    %get3A_16 = arith.constant 0 : index
    %get3A_17 = vector.load %arg1[%get3A_14, %get3A_15, %get3A_16] : memref<2x2000x128xf32, #tpu.memory_space<vmem>>, vector<1x2000x128xf32>
    %get3A_18 = vector.shape_cast %get3A_17 : vector<1x2000x128xf32> to vector<2000x128xf32>
    %add3A_19 = arith.addf %get3A_13, %get3A_18 : vector<2000x128xf32>
    %get3A_20 = arith.constant 0 : index
    %get3A_21 = arith.constant 0 : index
    %get3A_22 = vector.load %arg2[%get3A_20, %get3A_21] : memref<2000x128xf32, #tpu.memory_space<vmem>>, vector<2000x128xf32>
    %add3A_23 = arith.addf %add3A_19, %get3A_22 : vector<2000x128xf32>
    %mul3A = vector.broadcast %broadcast_in_dim3A : vector<2000x1xf32> to vector<2000x128xf32>
    %mul3A_24 = arith.mulf %mul3A, %add3A_23 : vector<2000x128xf32>
    %get3A_25 = arith.constant 0 : index
    %get3A_26 = arith.constant 0 : index
    %get3A_27 = vector.load %arg4[%get3A_25, %get3A_26] : memref<1x128xf32, #tpu.memory_space<vmem>>, vector<1x128xf32>
    %add3A_28 = vector.broadcast %get3A_27 : vector<1x128xf32> to vector<2000x128xf32>
    %add3A_29 = arith.addf %mul3A_24, %add3A_28 : vector<2000x128xf32>
    %ge3A = arith.constant 0.000000e+00 : f32
    %ge3A_30 = vector.broadcast %ge3A : f32 to vector<2000x128xf32>
    %ge3A_31 = arith.cmpf oge, %add3A_29, %ge3A_30 : vector<2000x128xf32>
    %mul3A_32 = vector.broadcast %get3A_8 : f32 to vector<2000x128xf32>
    %mul3A_33 = arith.mulf %mul3A_32, %add3A_29 : vector<2000x128xf32>
    %select_n3A = arith.select %ge3A_31, %add3A_29, %mul3A_33 : vector<2000x128xi1>, vector<2000x128xf32>
    %get3A_34 = arith.constant 0 : index
    %get3A_35 = arith.constant 0 : index
    %get3A_36 = vector.load %arg6[%get3A_34, %get3A_35] : memref<128x128xf32, #tpu.memory_space<vmem>>, vector<128x128xf32>
    %dot_general3A = arith.constant dense<0.000000e+00> : vector<2000x128xf32>
    %dot_general3A_37 = tpu.matmul %select_n3A, %get3A_36, %dot_general3A {dimension_numbers = #tpu.dot_dimension_numbers<[1], [0], [0], [1], [0, 0, 1, 1], [], []>, transpose_lhs_hint = false} : vector<2000x128xf32>, vector<128x128xf32>, vector<2000x128xf32> -> vector<2000x128xf32>
    %get3A_38 = arith.constant 0 : index
    %get3A_39 = arith.constant 0 : index
    %get3A_40 = vector.load %arg7[%get3A_38, %get3A_39] : memref<1x128xf32, #tpu.memory_space<vmem>>, vector<1x128xf32>
    %add3A_41 = vector.broadcast %get3A_40 : vector<1x128xf32> to vector<2000x128xf32>
    %add3A_42 = arith.addf %dot_general3A_37, %add3A_41 : vector<2000x128xf32>
    %gt3A = arith.constant 0.000000e+00 : f32
    %gt3A_43 = vector.broadcast %gt3A : f32 to vector<2000x128xf32>
    %gt3A_44 = arith.cmpf ogt, %add3A_42, %gt3A_43 : vector<2000x128xf32>
    %exp3A = math.exp %add3A_42 : vector<2000x128xf32>
    %sub3A = arith.constant 1.000000e+00 : f32
    %sub3A_45 = vector.broadcast %sub3A : f32 to vector<2000x128xf32>
    %sub3A_46 = arith.subf %exp3A, %sub3A_45 : vector<2000x128xf32>
    %select_n3A_47 = arith.select %gt3A_44, %add3A_42, %sub3A_46 : vector<2000x128xi1>, vector<2000x128xf32>
    %get3A_48 = arith.constant 0 : index
    %get3A_49 = arith.constant 0 : index
    %get3A_50 = vector.load %arg8[%get3A_48, %get3A_49] : memref<128x128xf32, #tpu.memory_space<vmem>>, vector<128x128xf32>
    %dot_general3A_51 = arith.constant dense<0.000000e+00> : vector<2000x128xf32>
    %dot_general3A_52 = tpu.matmul %select_n3A_47, %get3A_50, %dot_general3A_51 {dimension_numbers = #tpu.dot_dimension_numbers<[1], [0], [0], [1], [0, 0, 1, 1], [], []>, transpose_lhs_hint = false} : vector<2000x128xf32>, vector<128x128xf32>, vector<2000x128xf32> -> vector<2000x128xf32>
    %get3A_53 = arith.constant 0 : index
    %get3A_54 = arith.constant 0 : index
    %get3A_55 = vector.load %arg9[%get3A_53, %get3A_54] : memref<1x128xf32, #tpu.memory_space<vmem>>, vector<1x128xf32>
    %add3A_56 = vector.broadcast %get3A_55 : vector<1x128xf32> to vector<2000x128xf32>
    %add3A_57 = arith.addf %dot_general3A_52, %add3A_56 : vector<2000x128xf32>
    %swap3A = arith.constant 0 : index
    %swap3A_58 = arith.constant 0 : index
    %swap3A_59 = vector.load %arg10[%swap3A, %swap3A_58] : memref<2000x128xf32, #tpu.memory_space<vmem>>, vector<2000x128xf32>
    tpu.vector_store %arg10[%swap3A, %swap3A_58], %add3A_57 {strides = array<i32>} : memref<2000x128xf32, #tpu.memory_space<vmem>>, vector<2000x128xf32>,
    return
  }
  func.func @transform_0(%arg0: i32) -> (i32, i32, i32) {
    %c0_i32 = arith.constant 0 : i32
    %c0_i32_0 = arith.constant 0 : i32
    %c0_i32_1 = arith.constant 0 : i32
    return %c0_i32, %arg0, %c0_i32_0 : i32, i32, i32
  }
  func.func @transform_1(%arg0: i32) -> (i32, i32) {
    %c0_i32 = arith.constant 0 : i32
    %c0_i32_0 = arith.constant 0 : i32
    return %arg0, %c0_i32 : i32, i32
  }
  func.func @transform_2(%arg0: i32) -> (i32, i32) {
    %c0_i32 = arith.constant 0 : i32
    %c0_i32_0 = arith.constant 0 : i32
    return %arg0, %c0_i32 : i32, i32
  }
  func.func @transform_3(%arg0: i32) -> (i32, i32) {
    %c0_i32 = arith.constant 0 : i32
    %c0_i32_0 = arith.constant 0 : i32
    %c0_i32_1 = arith.constant 0 : i32
    return %c0_i32, %c0_i32_0 : i32, i32
  }
  func.func @transform_4(%arg0: i32) -> (i32, i32) {
    %c0_i32 = arith.constant 0 : i32
    %c0_i32_0 = arith.constant 0 : i32
    %c0_i32_1 = arith.constant 0 : i32
    return %c0_i32, %c0_i32_0 : i32, i32
  }
  func.func @transform_5(%arg0: i32) -> (i32, i32) {
    %c0_i32 = arith.constant 0 : i32
    %c0_i32_0 = arith.constant 0 : i32
    %c0_i32_1 = arith.constant 0 : i32
    return %c0_i32, %c0_i32_0 : i32, i32
  }
  func.func @transform_6(%arg0: i32) -> (i32, i32) {
    %c0_i32 = arith.constant 0 : i32
    %c0_i32_0 = arith.constant 0 : i32
    %c0_i32_1 = arith.constant 0 : i32
    return %c0_i32, %c0_i32_0 : i32, i32
  }
  func.func @transform_7(%arg0: i32) -> (i32, i32) {
    %c0_i32 = arith.constant 0 : i32
    %c0_i32_0 = arith.constant 0 : i32
    %c0_i32_1 = arith.constant 0 : i32
    return %c0_i32, %c0_i32_0 : i32, i32
  }
  func.func @transform_8(%arg0: i32) -> (i32, i32) {
    %c0_i32 = arith.constant 0 : i32
    %c0_i32_0 = arith.constant 0 : i32
    %c0_i32_1 = arith.constant 0 : i32
    return %c0_i32, %c0_i32_0 : i32, i32
  }
  func.func @transform_9(%arg0: i32) -> (i32, i32) {
    %c0_i32 = arith.constant 0 : i32
    %c0_i32_0 = arith.constant 0 : i32
    return %arg0, %c0_i32 : i32, i32
  }
}

</mosaic_0001>

<sc_bundles>
// kernel: kernel.11.cloned.1.call-start
scs
__scs_entry_jumppad:
0x0: {  	(pc) =	sbr.rel $0x88, $3  }
0x1: {  	(tag) =	ssettag $0x0;
	lr =	simm.s32 $0x1  }
0x2: {  	[smem:$0x3F96] =	sst lr;
	_ =	strace $0xD0000000  }
0x3: {  	_ = 	snop  }
0x4: {  	_ = 	snop  }
0x5: {  	_ = 	snop  }
0x6: {  	_ = 	snop  }
0x7: {  	_ = 	snop  }
__scs_overlays_trampoline_lowered:
0x8: {  	[smem:$0x3FA5] =	sst s0  }
0x9: {  	[smem:$0x3FA6] =	sst s1  }
0xa: {  	[smem:$0x3FA7] =	sst s2  }
0xb: {  	[smem:$0x3FA8] =	sst s3  }
0xc: {  	[smem:$0x3FA9] =	sst s4  }
0xd: {  	[smem:$0x3FAA] =	sst s5  }
0xe: {  	[smem:$0x3FAB] =	sst s6  }
0xf: {  	[smem:$0x3FAC] =	sst s7  }
0x10: {  	[smem:$0x3FAD] =	sst s8  }
0x11: {  	[smem:$0x3FAE] =	sst s9;
	s0 =	simm.s32 @!p0 $0x0  }
0x12: {  	s1 =	sld [smem:$0x3F94];
	s0 =	simm.s32 @p0 $0x1  }
0x13: {  	[smem:$0x3FAF] =	sst s0;
	s0 =	simm.s32 @!p1 $0x0  }
0x14: {  	s2 =	sld [smem:$0x3F93];
	s0 =	simm.s32 @p1 $0x1  }
0x15: {  	[smem:$0x3FB0] =	sst s0;
	s0 =	simm.s32 @!p2 $0x0  }
0x16: {  	s3 =	sld [smem:$0x3FDB];
	s0 =	simm.s32 @p2 $0x1  }
0x17: {  	s4 =	simm.s32 $0x1BF5;
	[smem:$0x3FB2] =	sst s0  }
0x18: {  	s0 =	sld [smem:$0x3F95];
	_ =	swait.ge [sflag:s4], $0x0  }
0x19: {  	s7 =	sld [smem:$0x3F96]  }
0x1a: {  	s8 =	sadd.s32 $0xFFFFE003, lr  }
0x1b: {  	s9 =	sadd.s32 $0xFFFFFEF7, lr;
	s5 =	simm.s32 $0xFFFFFFFF;
	p2 =	slt.u32 s8, $0xFFFFF086  }
0x1c: {  	p1 =	slt.u32 s9, $0xF7A;
	s5 =	simm.s32 @!p2 $0x0  }
0x1d: {  	s5 =	simm.s32 @p1 $0x1;
	p0 =	seq.s32 s7, s2  }
0x1e: {  	s7 =	smul.u32 @!p0 $0xF7A, s2;
	p2 =	seq.s32 @!p0 s5, $0x0  }
0x1f: {  	s9 =	smul.u32 $0xF7A, s1;
	s8 =	simm.s32 @!p0 $0x1BF5;
	p2 =	por !p2, p0  }
0x20: {  	[sflag:s8] =	ssyncset.s32 @!p0 $0xFFFFF086;
	s6 =	sadd.s32 @!p0 s3, s7;
	s7 =	simm.s32 @!p0 $0x108  }
0x21: {  	s3 =	sadd.s32 s3, s9;
	s6 =	sadd.s32 @!p0 $0x88, s6;
	s7 =	simm.s32 @p2 $0x1082  }
0x22: {  	[simem:s7], [sflag:s8] =	dma.local @!p0 [hbm:s6], $0xF7A  }
0x23: {  	s9 =	sor.u32 $0xD0000000, s2;
	s6 =	simm.s32 $0x108;
	_ =	swait.ge @!p0 [sflag:s8], $0x0  }
0x24: {  	s3 =	sadd.s32 $0x88, s3;
	s6 =	simm.s32 @!p1 $0x1082;
	[sflag:s4] =	ssyncset.s32 $0xFFFFF086  }
0x25: {  	[simem:s6], [sflag:s4] =	dma.local [hbm:s3], $0xF7A  }
0x26: {  	[smem:$0x3F96] =	sst s1;
	(tag) =	ssettag s2;
	_ =	strace s9  }
0x27: {  	s1 =	sld [smem:$0x3FA6]  }
0x28: {  	s2 =	sld [smem:$0x3FA7]  }
0x29: {  	s4 =	sld [smem:$0x3FA9]  }
0x2a: {  	p0 =	seq.s32 s5, $0x0;
	s5 =	sld [smem:$0x3FAA]  }
0x2b: {  	s6 =	sld [smem:$0x3FAB]  }
0x2c: {  	s7 =	sld [smem:$0x3FAC]  }
0x2d: {  	s3 =	simm.s32 $0x108;
	s8 =	sld [smem:$0x3FAD]  }
0x2e: {  	s3 =	simm.s32 @!p0 $0x1082;
	s9 =	sld [smem:$0x3FAE]  }
0x2f: {  	lr =	sadd.s32 s0, s3;
	s0 =	sld [smem:$0x3FA5]  }
0x30: {  	s3 =	sld [smem:$0x3FA8]  }
0x31: {  	[smem:$0x3FB1] =	sst s10  }
0x32: {  	s10 =	sld [smem:$0x3FAF];
	_ =	sdelay $0x3  }
0x33: {  	p0 =	seq.s32 s10, $0x1;
	s10 =	sld [smem:$0x3FB1];
	_ =	sdelay $0x3  }
0x34: {  	[smem:$0x3FB1] =	sst s10  }
0x35: {  	s10 =	sld [smem:$0x3FB0];
	_ =	sdelay $0x3  }
0x36: {  	p1 =	seq.s32 s10, $0x1;
	s10 =	sld [smem:$0x3FB1];
	_ =	sdelay $0x3  }
0x37: {  	[smem:$0x3FB1] =	sst s10  }
0x38: {  	s10 =	sld [smem:$0x3FB2]  }
0x39: {  	_ = 	snop;
	(pc) =	sbr.ind lr, $3  }
0x3a: {  	_ = 	snop  }
0x3b: {  	_ = 	snop  }
0x3c: {  	p2 =	seq.s32 s10, $0x1;
	s10 =	sld [smem:$0x3FB1]  }
0x3d: {  	_ =	shalt  }
0x3e: {  	_ =	shalt  }
0x3f: {  	_ =	shalt  }
0x40: {  	_ =	shalt  }
0x41: {  	_ =	shalt  }
0x42: {  	_ =	shalt  }
0x43: {  	_ =	shalt  }
0x44: {  	_ =	shalt  }
0x45: {  	_ =	shalt  }
0x46: {  	_ =	shalt  }
0x47: {  	_ =	shalt  }
0x48: {  	_ =	shalt  }
0x49: {  	_ =	shalt  }
0x4a: {  	_ =	shalt  }
0x4b: {  	_ =	shalt  }
0x4c: {  	_ =	shalt  }
0x4d: {  	_ =	shalt  }
0x4e: {  	_ =	shalt  }
0x4f: {  	_ =	shalt  }
0x50: {  	_ =	shalt  }
0x51: {  	_ =	shalt  }
0x52: {  	_ =	shalt  }
0x53: {  	_ =	shalt  }
0x54: {  	_ =	shalt  }
0x55: {  	_ =	shalt  }
0x56: {  	_ =	shalt  }
0x57: {  	_ =	shalt  }
0x58: {  	_ =	shalt  }
0x59: {  	_ =	shalt  }
0x5a: {  	_ =	shalt  }
0x5b: {  	_ =	shalt  }
0x5c: {  	_ =	shalt  }
0x5d: {  	_ =	shalt  }
0x5e: {  	_ =	shalt  }
0x5f: {  	_ =	shalt  }
0x60: {  	_ =	shalt  }
0x61: {  	_ =	shalt  }
0x62: {  	_ =	shalt  }
0x63: {  	_ =	shalt  }
0x64: {  	_ =	shalt  }
0x65: {  	_ =	shalt  }
0x66: {  	_ =	shalt  }
0x67: {  	_ =	shalt  }
0x68: {  	_ =	shalt  }
0x69: {  	_ =	shalt  }
0x6a: {  	_ =	shalt  }
0x6b: {  	_ =	shalt  }
0x6c: {  	_ =	shalt  }
0x6d: {  	_ =	shalt  }
0x6e: {  	_ =	shalt  }
0x6f: {  	_ =	shalt  }
0x70: {  	_ =	shalt  }
0x71: {  	_ =	shalt  }
0x72: {  	_ =	shalt  }
0x73: {  	_ =	shalt  }
0x74: {  	_ =	shalt  }
0x75: {  	_ =	shalt  }
0x76: {  	_ =	shalt  }
0x77: {  	_ =	shalt  }
0x78: {  	_ =	shalt  }
0x79: {  	_ =	shalt  }
0x7a: {  	_ =	shalt  }
0x7b: {  	_ =	shalt  }
0x7c: {  	_ =	shalt  }
0x7d: {  	_ =	shalt  }
0x7e: {  	_ =	shalt  }
0x7f: {  	_ =	shalt  }
0x80: {  	_ =	shalt  }
0x81: {  	_ =	shalt  }
0x82: {  	_ =	shalt  }
0x83: {  	_ =	shalt  }
0x84: {  	_ =	shalt  }
0x85: {  	_ =	shalt  }
0x86: {  	_ =	shalt  }
0x87: {  	_ =	shalt  }
.Lfunc_end0:
.L_simem_size_0:
called_computation.1_lowered:
.L_overlay_start_0:
0x88: {  	s2 =	sld [smem:$0x3FD9]  }
0x89: {  	s3 =	sld [smem:$0x3FFE];
	_ =	sdelay $0x1  }
0x8a: {  	s1 =	srdreg.scid  }
0x8b: {  	s0 =	sand.u32 $0x1, s1  }
0x8c: {  	s17 =	sshll.u32 s0, $0xA;
	s2 =	sadd.s32 s3, s2  }
0x8d: {  	s2 =	sadd.s32 s2, s17  }
0x8e: {  	[smem:$0x3FBD] =	sst s2  }
0x8f: {  	_ = 	snop  }
0x90: {  	s2 =	sld [smem:$0x3FD0];
	(tm) =	ssettm $0x1  }
0x91: {  	s18 =	sld [smem:$0x3FFB];
	_ =	sdelay $0x3  }
0x92: {  	_ =	strace s18  }
0x93: {  	s3 =	sld [smem:$0x3FFC];
	_ =	sdelay $0x3  }
0x94: {  	_ =	strace s3  }
0x95: {  	s3 =	sld [smem:$0x3FFD];
	_ =	sdelay $0x3  }
0x96: {  	_ =	strace s3  }
0x97: {  	_ =	strace $0x8FFFFFFF  }
0x98: {  	s19 =	sld [smem:$0x3FDB];
	_ =	sdelay $0x1  }
0x99: {  	s4 =	simm.s32 $_scs_section_size  }
0x9a: {  	s5 =	simm.s32 $_size__tile_overlayer_lowered;
	s6 =	simm.s32 $_tile_overlayer_lowered  }
0x9b: {  	s22 =	simm.s32 $0x1BFF;
	s21 =	sshll.u32 s6, $0x1;
	s3 =	sadd.s32 s4, s19  }
0x9c: {  	s7 =	simm.s32 $0x0;
	s20 =	sshll.u32 s5, $0x1;
	s5 =	sadd.s32 s21, s3  }
0x9d: {  	[timem:s7], [sflag:s22] =	dma.local [hbm:s5], s20  }
0x9e: {  	_ =	swait.ge [sflag:s22], s20  }
0x9f: {  	s4 =	ssub.s32 $0x0, s20;
	[sflag:s22] =	ssyncset.done $0x0  }
0xa0: {  	[sflag:s22] =	ssyncadd.s32 s4;
	_ =	sdelay $0x1  }
0xa1: {  	s23 =	simm.s32 $0x1B8B  }
0xa2: {  	_ =	swait.ge [sflag:s23], $0x1  }
0xa3: {  	[sflag:s23] =	ssyncset.done $0x0  }
0xa4: {  	s25 =	simm.s32 $0x1B8E;
	s24 =	sld [smem:$0x3FFE];
	[sflag:s23] =	ssyncadd.s32 $0xFFFFFFFF  }
0xa5: {  	s26 =	simm.s32 $execute0_lowered;
	[smem:$0x3FD2] =	sst s25  }
0xa6: {  	s5 =	sshll.u32 s26, $0x1;
	_ =	strace $0x80000049;
	[dreg:$0x1] =	wrdreg $0xFFFFFFFF  }
0xa7: {  	s28 =	simm.s32 $_size_execute0_lowered;
	s3 =	sadd.s32 s3, s5;
	[dreg:$0x0] =	wrdreg $0x0  }
0xa8: {  	s5 =	sshll.u32 s28, $0x1;
	[dreg:$0x2] =	wrdreg s3  }
0xa9: {  	[dreg:$0x3] =	wrdreg s5  }
0xaa: {  	[dreg:$0x4] =	wrdreg $0xC0  }
0xab: {  	_ =	task [dreg:s7], $0x5FFFF  }
0xac: {  	[dreg:$0x1] =	wrdreg $0xFFFFFFFF  }
0xad: {  	[dreg:$0x0] =	wrdreg $0x60  }
0xae: {  	[dreg:$0x2] =	wrdreg s2  }
0xaf: {  	[dreg:$0x3] =	wrdreg s24  }
0xb0: {  	[dreg:$0x4] =	wrdreg $0xA1000  }
0xb1: {  	[dreg:$0x5] =	wrdreg $0x9  }
0xb2: {  	_ =	task.clear_ibuf [dreg:s7], $0x6FFFF;
	_ =	strace $0x90000049  }
0xb3: {  	s29 =	simm.s32 $0x9;
	_ =	strace $0x8000004B  }
0xb4: {  	_ =	swait.ge [sflag:s29], $0x1  }
0xb5: {  	[sflag:s29] =	ssyncadd.s32 $0xFFFFFFFF  }
0xb6: {  	_ =	strace $0x9000004B  }
0xb7: {  	_ =	sfence  }
0xb8: {  	s30 =	sld [smem:$0x0];
	_ =	sdelay $0x2  }
0xb9: {  	s31 =	sshll.u32 s1, $0xD;
	s1 =	sshrl.u32 s1, $0x2  }
0xba: {  	s3 =	sand.u32 $0x4000, s31;
	s1 =	sadd.s32 s1, s30  }
0xbb: {  	s0 =	sor.u32 s3, s0;
	s1 =	sshll.u32 s1, $0x11  }
0xbc: {  	s0 =	sor.u32 s1, s0  }
0xbd: {  	s0 =	sadd.s32 $0x8F2B, s0  }
0xbe: {  	[sflag:s0] =	ssyncadd.remote.s32 $0x1  }
0xbf: {  	_ =	sfence.sel $0xFFFF  }
0xc0: {  	[dreg:$0x0] =	wrdreg $0xFFFFFFFF;
	(pc) =	sbr.abs _section_cstart, $3  }
0xc1: {  	[dreg:$0x1] =	wrdreg $0xFFFFFFFF  }
0xc2: {  	_ =	task.clear_ibuf [dreg:s7], $0x2FFFF;
	_ =	strace $0x9FFFFFFF  }
0xc3: {  	(tm) =	ssettm $0x7FFFFFFF  }
tec
execute0_lowered:
.L_overlay_start_1:
0x0: {  	(tag) =	ssettag $0x1  }
0x1: {  	s0 =	srdreg.scid  }
0x2: {  	s1 =	stileid.u32;
	s2 =	rddreg [dreg:$0x1]  }
0x3: {  	s3 =	rddreg [dreg:$0x2];
	s19 =	simm.s32 $0x5;
	s28 =	simm.s32 $0x4F80  }
0x4: {  	s29 =	simm.s32 $0xA000;
	s31 =	simm.s32 $0x7780;
	s14 =	smul.u32 $0x4E20, s1  }
0x5: {  	s30 =	simm.s32 $0x8;
	s0 =	sand.u32 $0x1, s0;
	s16 =	smul.u32 $0x50000, s1  }
0x6: {  	s4 =	sshll.u32 s1, $0x1;
	s6 =	sadd.s32 $0xD800, s2;
	s22 =	smul.u32 $0x14000, s1  }
0x7: {  	s7 =	sadd.s32 $0x3E800, s2;
	p0 =	seq.s32 s1, $0xF;
	s13 =	smul.u32 $0x138800, s0  }
0x8: {  	s5 =	sor.u32 s0, s4;
	s9 =	ssub.s32 $0x2, s0;
	s0 =	smul.u32 $0x2710, s0  }
0x9: {  	s4 =	simm.s32 $0x0;
	s19 =	simm.s32 @!p0 $0x8;
	s5 =	smul.u32 $0x2710, s5  }
0xa: {  	[smem:$0x7FF] =	sst s4;
	s11 =	sshrl.u32 s9, $0x1;
	s20 =	sshrl.u32 s16, $0x2  }
0xb: {  	s16 =	simm.s32 $0x6;
	_ =	strace $0x8000004A;
	s11 =	ssub.s32 s9, s11  }
0xc: {  	s9 =	simm.s32 $0x5;
	s0 =	sadd.s32 s0, s14;
	s20 =	sadd.s32 s20, s3  }
0xd: {  	s26 =	sadd.s32 s22, s13;
	s14 =	simm.s32 $0x2;
	[dreg:$0x5] =	wrdreg s19  }
0xe: {  	s13 =	simm.s32 $0x9;
	s8 =	sshrl.u32 s5, $0x3;
	[dreg:$0x10] =	wrdreg s26  }
0xf: {  	s5 =	sadd.s32 $0x17600, s2;
	s21 =	sadd.s32 $0x190, s0;
	[dreg:$0xc] =	wrdreg s20  }
0x10: {  	s10 =	sadd.s32 s8, s2;
	s2 =	smax.u32 s11, $0x1;
	s11 =	sadd.s32 $0x140, s0  }
0x11: {  	s0 =	sadd.s32 $0xF0, s0;
	s12 =	sadd.s32 $0x3A00, s10;
	[dreg:$0x9] =	wrdreg s2  }
0x12: {  	s24 =	sshrl.u32 s11, $0x3;
	[dreg:$0xf] =	wrdreg s0;
	s0 =	sadd.s32 $0x271000, s26  }
0x13: {  	s26 =	simm.s32 $0x9F80;
	s2 =	simm.s32 $0xA080;
	[dreg:$0x4] =	wrdreg s12  }
0x14: {  	s10 =	simm.s32 $0x0;
	s12 =	sadd.s32 s6, s8;
	[dreg:$0x11] =	wrdreg s0  }
0x15: {  	s25 =	sadd.s32 s24, s6;
	s24 =	simm.s32 $0x2780;
	[dreg:$0x6] =	wrdreg s12  }
0x16: {  	s0 =	simm.s32 $0x1;
	s8 =	sadd.s32 $0xA, s12;
	[dreg:$0xe] =	wrdreg s25  }
0x17: {  	s15 =	sadd.s32 $0x14, s12;
	s17 =	sadd.s32 $0x4CE, s12;
	[dreg:$0x7] =	wrdreg s8  }
0x18: {  	s18 =	sadd.s32 $0x4D8, s12;
	s25 =	simm.s32 $0x50;
	[dreg:$0x8] =	wrdreg s15  }
0x19: {  	s12 =	simm.s32 $0x3;
	[dreg:$0xa] =	wrdreg s17;
	s8 =	sshrl.u32 s21, $0x3  }
0x1a: {  	[dreg:$0xb] =	wrdreg s18;
	s15 =	simm.s32 $0x4;
	s23 =	sadd.s32 s8, s6  }
0x1b: {  	v0 =	vimm.f32 $0.0e+00;
	s8 =	simm.s32 $0x7;
	[dreg:$0xd] =	wrdreg s23;
	s23 =	simm.s32 $0xA  }
.LBB2_1:
0x1c: {  	[dreg:$0x12] =	wrdreg s10  }
0x1d: {  	s1 =	rddreg [dreg:$0x4]  }
0x1e: {  	[tilespmem:s4], [sflag:$0xA] =	stream.linear.gather [hbm4b:s1+s4], $0x2710, $0x38;
	[tilespmem:$0x1D980] =	vst v63  }
0x1f: {  	_ =	swait.ge [sflag:s23], $0x2710  }
0x20: {  	[sflag:s23] =	ssyncset.done $0x0  }
0x21: {  	s10 =	simm.s32 $0x70;
	s11 =	simm.s32 $0x3C0;
	[sflag:s23] =	ssyncadd.s32 $0xFFFFD8F0  }
.LBB2_2:
0x22: {  	p0 =	sne.s32 s11, $0x9FC0;
	[tilespmem:s10+$0x2780] =	vst v0  }
0x23: {  	[tilespmem:s10+$0x2710] =	vst v0  }
0x24: {  	[tilespmem:s10+$0x2720] =	vst v0  }
.Ltmp0:
0x25: {  	[tilespmem:s10+$0x2730] =	vst v0;
	(pc) =	sbr.rel @p0 .LBB2_2-.Ltmp0, $4  }
0x26: {  	[tilespmem:s10+$0x2740] =	vst v0  }
0x27: {  	[tilespmem:s10+$0x2750] =	vst v0  }
0x28: {  	[tilespmem:s10+$0x2760] =	vst v0  }
0x29: {  	[tilespmem:s10+$0x2770] =	vst v0;
	s10 =	sshra.s32 s11, $0x2;
	s11 =	sadd.s32 $0x200, s11  }
0x2a: {  	[tilespmem:s10+$0x2780] =	vst v0  }
0x2b: {  	[tilespmem:s10+$0x2710] =	vst v0  }
0x2c: {  	[tilespmem:s10+$0x2720] =	vst v0  }
0x2d: {  	[tilespmem:s10+$0x2730] =	vst v0  }
0x2e: {  	[tilespmem:s10+$0x2740] =	vst v0  }
0x2f: {  	[tilespmem:s10+$0x2750] =	vst v0  }
0x30: {  	[tilespmem:s10+$0x2760] =	vst v0;
	p0 =	sne.s32 s19, $0x1  }
.Ltmp1:
0x31: {  	[tilespmem:s10+$0x2770] =	vst v0;
	(pc) =	sbr.rel @!p0 .LBB2_5-.Ltmp1, $4  }
0x32: {  	[spmem:s20] =	stream.linear.scatter [tilespmem:s24], [sflag:$0xA], $0x2800, $0x38;
	[tilespmem:$0x1D980] =	vst v63  }
0x33: {  	_ =	swait.ge [sflag:s23], $0x2800  }
0x34: {  	[sflag:s23] =	ssyncset.done $0x0  }
0x35: {  	s10 =	sadd.s32 $0xFFFFFFFF, s19;
	s11 =	smov.u32 s20;
	s1 =	rddreg [dreg:$0x0]  }
.LBB2_4:
0x36: {  	p1 =	sne.s32 s10, $0x1;
	[sflag:s23] =	ssyncadd.s32 $0xFFFFD800;
	s11 =	sadd.s32 $0x2800, s11  }
.Ltmp2:
0x37: {  	s10 =	sadd.s32 $0xFFFFFFFF, s10;
	(pc) =	sbr.rel @p1 .LBB2_4-.Ltmp2, $4  }
0x38: {  	_ = 	snop  }
0x39: {  	[spmem:s11] =	stream.linear.scatter [tilespmem:s24], [sflag:$0xA], $0x2800, $0x38;
	[tilespmem:$0x1D980] =	vst v63  }
0x3a: {  	_ =	swait.ge [sflag:s23], $0x2800  }
0x3b: {  	[sflag:s23] =	ssyncset.done $0x0  }
.LBB2_5:
0x3c: {  	[sflag:s23] =	ssyncadd.s32 $0xFFFFD800  }
0x3d: {  	s10 =	simm.s32 $0x0;
	[bflag:$0x0] =	sbarrier.arrive $0xFFFF  }
0x3e: {  	[tilespmem:s24], [sflag:$0x1] =	stream.indirect.gather [hbm4b:s1+s25], $0x80, s10, s25, $0xb8;
	[tilespmem:$0x1D980] =	vst v63  }
0x3f: {  	s11 =	rddreg [dreg:$0x6]  }
0x40: {  	[tilespmem:s26], [sflag:$0x7] =	stream.linear.gather [hbm4b:s11+s10], $0x50, $0x38;
	[tilespmem:$0x1D980] =	vst v63  }
0x41: {  	_ = 	snop  }
0x42: {  	[tilespmem:s28], [sflag:$0x2] =	stream.indirect.gather [hbm4b:s1+s25], $0x80, s25, s25, $0xb8;
	[tilespmem:$0x1D980] =	vst v63  }
0x43: {  	s18 =	rddreg [dreg:$0x7]  }
0x44: {  	[tilespmem:s29], [sflag:$0x8] =	stream.linear.gather [hbm4b:s18+s10], $0x50, $0x38;
	[tilespmem:$0x1D980] =	vst v63  }
0x45: {  	s19 =	simm.s32 $0xA0  }
0x46: {  	[tilespmem:s31], [sflag:$0x3] =	stream.indirect.gather [hbm4b:s1+s25], $0x80, s19, s25, $0xb8;
	[tilespmem:$0x1D980] =	vst v63  }
0x47: {  	s20 =	rddreg [dreg:$0x8]  }
0x48: {  	[tilespmem:s2], [sflag:$0x9] =	stream.linear.gather [hbm4b:s20+s10], $0x50, $0x38;
	[tilespmem:$0x1D980] =	vst v63  }
0x49: {  	_ =	swait.ge [sflag:s0], $0x2800  }
0x4a: {  	[sflag:s0] =	ssyncset.done $0x0  }
0x4b: {  	[sflag:s0] =	ssyncadd.s32 $0xFFFFD800  }
0x4c: {  	_ =	swait.ge [sflag:s8], $0x50  }
0x4d: {  	[sflag:s8] =	ssyncset.done $0x0  }
0x4e: {  	[sflag:s8] =	ssyncadd.s32 $0xFFFFFFB0  }
0x4f: {  	[spmem:s3] =	stream.indirect.scatter.add.f32 [tilespmem:s24], [sflag:$0x4], $0x80, s26, s25, $0xb8;
	[tilespmem:$0x1D980] =	vst v63  }
0x50: {  	_ =	swait.ge [sflag:s14], $0x2800  }
0x51: {  	[sflag:s14] =	ssyncset.done $0x0  }
0x52: {  	[sflag:s14] =	ssyncadd.s32 $0xFFFFD800  }
0x53: {  	_ =	swait.ge [sflag:s30], $0x50  }
0x54: {  	[sflag:s30] =	ssyncset.done $0x0  }
0x55: {  	[sflag:s30] =	ssyncadd.s32 $0xFFFFFFB0  }
0x56: {  	[spmem:s3] =	stream.indirect.scatter.add.f32 [tilespmem:s28], [sflag:$0x5], $0x80, s29, s25, $0xb8;
	[tilespmem:$0x1D980] =	vst v63  }
0x57: {  	_ =	swait.ge [sflag:s12], $0x2800  }
0x58: {  	[sflag:s12] =	ssyncset.done $0x0  }
0x59: {  	[sflag:s12] =	ssyncadd.s32 $0xFFFFD800  }
0x5a: {  	_ =	swait.ge [sflag:s13], $0x50  }
0x5b: {  	[sflag:s13] =	ssyncset.done $0x0  }
0x5c: {  	[sflag:s13] =	ssyncadd.s32 $0xFFFFFFB0  }
0x5d: {  	[spmem:s3] =	stream.indirect.scatter.add.f32 [tilespmem:s31], [sflag:$0x6], $0x80, s2, s25, $0xb8;
	[tilespmem:$0x1D980] =	vst v63  }
0x5e: {  	_ =	swait.ge [sflag:s15], $0x2800  }
0x5f: {  	[sflag:s15] =	ssyncset.done $0x0;
	s17 =	rddreg [dreg:$0xf]  }
0x60: {  	s21 =	simm.s32 $0xF0;
	[sflag:s15] =	ssyncadd.s32 $0xFFFFD800;
	s22 =	sshrl.u32 s17, $0x3  }
0x61: {  	[tilespmem:s24], [sflag:$0x1] =	stream.indirect.gather [hbm4b:s1+s25], $0x80, s21, s25, $0xb8;
	[tilespmem:$0x1D980] =	vst v63  }
0x62: {  	s11 =	sadd.s32 s6, s22  }
0x63: {  	[dreg:$0x13] =	wrdreg s11  }
0x64: {  	[tilespmem:s26], [sflag:$0x7] =	stream.linear.gather [hbm4b:s11+s4], $0x50, $0x38;
	[tilespmem:$0x1D980] =	vst v63  }
0x65: {  	_ =	swait.ge [sflag:s9], $0x2800  }
0x66: {  	[sflag:s9] =	ssyncset.done $0x0  }
0x67: {  	s18 =	simm.s32 $0x140;
	[sflag:s9] =	ssyncadd.s32 $0xFFFFD800  }
0x68: {  	[tilespmem:s28], [sflag:$0x2] =	stream.indirect.gather [hbm4b:s1+s25], $0x80, s18, s25, $0xb8;
	[tilespmem:$0x1D980] =	vst v63  }
0x69: {  	s19 =	rddreg [dreg:$0xe]  }
0x6a: {  	[tilespmem:s29], [sflag:$0x8] =	stream.linear.gather [hbm4b:s19+s4], $0x50, $0x38;
	[tilespmem:$0x1D980] =	vst v63  }
0x6b: {  	s20 =	simm.s32 $0x3C0;
	s22 =	simm.s32 $0x190;
	_ =	swait.ge [sflag:s16], $0x2800  }
0x6c: {  	s18 =	sadd.s32 $0xF0, s17;
	[sflag:s16] =	ssyncset.done $0x0;
	s10 =	rddreg [dreg:$0xd]  }
0x6d: {  	s19 =	sadd.s32 $0x1E, s19;
	[sflag:s16] =	ssyncadd.s32 $0xFFFFD800;
	s21 =	sadd.s32 $0x1E, s10  }
0x6e: {  	[tilespmem:s31], [sflag:$0x3] =	stream.indirect.gather [hbm4b:s1+s25], $0x80, s22, s25, $0xb8;
	[tilespmem:$0x1D980] =	vst v63  }
.LBB2_6:
0x6f: {  	[tilespmem:s2], [sflag:$0x9] =	stream.linear.gather [hbm4b:s10+s4], $0x50, $0x38;
	[tilespmem:$0x1D980] =	vst v63  }
0x70: {  	s11 =	smov.u32 s20;
	s10 =	smov.u32 s21  }
0x71: {  	p1 =	sne.s32 s20, $0x9240;
	s20 =	sadd.s32 $0x3C0, s20;
	_ =	swait.ge [sflag:s0], $0x2800  }
0x72: {  	[sflag:s0] =	ssyncset.done $0x0  }
0x73: {  	[sflag:s0] =	ssyncadd.s32 $0xFFFFD800  }
0x74: {  	_ =	swait.ge [sflag:s8], $0x50  }
0x75: {  	[sflag:s8] =	ssyncset.done $0x0  }
0x76: {  	[sflag:s8] =	ssyncadd.s32 $0xFFFFFFB0  }
0x77: {  	[spmem:s3] =	stream.indirect.scatter.add.f32 [tilespmem:s24], [sflag:$0x4], $0x80, s26, s25, $0xb8;
	[tilespmem:$0x1D980] =	vst v63  }
0x78: {  	_ =	swait.ge [sflag:s14], $0x2800  }
0x79: {  	[sflag:s14] =	ssyncset.done $0x0  }
0x7a: {  	[sflag:s14] =	ssyncadd.s32 $0xFFFFD800  }
0x7b: {  	_ =	swait.ge [sflag:s30], $0x50  }
0x7c: {  	[sflag:s30] =	ssyncset.done $0x0  }
0x7d: {  	[sflag:s30] =	ssyncadd.s32 $0xFFFFFFB0  }
0x7e: {  	[spmem:s3] =	stream.indirect.scatter.add.f32 [tilespmem:s28], [sflag:$0x5], $0x80, s29, s25, $0xb8;
	[tilespmem:$0x1D980] =	vst v63  }
0x7f: {  	_ =	swait.ge [sflag:s12], $0x2800  }
0x80: {  	[sflag:s12] =	ssyncset.done $0x0  }
0x81: {  	[sflag:s12] =	ssyncadd.s32 $0xFFFFD800  }
0x82: {  	_ =	swait.ge [sflag:s13], $0x50  }
0x83: {  	[sflag:s13] =	ssyncset.done $0x0  }
0x84: {  	[sflag:s13] =	ssyncadd.s32 $0xFFFFFFB0  }
0x85: {  	[spmem:s3] =	stream.indirect.scatter.add.f32 [tilespmem:s31], [sflag:$0x6], $0x80, s2, s25, $0xb8;
	[tilespmem:$0x1D980] =	vst v63  }
0x86: {  	_ =	swait.ge [sflag:s15], $0x2800  }
0x87: {  	s11 =	sshra.s32 s11, $0x2;
	[sflag:s15] =	ssyncset.done $0x0  }
0x88: {  	s22 =	sshrl.u32 s18, $0x3;
	s17 =	sadd.s32 $0xF0, s11;
	[sflag:s15] =	ssyncadd.s32 $0xFFFFD800  }
0x89: {  	[tilespmem:s24], [sflag:$0x1] =	stream.indirect.gather [hbm4b:s1+s25], $0x80, s17, s25, $0xb8;
	[tilespmem:$0x1D980] =	vst v63  }
0x8a: {  	s17 =	sadd.s32 s6, s22  }
0x8b: {  	[tilespmem:s26], [sflag:$0x7] =	stream.linear.gather [hbm4b:s17+s4], $0x50, $0x38;
	[tilespmem:$0x1D980] =	vst v63  }
0x8c: {  	_ =	swait.ge [sflag:s9], $0x2800  }
0x8d: {  	[sflag:s9] =	ssyncset.done $0x0  }
0x8e: {  	s17 =	sadd.s32 $0x140, s11;
	[sflag:s9] =	ssyncadd.s32 $0xFFFFD800  }
0x8f: {  	[tilespmem:s28], [sflag:$0x2] =	stream.indirect.gather [hbm4b:s1+s25], $0x80, s17, s25, $0xb8;
	[tilespmem:$0x1D980] =	vst v63  }
0x90: {  	_ = 	snop  }
0x91: {  	[tilespmem:s29], [sflag:$0x8] =	stream.linear.gather [hbm4b:s19+s4], $0x50, $0x38;
	[tilespmem:$0x1D980] =	vst v63  }
.Ltmp3:
0x92: {  	_ =	swait.ge [sflag:s16], $0x2800;
	(pc) =	sbr.rel @p1 .LBB2_6-.Ltmp3, $4  }
0x93: {  	[sflag:s16] =	ssyncset.done $0x0  }
0x94: {  	s11 =	sadd.s32 $0x190, s11;
	[sflag:s16] =	ssyncadd.s32 $0xFFFFD800  }
0x95: {  	[tilespmem:s31], [sflag:$0x3] =	stream.indirect.gather [hbm4b:s1+s25], $0x80, s11, s25, $0xb8;
	[tilespmem:$0x1D980] =	vst v63  }
0x96: {  	s21 =	sadd.s32 $0x1E, s21;
	s18 =	sadd.s32 $0xF0, s18;
	s19 =	sadd.s32 $0x1E, s19  }
0x97: {  	[tilespmem:s2], [sflag:$0x9] =	stream.linear.gather [hbm4b:s10+s4], $0x50, $0x38;
	[tilespmem:$0x1D980] =	vst v63  }
0x98: {  	_ =	swait.ge [sflag:s0], $0x2800  }
0x99: {  	[sflag:s0] =	ssyncset.done $0x0  }
0x9a: {  	[sflag:s0] =	ssyncadd.s32 $0xFFFFD800  }
0x9b: {  	_ =	swait.ge [sflag:s8], $0x50  }
0x9c: {  	[sflag:s8] =	ssyncset.done $0x0  }
0x9d: {  	[sflag:s8] =	ssyncadd.s32 $0xFFFFFFB0  }
0x9e: {  	[spmem:s3] =	stream.indirect.scatter.add.f32 [tilespmem:s24], [sflag:$0x4], $0x80, s26, s25, $0xb8;
	[tilespmem:$0x1D980] =	vst v63  }
0x9f: {  	_ =	swait.ge [sflag:s14], $0x2800  }
0xa0: {  	[sflag:s14] =	ssyncset.done $0x0  }
0xa1: {  	[sflag:s14] =	ssyncadd.s32 $0xFFFFD800  }
0xa2: {  	_ =	swait.ge [sflag:s30], $0x50  }
0xa3: {  	[sflag:s30] =	ssyncset.done $0x0  }
0xa4: {  	[sflag:s30] =	ssyncadd.s32 $0xFFFFFFB0  }
0xa5: {  	[spmem:s3] =	stream.indirect.scatter.add.f32 [tilespmem:s28], [sflag:$0x5], $0x80, s29, s25, $0xb8;
	[tilespmem:$0x1D980] =	vst v63  }
0xa6: {  	_ =	swait.ge [sflag:s12], $0x2800  }
0xa7: {  	[sflag:s12] =	ssyncset.done $0x0  }
0xa8: {  	[sflag:s12] =	ssyncadd.s32 $0xFFFFD800  }
0xa9: {  	_ =	swait.ge [sflag:s13], $0x50  }
0xaa: {  	[sflag:s13] =	ssyncset.done $0x0  }
0xab: {  	[sflag:s13] =	ssyncadd.s32 $0xFFFFFFB0  }
0xac: {  	[spmem:s3] =	stream.indirect.scatter.add.f32 [tilespmem:s31], [sflag:$0x6], $0x80, s2, s25, $0xb8;
	[tilespmem:$0x1D980] =	vst v63  }
0xad: {  	_ =	swait.ge [sflag:s15], $0x2800  }
0xae: {  	[sflag:s15] =	ssyncset.done $0x0  }
0xaf: {  	s22 =	simm.s32 $0x2670;
	[sflag:s15] =	ssyncadd.s32 $0xFFFFD800  }
0xb0: {  	[tilespmem:s24], [sflag:$0x1] =	stream.indirect.gather [hbm4b:s1+s25], $0x80, s22, s25, $0xb8;
	[tilespmem:$0x1D980] =	vst v63  }
0xb1: {  	s11 =	rddreg [dreg:$0xa]  }
0xb2: {  	[tilespmem:s26], [sflag:$0x7] =	stream.linear.gather [hbm4b:s11+s4], $0x50, $0x38;
	[tilespmem:$0x1D980] =	vst v63  }
0xb3: {  	_ =	swait.ge [sflag:s9], $0x2800  }
0xb4: {  	[sflag:s9] =	ssyncset.done $0x0  }
0xb5: {  	s17 =	simm.s32 $0x26C0;
	[sflag:s9] =	ssyncadd.s32 $0xFFFFD800  }
0xb6: {  	[tilespmem:s28], [sflag:$0x2] =	stream.indirect.gather [hbm4b:s1+s25], $0x80, s17, s25, $0xb8;
	[tilespmem:$0x1D980] =	vst v63  }
0xb7: {  	s18 =	rddreg [dreg:$0xb]  }
0xb8: {  	[tilespmem:s29], [sflag:$0x8] =	stream.linear.gather [hbm4b:s18+s4], $0x50, $0x38;
	[tilespmem:$0x1D980] =	vst v63  }
0xb9: {  	_ =	swait.ge [sflag:s16], $0x2800  }
0xba: {  	[sflag:s16] =	ssyncset.done $0x0  }
0xbb: {  	[sflag:s16] =	ssyncadd.s32 $0xFFFFD800  }
0xbc: {  	_ =	swait.ge [sflag:s0], $0x2800  }
0xbd: {  	[sflag:s0] =	ssyncset.done $0x0  }
0xbe: {  	[sflag:s0] =	ssyncadd.s32 $0xFFFFD800  }
0xbf: {  	_ =	swait.ge [sflag:s8], $0x50  }
0xc0: {  	[sflag:s8] =	ssyncset.done $0x0  }
0xc1: {  	[sflag:s8] =	ssyncadd.s32 $0xFFFFFFB0  }
0xc2: {  	[spmem:s3] =	stream.indirect.scatter.add.f32 [tilespmem:s24], [sflag:$0x4], $0x80, s26, s25, $0xb8;
	[tilespmem:$0x1D980] =	vst v63  }
0xc3: {  	_ =	swait.ge [sflag:s14], $0x2800  }
0xc4: {  	[sflag:s14] =	ssyncset.done $0x0  }
0xc5: {  	[sflag:s14] =	ssyncadd.s32 $0xFFFFD800  }
0xc6: {  	_ =	swait.ge [sflag:s30], $0x50  }
0xc7: {  	[sflag:s30] =	ssyncset.done $0x0  }
0xc8: {  	[sflag:s30] =	ssyncadd.s32 $0xFFFFFFB0  }
0xc9: {  	[spmem:s3] =	stream.indirect.scatter.add.f32 [tilespmem:s28], [sflag:$0x5], $0x80, s29, s25, $0xb8;
	[tilespmem:$0x1D980] =	vst v63  }
0xca: {  	_ =	swait.ge [sflag:s15], $0x2800  }
0xcb: {  	[sflag:s15] =	ssyncset.done $0x0  }
0xcc: {  	[sflag:s15] =	ssyncadd.s32 $0xFFFFD800  }
0xcd: {  	_ =	swait.ge [sflag:s9], $0x2800  }
0xce: {  	[sflag:s9] =	ssyncset.done $0x0  }
0xcf: {  	[sflag:s9] =	ssyncadd.s32 $0xFFFFD800  }
0xd0: {  	[bflag:$0x0] =	sbarrier.arrive $0xFFFF  }
0xd1: {  	s19 =	stileid.u32;
	s17 =	rddreg [dreg:$0x10]  }
0xd2: {  	s10 =	sshll.u32 s19, $0x6;
	s22 =	rddreg [dreg:$0xc]  }
.Ltmp4:
0xd3: {  	s11 =	sshrl.u32 s17, $0x3;
	s20 =	sshrl.u32 s22, $0x3;
	(pc) =	sbr.rel @!p0 .LBB2_9-.Ltmp4, $4  }
0xd4: {  	s21 =	sor.u32 $0x1C0A, s10;
	s11 =	sadd.s32 s7, s11;
	[dreg:$0x14] =	wrdreg s20  }
0xd5: {  	[hbm:s11], [sflag:s21] =	dma.local [spmem:s20], $0x500  }
0xd6: {  	s1 =	rddreg [dreg:$0x5]  }
0xd7: {  	s19 =	sadd.s32 $0x2800, s17;
	s20 =	smov.u32 s22;
	s18 =	sadd.s32 $0xFFFFFFFF, s1  }
.LBB2_8:
0xd8: {  	_ =	swait.ge [sflag:s23], $0x500  }
0xd9: {  	s20 =	sadd.s32 $0x2800, s20;
	s11 =	sshrl.u32 s19, $0x3;
	p1 =	sne.s32 s18, $0x1  }
.Ltmp5:
0xda: {  	s17 =	sshrl.u32 s20, $0x3;
	[sflag:s23] =	ssyncset.done $0x0;
	(pc) =	sbr.rel @p1 .LBB2_8-.Ltmp5, $4  }
0xdb: {  	s21 =	sor.u32 $0x1C0A, s10;
	s11 =	sadd.s32 s7, s11;
	[sflag:s23] =	ssyncadd.s32 $0xFFFFFB00  }
0xdc: {  	[hbm:s11], [sflag:s21] =	dma.local [spmem:s17], $0x500  }
0xdd: {  	s18 =	sadd.s32 $0xFFFFFFFF, s18  }
0xde: {  	s19 =	sadd.s32 $0x2800, s19  }
.LBB2_9:
0xdf: {  	_ =	swait.ge [sflag:s23], $0x500  }
0xe0: {  	[sflag:s23] =	ssyncset.done $0x0  }
0xe1: {  	s10 =	simm.s32 $0x70;
	s18 =	simm.s32 $0x3C0;
	[sflag:s23] =	ssyncadd.s32 $0xFFFFFB00  }
.LBB2_10:
0xe2: {  	p1 =	sne.s32 s18, $0x9FC0;
	[tilespmem:s10+$0x2780] =	vst v0  }
0xe3: {  	[tilespmem:s10+$0x2710] =	vst v0  }
0xe4: {  	[tilespmem:s10+$0x2720] =	vst v0  }
.Ltmp6:
0xe5: {  	[tilespmem:s10+$0x2730] =	vst v0;
	(pc) =	sbr.rel @p1 .LBB2_10-.Ltmp6, $4  }
0xe6: {  	[tilespmem:s10+$0x2740] =	vst v0  }
0xe7: {  	[tilespmem:s10+$0x2750] =	vst v0  }
0xe8: {  	[tilespmem:s10+$0x2760] =	vst v0  }
0xe9: {  	[tilespmem:s10+$0x2770] =	vst v0;
	s10 =	sshra.s32 s18, $0x2;
	s18 =	sadd.s32 $0x200, s18  }
0xea: {  	[tilespmem:s10+$0x2780] =	vst v0  }
0xeb: {  	[tilespmem:s10+$0x2710] =	vst v0  }
0xec: {  	[tilespmem:s10+$0x2720] =	vst v0  }
0xed: {  	[tilespmem:s10+$0x2730] =	vst v0  }
0xee: {  	[tilespmem:s10+$0x2740] =	vst v0  }
0xef: {  	[tilespmem:s10+$0x2750] =	vst v0  }
.Ltmp7:
0xf0: {  	[tilespmem:s10+$0x2760] =	vst v0;
	(pc) =	sbr.rel @!p0 .LBB2_13-.Ltmp7, $4  }
0xf1: {  	[tilespmem:s10+$0x2770] =	vst v0  }
0xf2: {  	[spmem:s22] =	stream.linear.scatter [tilespmem:s24], [sflag:$0xA], $0x2800, $0x38;
	[tilespmem:$0x1D980] =	vst v63  }
0xf3: {  	_ =	swait.ge [sflag:s23], $0x2800  }
0xf4: {  	s10 =	sadd.s32 $0xFFFFFFFF, s1;
	s18 =	smov.u32 s22;
	[sflag:s23] =	ssyncset.done $0x0  }
.LBB2_12:
0xf5: {  	p1 =	sne.s32 s10, $0x1;
	[sflag:s23] =	ssyncadd.s32 $0xFFFFD800;
	s18 =	sadd.s32 $0x2800, s18  }
.Ltmp8:
0xf6: {  	s10 =	sadd.s32 $0xFFFFFFFF, s10;
	(pc) =	sbr.rel @p1 .LBB2_12-.Ltmp8, $4  }
0xf7: {  	_ = 	snop  }
0xf8: {  	[spmem:s18] =	stream.linear.scatter [tilespmem:s24], [sflag:$0xA], $0x2800, $0x38;
	[tilespmem:$0x1D980] =	vst v63  }
0xf9: {  	_ =	swait.ge [sflag:s23], $0x2800  }
0xfa: {  	[sflag:s23] =	ssyncset.done $0x0  }
.LBB2_13:
0xfb: {  	[sflag:s23] =	ssyncadd.s32 $0xFFFFD800  }
0xfc: {  	s10 =	simm.s32 $0x0;
	[bflag:$0x0] =	sbarrier.arrive $0xFFFF  }
0xfd: {  	[tilespmem:s24], [sflag:$0x1] =	stream.indirect.gather [hbm4b:s5+s25], $0x80, s10, s25, $0xb8;
	[tilespmem:$0x1D980] =	vst v63  }
0xfe: {  	s1 =	rddreg [dreg:$0x6]  }
0xff: {  	[tilespmem:s26], [sflag:$0x7] =	stream.linear.gather [hbm4b:s1+s10], $0x50, $0x38;
	[tilespmem:$0x1D980] =	vst v63  }
0x100: {  	_ = 	snop  }
0x101: {  	[tilespmem:s28], [sflag:$0x2] =	stream.indirect.gather [hbm4b:s5+s25], $0x80, s25, s25, $0xb8;
	[tilespmem:$0x1D980] =	vst v63  }
0x102: {  	s19 =	rddreg [dreg:$0x7]  }
0x103: {  	[tilespmem:s29], [sflag:$0x8] =	stream.linear.gather [hbm4b:s19+s10], $0x50, $0x38;
	[tilespmem:$0x1D980] =	vst v63  }
0x104: {  	s20 =	simm.s32 $0xA0  }
0x105: {  	[tilespmem:s31], [sflag:$0x3] =	stream.indirect.gather [hbm4b:s5+s25], $0x80, s20, s25, $0xb8;
	[tilespmem:$0x1D980] =	vst v63  }
0x106: {  	s22 =	rddreg [dreg:$0x8]  }
0x107: {  	[tilespmem:s2], [sflag:$0x9] =	stream.linear.gather [hbm4b:s22+s10], $0x50, $0x38;
	[tilespmem:$0x1D980] =	vst v63  }
0x108: {  	_ =	swait.ge [sflag:s0], $0x2800  }
0x109: {  	[sflag:s0] =	ssyncset.done $0x0  }
0x10a: {  	[sflag:s0] =	ssyncadd.s32 $0xFFFFD800  }
0x10b: {  	_ =	swait.ge [sflag:s8], $0x50  }
0x10c: {  	[sflag:s8] =	ssyncset.done $0x0  }
0x10d: {  	[sflag:s8] =	ssyncadd.s32 $0xFFFFFFB0  }
0x10e: {  	[spmem:s3] =	stream.indirect.scatter.add.f32 [tilespmem:s24], [sflag:$0x4], $0x80, s26, s25, $0xb8;
	[tilespmem:$0x1D980] =	vst v63  }
0x10f: {  	_ =	swait.ge [sflag:s14], $0x2800  }
0x110: {  	[sflag:s14] =	ssyncset.done $0x0  }
0x111: {  	[sflag:s14] =	ssyncadd.s32 $0xFFFFD800  }
0x112: {  	_ =	swait.ge [sflag:s30], $0x50  }
0x113: {  	[sflag:s30] =	ssyncset.done $0x0  }
0x114: {  	[sflag:s30] =	ssyncadd.s32 $0xFFFFFFB0  }
0x115: {  	[spmem:s3] =	stream.indirect.scatter.add.f32 [tilespmem:s28], [sflag:$0x5], $0x80, s29, s25, $0xb8;
	[tilespmem:$0x1D980] =	vst v63  }
0x116: {  	_ =	swait.ge [sflag:s12], $0x2800  }
0x117: {  	[sflag:s12] =	ssyncset.done $0x0  }
0x118: {  	[sflag:s12] =	ssyncadd.s32 $0xFFFFD800  }
0x119: {  	_ =	swait.ge [sflag:s13], $0x50  }
0x11a: {  	[sflag:s13] =	ssyncset.done $0x0  }
0x11b: {  	[sflag:s13] =	ssyncadd.s32 $0xFFFFFFB0  }
0x11c: {  	[spmem:s3] =	stream.indirect.scatter.add.f32 [tilespmem:s31], [sflag:$0x6], $0x80, s2, s25, $0xb8;
	[tilespmem:$0x1D980] =	vst v63  }
0x11d: {  	_ =	swait.ge [sflag:s15], $0x2800  }
0x11e: {  	[sflag:s15] =	ssyncset.done $0x0  }
0x11f: {  	s1 =	simm.s32 $0xF0;
	[sflag:s15] =	ssyncadd.s32 $0xFFFFD800  }
0x120: {  	[tilespmem:s24], [sflag:$0x1] =	stream.indirect.gather [hbm4b:s5+s25], $0x80, s1, s25, $0xb8;
	[tilespmem:$0x1D980] =	vst v63  }
0x121: {  	s11 =	rddreg [dreg:$0x13]  }
0x122: {  	[tilespmem:s26], [sflag:$0x7] =	stream.linear.gather [hbm4b:s11+s4], $0x50, $0x38;
	[tilespmem:$0x1D980] =	vst v63  }
0x123: {  	_ =	swait.ge [sflag:s9], $0x2800  }
0x124: {  	[sflag:s9] =	ssyncset.done $0x0  }
0x125: {  	s17 =	simm.s32 $0x140;
	[sflag:s9] =	ssyncadd.s32 $0xFFFFD800  }
0x126: {  	[tilespmem:s28], [sflag:$0x2] =	stream.indirect.gather [hbm4b:s5+s25], $0x80, s17, s25, $0xb8;
	[tilespmem:$0x1D980] =	vst v63  }
0x127: {  	s18 =	rddreg [dreg:$0xe]  }
0x128: {  	[tilespmem:s29], [sflag:$0x8] =	stream.linear.gather [hbm4b:s18+s4], $0x50, $0x38;
	[tilespmem:$0x1D980] =	vst v63  }
0x129: {  	_ =	swait.ge [sflag:s16], $0x2800  }
0x12a: {  	[sflag:s16] =	ssyncset.done $0x0  }
0x12b: {  	s20 =	simm.s32 $0x190;
	s22 =	rddreg [dreg:$0xf];
	[sflag:s16] =	ssyncadd.s32 $0xFFFFD800  }
0x12c: {  	[tilespmem:s31], [sflag:$0x3] =	stream.indirect.gather [hbm4b:s5+s25], $0x80, s20, s25, $0xb8;
	[tilespmem:$0x1D980] =	vst v63  }
0x12d: {  	s11 =	simm.s32 $0x3C0;
	s20 =	rddreg [dreg:$0xd]  }
0x12e: {  	s18 =	sadd.s32 $0x1E, s18;
	s10 =	sadd.s32 $0xF0, s22;
	s19 =	sadd.s32 $0x1E, s20  }
.LBB2_14:
0x12f: {  	[tilespmem:s2], [sflag:$0x9] =	stream.linear.gather [hbm4b:s20+s4], $0x50, $0x38;
	[tilespmem:$0x1D980] =	vst v63  }
0x130: {  	s17 =	smov.u32 s11;
	s20 =	smov.u32 s19  }
0x131: {  	p1 =	sne.s32 s11, $0x9240;
	s11 =	sadd.s32 $0x3C0, s11;
	_ =	swait.ge [sflag:s0], $0x2800  }
0x132: {  	[sflag:s0] =	ssyncset.done $0x0  }
0x133: {  	[sflag:s0] =	ssyncadd.s32 $0xFFFFD800  }
0x134: {  	_ =	swait.ge [sflag:s8], $0x50  }
0x135: {  	[sflag:s8] =	ssyncset.done $0x0  }
0x136: {  	[sflag:s8] =	ssyncadd.s32 $0xFFFFFFB0  }
0x137: {  	[spmem:s3] =	stream.indirect.scatter.add.f32 [tilespmem:s24], [sflag:$0x4], $0x80, s26, s25, $0xb8;
	[tilespmem:$0x1D980] =	vst v63  }
0x138: {  	_ =	swait.ge [sflag:s14], $0x2800  }
0x139: {  	[sflag:s14] =	ssyncset.done $0x0  }
0x13a: {  	[sflag:s14] =	ssyncadd.s32 $0xFFFFD800  }
0x13b: {  	_ =	swait.ge [sflag:s30], $0x50  }
0x13c: {  	[sflag:s30] =	ssyncset.done $0x0  }
0x13d: {  	[sflag:s30] =	ssyncadd.s32 $0xFFFFFFB0  }
0x13e: {  	[spmem:s3] =	stream.indirect.scatter.add.f32 [tilespmem:s28], [sflag:$0x5], $0x80, s29, s25, $0xb8;
	[tilespmem:$0x1D980] =	vst v63  }
0x13f: {  	_ =	swait.ge [sflag:s12], $0x2800  }
0x140: {  	[sflag:s12] =	ssyncset.done $0x0  }
0x141: {  	[sflag:s12] =	ssyncadd.s32 $0xFFFFD800  }
0x142: {  	_ =	swait.ge [sflag:s13], $0x50  }
0x143: {  	[sflag:s13] =	ssyncset.done $0x0  }
0x144: {  	[sflag:s13] =	ssyncadd.s32 $0xFFFFFFB0  }
0x145: {  	[spmem:s3] =	stream.indirect.scatter.add.f32 [tilespmem:s31], [sflag:$0x6], $0x80, s2, s25, $0xb8;
	[tilespmem:$0x1D980] =	vst v63  }
0x146: {  	_ =	swait.ge [sflag:s15], $0x2800  }
0x147: {  	s17 =	sshra.s32 s17, $0x2;
	[sflag:s15] =	ssyncset.done $0x0  }
0x148: {  	s1 =	sshrl.u32 s10, $0x3;
	s22 =	sadd.s32 $0xF0, s17;
	[sflag:s15] =	ssyncadd.s32 $0xFFFFD800  }
0x149: {  	[tilespmem:s24], [sflag:$0x1] =	stream.indirect.gather [hbm4b:s5+s25], $0x80, s22, s25, $0xb8;
	[tilespmem:$0x1D980] =	vst v63  }
0x14a: {  	s1 =	sadd.s32 s6, s1  }
0x14b: {  	[tilespmem:s26], [sflag:$0x7] =	stream.linear.gather [hbm4b:s1+s4], $0x50, $0x38;
	[tilespmem:$0x1D980] =	vst v63  }
0x14c: {  	_ =	swait.ge [sflag:s9], $0x2800  }
0x14d: {  	[sflag:s9] =	ssyncset.done $0x0  }
0x14e: {  	s1 =	sadd.s32 $0x140, s17;
	[sflag:s9] =	ssyncadd.s32 $0xFFFFD800  }
0x14f: {  	[tilespmem:s28], [sflag:$0x2] =	stream.indirect.gather [hbm4b:s5+s25], $0x80, s1, s25, $0xb8;
	[tilespmem:$0x1D980] =	vst v63  }
0x150: {  	_ = 	snop  }
0x151: {  	[tilespmem:s29], [sflag:$0x8] =	stream.linear.gather [hbm4b:s18+s4], $0x50, $0x38;
	[tilespmem:$0x1D980] =	vst v63  }
.Ltmp9:
0x152: {  	_ =	swait.ge [sflag:s16], $0x2800;
	(pc) =	sbr.rel @p1 .LBB2_14-.Ltmp9, $4  }
0x153: {  	[sflag:s16] =	ssyncset.done $0x0  }
0x154: {  	s1 =	sadd.s32 $0x190, s17;
	[sflag:s16] =	ssyncadd.s32 $0xFFFFD800  }
0x155: {  	[tilespmem:s31], [sflag:$0x3] =	stream.indirect.gather [hbm4b:s5+s25], $0x80, s1, s25, $0xb8;
	[tilespmem:$0x1D980] =	vst v63  }
0x156: {  	s19 =	sadd.s32 $0x1E, s19;
	s10 =	sadd.s32 $0xF0, s10;
	s18 =	sadd.s32 $0x1E, s18  }
0x157: {  	[tilespmem:s2], [sflag:$0x9] =	stream.linear.gather [hbm4b:s20+s4], $0x50, $0x38;
	[tilespmem:$0x1D980] =	vst v63  }
0x158: {  	_ =	swait.ge [sflag:s0], $0x2800  }
0x159: {  	[sflag:s0] =	ssyncset.done $0x0  }
0x15a: {  	[sflag:s0] =	ssyncadd.s32 $0xFFFFD800  }
0x15b: {  	_ =	swait.ge [sflag:s8], $0x50  }
0x15c: {  	[sflag:s8] =	ssyncset.done $0x0  }
0x15d: {  	[sflag:s8] =	ssyncadd.s32 $0xFFFFFFB0  }
0x15e: {  	[spmem:s3] =	stream.indirect.scatter.add.f32 [tilespmem:s24], [sflag:$0x4], $0x80, s26, s25, $0xb8;
	[tilespmem:$0x1D980] =	vst v63  }
0x15f: {  	_ =	swait.ge [sflag:s14], $0x2800  }
0x160: {  	[sflag:s14] =	ssyncset.done $0x0  }
0x161: {  	[sflag:s14] =	ssyncadd.s32 $0xFFFFD800  }
0x162: {  	_ =	swait.ge [sflag:s30], $0x50  }
0x163: {  	[sflag:s30] =	ssyncset.done $0x0  }
0x164: {  	[sflag:s30] =	ssyncadd.s32 $0xFFFFFFB0  }
0x165: {  	[spmem:s3] =	stream.indirect.scatter.add.f32 [tilespmem:s28], [sflag:$0x5], $0x80, s29, s25, $0xb8;
	[tilespmem:$0x1D980] =	vst v63  }
0x166: {  	_ =	swait.ge [sflag:s12], $0x2800  }
0x167: {  	[sflag:s12] =	ssyncset.done $0x0  }
0x168: {  	[sflag:s12] =	ssyncadd.s32 $0xFFFFD800  }
0x169: {  	_ =	swait.ge [sflag:s13], $0x50  }
0x16a: {  	[sflag:s13] =	ssyncset.done $0x0  }
0x16b: {  	[sflag:s13] =	ssyncadd.s32 $0xFFFFFFB0  }
0x16c: {  	[spmem:s3] =	stream.indirect.scatter.add.f32 [tilespmem:s31], [sflag:$0x6], $0x80, s2, s25, $0xb8;
	[tilespmem:$0x1D980] =	vst v63  }
0x16d: {  	_ =	swait.ge [sflag:s15], $0x2800  }
0x16e: {  	[sflag:s15] =	ssyncset.done $0x0  }
0x16f: {  	s1 =	simm.s32 $0x2670;
	[sflag:s15] =	ssyncadd.s32 $0xFFFFD800  }
0x170: {  	[tilespmem:s24], [sflag:$0x1] =	stream.indirect.gather [hbm4b:s5+s25], $0x80, s1, s25, $0xb8;
	[tilespmem:$0x1D980] =	vst v63  }
0x171: {  	s18 =	rddreg [dreg:$0xa]  }
0x172: {  	[tilespmem:s26], [sflag:$0x7] =	stream.linear.gather [hbm4b:s18+s4], $0x50, $0x38;
	[tilespmem:$0x1D980] =	vst v63  }
0x173: {  	_ =	swait.ge [sflag:s9], $0x2800  }
0x174: {  	[sflag:s9] =	ssyncset.done $0x0  }
0x175: {  	s19 =	simm.s32 $0x26C0;
	[sflag:s9] =	ssyncadd.s32 $0xFFFFD800  }
0x176: {  	[tilespmem:s28], [sflag:$0x2] =	stream.indirect.gather [hbm4b:s5+s25], $0x80, s19, s25, $0xb8;
	[tilespmem:$0x1D980] =	vst v63  }
0x177: {  	s20 =	rddreg [dreg:$0xb]  }
0x178: {  	[tilespmem:s29], [sflag:$0x8] =	stream.linear.gather [hbm4b:s20+s4], $0x50, $0x38;
	[tilespmem:$0x1D980] =	vst v63  }
0x179: {  	_ =	swait.ge [sflag:s16], $0x2800  }
0x17a: {  	[sflag:s16] =	ssyncset.done $0x0  }
0x17b: {  	[sflag:s16] =	ssyncadd.s32 $0xFFFFD800  }
0x17c: {  	_ =	swait.ge [sflag:s0], $0x2800  }
0x17d: {  	[sflag:s0] =	ssyncset.done $0x0  }
0x17e: {  	[sflag:s0] =	ssyncadd.s32 $0xFFFFD800  }
0x17f: {  	_ =	swait.ge [sflag:s8], $0x50  }
0x180: {  	[sflag:s8] =	ssyncset.done $0x0  }
0x181: {  	[sflag:s8] =	ssyncadd.s32 $0xFFFFFFB0  }
0x182: {  	[spmem:s3] =	stream.indirect.scatter.add.f32 [tilespmem:s24], [sflag:$0x4], $0x80, s26, s25, $0xb8;
	[tilespmem:$0x1D980] =	vst v63  }
0x183: {  	_ =	swait.ge [sflag:s14], $0x2800  }
0x184: {  	[sflag:s14] =	ssyncset.done $0x0  }
0x185: {  	[sflag:s14] =	ssyncadd.s32 $0xFFFFD800  }
0x186: {  	_ =	swait.ge [sflag:s30], $0x50  }
0x187: {  	[sflag:s30] =	ssyncset.done $0x0  }
0x188: {  	[sflag:s30] =	ssyncadd.s32 $0xFFFFFFB0  }
0x189: {  	[spmem:s3] =	stream.indirect.scatter.add.f32 [tilespmem:s28], [sflag:$0x5], $0x80, s29, s25, $0xb8;
	[tilespmem:$0x1D980] =	vst v63  }
0x18a: {  	_ =	swait.ge [sflag:s15], $0x2800  }
0x18b: {  	[sflag:s15] =	ssyncset.done $0x0  }
0x18c: {  	[sflag:s15] =	ssyncadd.s32 $0xFFFFD800  }
0x18d: {  	_ =	swait.ge [sflag:s9], $0x2800  }
0x18e: {  	[sflag:s9] =	ssyncset.done $0x0  }
0x18f: {  	s11 =	rddreg [dreg:$0x11];
	[sflag:s9] =	ssyncadd.s32 $0xFFFFD800  }
0x190: {  	s22 =	sshrl.u32 s11, $0x3;
	[bflag:$0x0] =	sbarrier.arrive $0xFFFF  }
.Ltmp10:
0x191: {  	s1 =	sadd.s32 s7, s22;
	s10 =	rddreg [dreg:$0x14];
	(pc) =	sbr.rel @!p0 .LBB2_17-.Ltmp10, $4  }
0x192: {  	[hbm:s1], [sflag:s21] =	dma.local [spmem:s10], $0x500  }
0x193: {  	s19 =	rddreg [dreg:$0x5];
	_ =	swait.ge [sflag:s23], $0x500  }
0x194: {  	s20 =	rddreg [dreg:$0xc]  }
0x195: {  	s11 =	sadd.s32 $0x2800, s11;
	s10 =	sadd.s32 $0xFFFFFFFF, s19;
	s18 =	smov.u32 s20  }
.LBB2_16:
0x196: {  	s1 =	sshrl.u32 s11, $0x3;
	[sflag:s23] =	ssyncset.done $0x0  }
0x197: {  	s18 =	sadd.s32 $0x2800, s18;
	p0 =	sne.s32 s10, $0x1;
	s1 =	sadd.s32 s7, s1  }
.Ltmp11:
0x198: {  	s17 =	sshrl.u32 s18, $0x3;
	[sflag:s23] =	ssyncadd.s32 $0xFFFFFB00;
	(pc) =	sbr.rel @p0 .LBB2_16-.Ltmp11, $3  }
0x199: {  	[hbm:s1], [sflag:s21] =	dma.local [spmem:s17], $0x500  }
0x19a: {  	s10 =	sadd.s32 $0xFFFFFFFF, s10;
	_ =	sdelay $0x1  }
0x19b: {  	s11 =	sadd.s32 $0x2800, s11;
	_ =	swait.ge [sflag:s23], $0x500  }
.LBB2_17:
0x19c: {  	s10 =	rddreg [dreg:$0x12]  }
0x19d: {  	s1 =	rddreg [dreg:$0x9];
	s10 =	sadd.s32 $0x1, s10  }
0x19e: {  	p0 =	sne.s32 s10, s1  }
.Ltmp12:
0x19f: {  	_ = 	snop;
	(pc) =	sbr.rel @p0 .LBB2_1-.Ltmp12, $3  }
0x1a0: {  	_ =	sdelay $0x1  }
0x1a1: {  	[sflag:s23] =	ssyncset.done $0x0  }
0x1a2: {  	[sflag:s23] =	ssyncadd.s32 $0xFFFFFB00  }
0x1a3: {  	_ =	sfence.sel $0x180000  }
0x1a4: {  	[bflag:$0x0] =	sbarrier.arrive $0xFFFF  }
0x1a5: {  	_ =	strace $0x9000004A  }
0x1a6: {  	s0 =	stileid.u32;
	[bflag:$0x2] =	sbarrier.arrive $0xFFFF  }
0x1a7: {  	p0 =	sne.s32 s0, $0x0;
	s0 =	rddreg [dreg:$0x3]  }
0x1a8: {  	s0 =	sadd.s32 @!p0 $0x100000, s0  }
0x1a9: {  	[sflag:s0] =	ssyncadd.tile.s32 @!p0 $0x1;
	_ =	shalt  }
.Lfunc_end2:
_tile_overlayer_lowered:
.L_overlay_start_2:
0x1aa: {  	(tag) =	ssettag $0x2  }
0x1ab: {  	s0 =	rddreg [dreg:$0x0];
	s2 =	stileid.u32  }
0x1ac: {  	s1 =	rddreg [dreg:$0x1];
	p0 =	sne.s32 s2, $0x0  }
0x1ad: {  	s3 =	rddreg [dreg:$0x2];
	[bflag:$0x3] =	sbarrier.arrive $0xFFFF;
	s2 =	simm.s32 @!p0 $0x1C0A  }
0x1ae: {  	[timem:s3], [sflag:s2] =	dma.local @!p0 [hbm:s0], s1  }
0x1af: {  	s0 =	simm.s32 @!p0 $0xA  }
0x1b0: {  	_ =	swait.ge @!p0 [sflag:s0], s1  }
0x1b1: {  	s1 =	ssub.s32 @!p0 $0x0, s1;
	[sflag:s0] =	ssyncset.done @!p0 $0x0  }
0x1b2: {  	[sflag:s0] =	ssyncadd.s32 @!p0 s1  }
0x1b3: {  	[bflag:$0x3] =	sbarrier.arrive $0xFFFF  }
0x1b4: {  	_ =	shalt  }

// kernel: kernel.14.cloned.1.call-start
scs
__scs_entry_jumppad:
0x0: {  	(pc) =	sbr.rel $0x88, $3  }
0x1: {  	(tag) =	ssettag $0x0;
	lr =	simm.s32 $0x1  }
0x2: {  	[smem:$0x3F96] =	sst lr;
	_ =	strace $0xD0000000  }
0x3: {  	_ = 	snop  }
0x4: {  	_ = 	snop  }
0x5: {  	_ = 	snop  }
0x6: {  	_ = 	snop  }
0x7: {  	_ = 	snop  }
__scs_overlays_trampoline_lowered:
0x8: {  	[smem:$0x3FA5] =	sst s0  }
0x9: {  	[smem:$0x3FA6] =	sst s1  }
0xa: {  	[smem:$0x3FA7] =	sst s2  }
0xb: {  	[smem:$0x3FA8] =	sst s3  }
0xc: {  	[smem:$0x3FA9] =	sst s4  }
0xd: {  	[smem:$0x3FAA] =	sst s5  }
0xe: {  	[smem:$0x3FAB] =	sst s6  }
0xf: {  	[smem:$0x3FAC] =	sst s7  }
0x10: {  	[smem:$0x3FAD] =	sst s8  }
0x11: {  	[smem:$0x3FAE] =	sst s9;
	s0 =	simm.s32 @!p0 $0x0  }
0x12: {  	s1 =	sld [smem:$0x3F94];
	s0 =	simm.s32 @p0 $0x1  }
0x13: {  	[smem:$0x3FAF] =	sst s0;
	s0 =	simm.s32 @!p1 $0x0  }
0x14: {  	s2 =	sld [smem:$0x3F93];
	s0 =	simm.s32 @p1 $0x1  }
0x15: {  	[smem:$0x3FB0] =	sst s0;
	s0 =	simm.s32 @!p2 $0x0  }
0x16: {  	s3 =	sld [smem:$0x3FDB];
	s0 =	simm.s32 @p2 $0x1  }
0x17: {  	s4 =	simm.s32 $0x1BF5;
	[smem:$0x3FB2] =	sst s0  }
0x18: {  	s0 =	sld [smem:$0x3F95];
	_ =	swait.ge [sflag:s4], $0x0  }
0x19: {  	s7 =	sld [smem:$0x3F96]  }
0x1a: {  	s8 =	sadd.s32 $0xFFFFE003, lr  }
0x1b: {  	s9 =	sadd.s32 $0xFFFFFEF7, lr;
	s5 =	simm.s32 $0xFFFFFFFF;
	p2 =	slt.u32 s8, $0xFFFFF086  }
0x1c: {  	p1 =	slt.u32 s9, $0xF7A;
	s5 =	simm.s32 @!p2 $0x0  }
0x1d: {  	s5 =	simm.s32 @p1 $0x1;
	p0 =	seq.s32 s7, s2  }
0x1e: {  	s7 =	smul.u32 @!p0 $0xF7A, s2;
	p2 =	seq.s32 @!p0 s5, $0x0  }
0x1f: {  	s9 =	smul.u32 $0xF7A, s1;
	s8 =	simm.s32 @!p0 $0x1BF5;
	p2 =	por !p2, p0  }
0x20: {  	[sflag:s8] =	ssyncset.s32 @!p0 $0xFFFFF086;
	s6 =	sadd.s32 @!p0 s3, s7;
	s7 =	simm.s32 @!p0 $0x108  }
0x21: {  	s3 =	sadd.s32 s3, s9;
	s6 =	sadd.s32 @!p0 $0x88, s6;
	s7 =	simm.s32 @p2 $0x1082  }
0x22: {  	[simem:s7], [sflag:s8] =	dma.local @!p0 [hbm:s6], $0xF7A  }
0x23: {  	s9 =	sor.u32 $0xD0000000, s2;
	s6 =	simm.s32 $0x108;
	_ =	swait.ge @!p0 [sflag:s8], $0x0  }
0x24: {  	s3 =	sadd.s32 $0x88, s3;
	s6 =	simm.s32 @!p1 $0x1082;
	[sflag:s4] =	ssyncset.s32 $0xFFFFF086  }
0x25: {  	[simem:s6], [sflag:s4] =	dma.local [hbm:s3], $0xF7A  }
0x26: {  	[smem:$0x3F96] =	sst s1;
	(tag) =	ssettag s2;
	_ =	strace s9  }
0x27: {  	s1 =	sld [smem:$0x3FA6]  }
0x28: {  	s2 =	sld [smem:$0x3FA7]  }
0x29: {  	s4 =	sld [smem:$0x3FA9]  }
0x2a: {  	p0 =	seq.s32 s5, $0x0;
	s5 =	sld [smem:$0x3FAA]  }
0x2b: {  	s6 =	sld [smem:$0x3FAB]  }
0x2c: {  	s7 =	sld [smem:$0x3FAC]  }
0x2d: {  	s3 =	simm.s32 $0x108;
	s8 =	sld [smem:$0x3FAD]  }
0x2e: {  	s3 =	simm.s32 @!p0 $0x1082;
	s9 =	sld [smem:$0x3FAE]  }
0x2f: {  	lr =	sadd.s32 s0, s3;
	s0 =	sld [smem:$0x3FA5]  }
0x30: {  	s3 =	sld [smem:$0x3FA8]  }
0x31: {  	[smem:$0x3FB1] =	sst s10  }
0x32: {  	s10 =	sld [smem:$0x3FAF];
	_ =	sdelay $0x3  }
0x33: {  	p0 =	seq.s32 s10, $0x1;
	s10 =	sld [smem:$0x3FB1];
	_ =	sdelay $0x3  }
0x34: {  	[smem:$0x3FB1] =	sst s10  }
0x35: {  	s10 =	sld [smem:$0x3FB0];
	_ =	sdelay $0x3  }
0x36: {  	p1 =	seq.s32 s10, $0x1;
	s10 =	sld [smem:$0x3FB1];
	_ =	sdelay $0x3  }
0x37: {  	[smem:$0x3FB1] =	sst s10  }
0x38: {  	s10 =	sld [smem:$0x3FB2]  }
0x39: {  	_ = 	snop;
	(pc) =	sbr.ind lr, $3  }
0x3a: {  	_ = 	snop  }
0x3b: {  	_ = 	snop  }
0x3c: {  	p2 =	seq.s32 s10, $0x1;
	s10 =	sld [smem:$0x3FB1]  }
0x3d: {  	_ =	shalt  }
0x3e: {  	_ =	shalt  }
0x3f: {  	_ =	shalt  }
0x40: {  	_ =	shalt  }
0x41: {  	_ =	shalt  }
0x42: {  	_ =	shalt  }
0x43: {  	_ =	shalt  }
0x44: {  	_ =	shalt  }
0x45: {  	_ =	shalt  }
0x46: {  	_ =	shalt  }
0x47: {  	_ =	shalt  }
0x48: {  	_ =	shalt  }
0x49: {  	_ =	shalt  }
0x4a: {  	_ =	shalt  }
0x4b: {  	_ =	shalt  }
0x4c: {  	_ =	shalt  }
0x4d: {  	_ =	shalt  }
0x4e: {  	_ =	shalt  }
0x4f: {  	_ =	shalt  }
0x50: {  	_ =	shalt  }
0x51: {  	_ =	shalt  }
0x52: {  	_ =	shalt  }
0x53: {  	_ =	shalt  }
0x54: {  	_ =	shalt  }
0x55: {  	_ =	shalt  }
0x56: {  	_ =	shalt  }
0x57: {  	_ =	shalt  }
0x58: {  	_ =	shalt  }
0x59: {  	_ =	shalt  }
0x5a: {  	_ =	shalt  }
0x5b: {  	_ =	shalt  }
0x5c: {  	_ =	shalt  }
0x5d: {  	_ =	shalt  }
0x5e: {  	_ =	shalt  }
0x5f: {  	_ =	shalt  }
0x60: {  	_ =	shalt  }
0x61: {  	_ =	shalt  }
0x62: {  	_ =	shalt  }
0x63: {  	_ =	shalt  }
0x64: {  	_ =	shalt  }
0x65: {  	_ =	shalt  }
0x66: {  	_ =	shalt  }
0x67: {  	_ =	shalt  }
0x68: {  	_ =	shalt  }
0x69: {  	_ =	shalt  }
0x6a: {  	_ =	shalt  }
0x6b: {  	_ =	shalt  }
0x6c: {  	_ =	shalt  }
0x6d: {  	_ =	shalt  }
0x6e: {  	_ =	shalt  }
0x6f: {  	_ =	shalt  }
0x70: {  	_ =	shalt  }
0x71: {  	_ =	shalt  }
0x72: {  	_ =	shalt  }
0x73: {  	_ =	shalt  }
0x74: {  	_ =	shalt  }
0x75: {  	_ =	shalt  }
0x76: {  	_ =	shalt  }
0x77: {  	_ =	shalt  }
0x78: {  	_ =	shalt  }
0x79: {  	_ =	shalt  }
0x7a: {  	_ =	shalt  }
0x7b: {  	_ =	shalt  }
0x7c: {  	_ =	shalt  }
0x7d: {  	_ =	shalt  }
0x7e: {  	_ =	shalt  }
0x7f: {  	_ =	shalt  }
0x80: {  	_ =	shalt  }
0x81: {  	_ =	shalt  }
0x82: {  	_ =	shalt  }
0x83: {  	_ =	shalt  }
0x84: {  	_ =	shalt  }
0x85: {  	_ =	shalt  }
0x86: {  	_ =	shalt  }
0x87: {  	_ =	shalt  }
.Lfunc_end0:
.L_simem_size_0:
called_computation.2_lowered:
.L_overlay_start_0:
0x88: {  	s2 =	sld [smem:$0x3FD9]  }
0x89: {  	s3 =	sld [smem:$0x3FFE];
	_ =	sdelay $0x1  }
0x8a: {  	s1 =	srdreg.scid  }
0x8b: {  	s0 =	sand.u32 $0x1, s1  }
0x8c: {  	s17 =	sshll.u32 s0, $0xA;
	s2 =	sadd.s32 s3, s2  }
0x8d: {  	s2 =	sadd.s32 s2, s17  }
0x8e: {  	[smem:$0x3FBD] =	sst s2  }
0x8f: {  	_ = 	snop  }
0x90: {  	s2 =	sld [smem:$0x3FD0];
	(tm) =	ssettm $0x1  }
0x91: {  	s18 =	sld [smem:$0x3FFB];
	_ =	sdelay $0x3  }
0x92: {  	_ =	strace s18  }
0x93: {  	s3 =	sld [smem:$0x3FFC];
	_ =	sdelay $0x3  }
0x94: {  	_ =	strace s3  }
0x95: {  	s3 =	sld [smem:$0x3FFD];
	_ =	sdelay $0x3  }
0x96: {  	_ =	strace s3  }
0x97: {  	_ =	strace $0x8FFFFFFF  }
0x98: {  	s19 =	sld [smem:$0x3FDB];
	_ =	sdelay $0x1  }
0x99: {  	s4 =	simm.s32 $_scs_section_size  }
0x9a: {  	s5 =	simm.s32 $_size__tile_overlayer_lowered;
	s6 =	simm.s32 $_tile_overlayer_lowered  }
0x9b: {  	s22 =	simm.s32 $0x1BFF;
	s21 =	sshll.u32 s6, $0x1;
	s3 =	sadd.s32 s4, s19  }
0x9c: {  	s7 =	simm.s32 $0x0;
	s20 =	sshll.u32 s5, $0x1;
	s5 =	sadd.s32 s21, s3  }
0x9d: {  	[timem:s7], [sflag:s22] =	dma.local [hbm:s5], s20  }
0x9e: {  	_ =	swait.ge [sflag:s22], s20  }
0x9f: {  	s4 =	ssub.s32 $0x0, s20;
	[sflag:s22] =	ssyncset.done $0x0  }
0xa0: {  	[sflag:s22] =	ssyncadd.s32 s4;
	_ =	sdelay $0x1  }
0xa1: {  	s23 =	simm.s32 $0x1B8B  }
0xa2: {  	_ =	swait.ge [sflag:s23], $0x1  }
0xa3: {  	[sflag:s23] =	ssyncset.done $0x0  }
0xa4: {  	s25 =	simm.s32 $0x1B8E;
	s24 =	sld [smem:$0x3FFE];
	[sflag:s23] =	ssyncadd.s32 $0xFFFFFFFF  }
0xa5: {  	s26 =	simm.s32 $execute0_lowered;
	[smem:$0x3FD2] =	sst s25  }
0xa6: {  	s5 =	sshll.u32 s26, $0x1;
	_ =	strace $0x8000004C;
	[dreg:$0x1] =	wrdreg $0xFFFFFFFF  }
0xa7: {  	s28 =	simm.s32 $_size_execute0_lowered;
	s3 =	sadd.s32 s3, s5;
	[dreg:$0x0] =	wrdreg $0x0  }
0xa8: {  	s5 =	sshll.u32 s28, $0x1;
	[dreg:$0x2] =	wrdreg s3  }
0xa9: {  	[dreg:$0x3] =	wrdreg s5  }
0xaa: {  	[dreg:$0x4] =	wrdreg $0xC0  }
0xab: {  	_ =	task [dreg:s7], $0x5FFFF  }
0xac: {  	[dreg:$0x1] =	wrdreg $0xFFFFFFFF  }
0xad: {  	[dreg:$0x0] =	wrdreg $0x60  }
0xae: {  	[dreg:$0x2] =	wrdreg s2  }
0xaf: {  	[dreg:$0x3] =	wrdreg s24  }
0xb0: {  	[dreg:$0x4] =	wrdreg $0xA1000  }
0xb1: {  	[dreg:$0x5] =	wrdreg $0x9  }
0xb2: {  	_ =	task.clear_ibuf [dreg:s7], $0x6FFFF;
	_ =	strace $0x9000004C  }
0xb3: {  	s29 =	simm.s32 $0x9;
	_ =	strace $0x8000004E  }
0xb4: {  	_ =	swait.ge [sflag:s29], $0x1  }
0xb5: {  	[sflag:s29] =	ssyncadd.s32 $0xFFFFFFFF  }
0xb6: {  	_ =	strace $0x9000004E  }
0xb7: {  	_ =	sfence  }
0xb8: {  	s30 =	sld [smem:$0x0];
	_ =	sdelay $0x2  }
0xb9: {  	s31 =	sshll.u32 s1, $0xD;
	s1 =	sshrl.u32 s1, $0x2  }
0xba: {  	s3 =	sand.u32 $0x4000, s31;
	s1 =	sadd.s32 s1, s30  }
0xbb: {  	s0 =	sor.u32 s3, s0;
	s1 =	sshll.u32 s1, $0x11  }
0xbc: {  	s0 =	sor.u32 s1, s0  }
0xbd: {  	s0 =	sadd.s32 $0x8F2B, s0  }
0xbe: {  	[sflag:s0] =	ssyncadd.remote.s32 $0x1  }
0xbf: {  	_ =	sfence.sel $0xFFFF  }
0xc0: {  	[dreg:$0x0] =	wrdreg $0xFFFFFFFF;
	(pc) =	sbr.abs _section_cstart, $3  }
0xc1: {  	[dreg:$0x1] =	wrdreg $0xFFFFFFFF  }
0xc2: {  	_ =	task.clear_ibuf [dreg:s7], $0x2FFFF;
	_ =	strace $0x9FFFFFFF  }
0xc3: {  	(tm) =	ssettm $0x7FFFFFFF  }
tec
execute0_lowered:
.L_overlay_start_1:
0x0: {  	(tag) =	ssettag $0x1  }
0x1: {  	s0 =	srdreg.scid;
	s1 =	rddreg [dreg:$0x0]  }
0x2: {  	s12 =	stileid.u32;
	s6 =	rddreg [dreg:$0x1]  }
0x3: {  	s3 =	rddreg [dreg:$0x2];
	s4 =	simm.s32 $0x0;
	s19 =	simm.s32 $0x5  }
0x4: {  	s29 =	simm.s32 $0x7780;
	s30 =	simm.s32 $0xA080;
	s31 =	simm.s32 $0x1  }
0x5: {  	s28 =	simm.s32 $0x2;
	s13 =	simm.s32 $0x6;
	s14 =	simm.s32 $0x0  }
0x6: {  	s0 =	sand.u32 $0x1, s0;
	s2 =	sshll.u32 s12, $0x1;
	s16 =	smul.u32 $0x50000, s12  }
0x7: {  	[smem:$0x7FF] =	sst s4;
	s5 =	sadd.s32 $0xD800, s6;
	s18 =	smul.u32 $0x4E20, s12  }
0x8: {  	p0 =	seq.s32 s12, $0xF;
	s25 =	smul.u32 $0x14000, s12;
	s12 =	simm.s32 $0x4  }
0x9: {  	s2 =	sor.u32 s0, s2;
	_ =	strace $0x8000004D;
	s21 =	smul.u32 $0x2710, s0  }
0xa: {  	s8 =	ssub.s32 $0x2, s0;
	s19 =	simm.s32 @!p0 $0x8;
	s0 =	smul.u32 $0x138800, s0  }
0xb: {  	s2 =	smul.u32 $0x2710, s2;
	s9 =	sshrl.u32 s8, $0x1;
	[dreg:$0x5] =	wrdreg s19  }
0xc: {  	s10 =	ssub.s32 s8, s9;
	s8 =	simm.s32 $0x5;
	s0 =	sadd.s32 s25, s0  }
0xd: {  	s25 =	simm.s32 $0x4F80;
	s2 =	sshrl.u32 s2, $0x3;
	s10 =	smax.u32 s10, $0x1  }
0xe: {  	[dreg:$0x10] =	wrdreg s0;
	s0 =	simm.s32 $0x8;
	s7 =	sadd.s32 s2, s6  }
0xf: {  	s6 =	sadd.s32 $0x17600, s6;
	s17 =	sadd.s32 s5, s2;
	[dreg:$0x9] =	wrdreg s10  }
0x10: {  	s2 =	sadd.s32 s21, s18;
	s7 =	sadd.s32 $0x3A00, s7;
	[dreg:$0x6] =	wrdreg s17  }
0x11: {  	s21 =	simm.s32 $0xA;
	s11 =	sadd.s32 $0xA, s17;
	[dreg:$0x4] =	wrdreg s7  }
0x12: {  	s20 =	sadd.s32 $0x14, s17;
	s22 =	sadd.s32 $0x4CE, s17;
	[dreg:$0x7] =	wrdreg s11  }
0x13: {  	s9 =	sadd.s32 $0x4D8, s17;
	s23 =	sadd.s32 $0x190, s2;
	[dreg:$0x8] =	wrdreg s20  }
0x14: {  	s24 =	sadd.s32 $0x140, s2;
	s2 =	sadd.s32 $0xF0, s2;
	[dreg:$0xa] =	wrdreg s22  }
0x15: {  	[dreg:$0xb] =	wrdreg s9;
	s7 =	sshrl.u32 s16, $0x2;
	s10 =	sshrl.u32 s24, $0x3  }
0x16: {  	[dreg:$0xf] =	wrdreg s2;
	s22 =	simm.s32 $0x2780;
	s24 =	simm.s32 $0x9F80  }
0x17: {  	s2 =	simm.s32 $0x7;
	s11 =	simm.s32 $0x9;
	s26 =	sadd.s32 s10, s5  }
0x18: {  	s20 =	sadd.s32 s7, s3;
	s7 =	sshrl.u32 s23, $0x3;
	[dreg:$0xe] =	wrdreg s26  }
0x19: {  	s23 =	simm.s32 $0x50;
	s7 =	sadd.s32 s7, s5;
	[dreg:$0xc] =	wrdreg s20  }
0x1a: {  	v0 =	vimm.f32 $0.0e+00;
	s26 =	simm.s32 $0xA000;
	[dreg:$0xd] =	wrdreg s7;
	s7 =	simm.s32 $0x3  }
.LBB2_1:
0x1b: {  	s9 =	rddreg [dreg:$0x4]  }
0x1c: {  	[tilespmem:s4], [sflag:$0xA] =	stream.linear.gather [hbm4b:s9+s4], $0x2710, $0x38;
	[tilespmem:$0x1D980] =	vst v63  }
0x1d: {  	_ =	swait.ge [sflag:s21], $0x2710  }
0x1e: {  	[sflag:s21] =	ssyncset.done $0x0  }
0x1f: {  	s10 =	simm.s32 $0x70;
	s15 =	simm.s32 $0x3C0;
	[sflag:s21] =	ssyncadd.s32 $0xFFFFD8F0  }
.LBB2_2:
0x20: {  	p0 =	sne.s32 s15, $0x9FC0;
	[tilespmem:s10+$0x2780] =	vst v0  }
0x21: {  	[tilespmem:s10+$0x2710] =	vst v0  }
0x22: {  	[tilespmem:s10+$0x2720] =	vst v0  }
.Ltmp0:
0x23: {  	[tilespmem:s10+$0x2730] =	vst v0;
	(pc) =	sbr.rel @p0 .LBB2_2-.Ltmp0, $4  }
0x24: {  	[tilespmem:s10+$0x2740] =	vst v0  }
0x25: {  	[tilespmem:s10+$0x2750] =	vst v0  }
0x26: {  	[tilespmem:s10+$0x2760] =	vst v0  }
0x27: {  	[tilespmem:s10+$0x2770] =	vst v0;
	s10 =	sshra.s32 s15, $0x2;
	s15 =	sadd.s32 $0x200, s15  }
0x28: {  	[tilespmem:s10+$0x2780] =	vst v0  }
0x29: {  	[tilespmem:s10+$0x2710] =	vst v0  }
0x2a: {  	[tilespmem:s10+$0x2720] =	vst v0  }
0x2b: {  	[tilespmem:s10+$0x2730] =	vst v0  }
0x2c: {  	[tilespmem:s10+$0x2740] =	vst v0  }
0x2d: {  	[tilespmem:s10+$0x2750] =	vst v0;
	p0 =	sne.s32 s19, $0x1  }
.Ltmp1:
0x2e: {  	[tilespmem:s10+$0x2760] =	vst v0;
	(pc) =	sbr.rel @!p0 .LBB2_5-.Ltmp1, $4  }
0x2f: {  	[tilespmem:s10+$0x2770] =	vst v0  }
0x30: {  	[spmem:s20] =	stream.linear.scatter [tilespmem:s22], [sflag:$0xA], $0x2800, $0x38;
	[tilespmem:$0x1D980] =	vst v63  }
0x31: {  	_ =	swait.ge [sflag:s21], $0x2800  }
0x32: {  	s10 =	sadd.s32 $0xFFFFFFFF, s19;
	s15 =	smov.u32 s20;
	[sflag:s21] =	ssyncset.done $0x0  }
.LBB2_4:
0x33: {  	p1 =	sne.s32 s10, $0x1;
	[sflag:s21] =	ssyncadd.s32 $0xFFFFD800;
	s15 =	sadd.s32 $0x2800, s15  }
.Ltmp2:
0x34: {  	s10 =	sadd.s32 $0xFFFFFFFF, s10;
	(pc) =	sbr.rel @p1 .LBB2_4-.Ltmp2, $4  }
0x35: {  	_ = 	snop  }
0x36: {  	[spmem:s15] =	stream.linear.scatter [tilespmem:s22], [sflag:$0xA], $0x2800, $0x38;
	[tilespmem:$0x1D980] =	vst v63  }
0x37: {  	_ =	swait.ge [sflag:s21], $0x2800  }
0x38: {  	[sflag:s21] =	ssyncset.done $0x0  }
.LBB2_5:
0x39: {  	[sflag:s21] =	ssyncadd.s32 $0xFFFFD800  }
0x3a: {  	s10 =	simm.s32 $0x0;
	[bflag:$0x0] =	sbarrier.arrive $0xFFFF  }
0x3b: {  	[tilespmem:s22], [sflag:$0x1] =	stream.indirect.gather [hbm4b:s1+s23], $0x80, s10, s23, $0xb8;
	[tilespmem:$0x1D980] =	vst v63  }
0x3c: {  	s9 =	rddreg [dreg:$0x6]  }
0x3d: {  	[tilespmem:s24], [sflag:$0x7] =	stream.linear.gather [hbm4b:s9+s10], $0x50, $0x38;
	[tilespmem:$0x1D980] =	vst v63  }
0x3e: {  	_ = 	snop  }
0x3f: {  	[tilespmem:s25], [sflag:$0x2] =	stream.indirect.gather [hbm4b:s1+s23], $0x80, s23, s23, $0xb8;
	[tilespmem:$0x1D980] =	vst v63  }
0x40: {  	s18 =	rddreg [dreg:$0x7]  }
0x41: {  	[tilespmem:s26], [sflag:$0x8] =	stream.linear.gather [hbm4b:s18+s10], $0x50, $0x38;
	[tilespmem:$0x1D980] =	vst v63  }
0x42: {  	s19 =	simm.s32 $0xA0  }
0x43: {  	[tilespmem:s29], [sflag:$0x3] =	stream.indirect.gather [hbm4b:s1+s23], $0x80, s19, s23, $0xb8;
	[tilespmem:$0x1D980] =	vst v63  }
0x44: {  	s20 =	rddreg [dreg:$0x8]  }
0x45: {  	[tilespmem:s30], [sflag:$0x9] =	stream.linear.gather [hbm4b:s20+s10], $0x50, $0x38;
	[tilespmem:$0x1D980] =	vst v63  }
0x46: {  	_ =	swait.ge [sflag:s31], $0x2800  }
0x47: {  	[sflag:s31] =	ssyncset.done $0x0  }
0x48: {  	[sflag:s31] =	ssyncadd.s32 $0xFFFFD800  }
0x49: {  	_ =	swait.ge [sflag:s2], $0x50  }
0x4a: {  	[sflag:s2] =	ssyncset.done $0x0  }
0x4b: {  	[sflag:s2] =	ssyncadd.s32 $0xFFFFFFB0  }
0x4c: {  	[spmem:s3] =	stream.indirect.scatter.add.f32 [tilespmem:s22], [sflag:$0x4], $0x80, s24, s23, $0xb8;
	[tilespmem:$0x1D980] =	vst v63  }
0x4d: {  	_ =	swait.ge [sflag:s28], $0x2800  }
0x4e: {  	[sflag:s28] =	ssyncset.done $0x0  }
0x4f: {  	[sflag:s28] =	ssyncadd.s32 $0xFFFFD800  }
0x50: {  	_ =	swait.ge [sflag:s0], $0x50  }
0x51: {  	[sflag:s0] =	ssyncset.done $0x0  }
0x52: {  	[sflag:s0] =	ssyncadd.s32 $0xFFFFFFB0  }
0x53: {  	[spmem:s3] =	stream.indirect.scatter.add.f32 [tilespmem:s25], [sflag:$0x5], $0x80, s26, s23, $0xb8;
	[tilespmem:$0x1D980] =	vst v63  }
0x54: {  	_ =	swait.ge [sflag:s7], $0x2800  }
0x55: {  	[sflag:s7] =	ssyncset.done $0x0  }
0x56: {  	[sflag:s7] =	ssyncadd.s32 $0xFFFFD800  }
0x57: {  	_ =	swait.ge [sflag:s11], $0x50  }
0x58: {  	[sflag:s11] =	ssyncset.done $0x0  }
0x59: {  	[sflag:s11] =	ssyncadd.s32 $0xFFFFFFB0  }
0x5a: {  	[spmem:s3] =	stream.indirect.scatter.add.f32 [tilespmem:s29], [sflag:$0x6], $0x80, s30, s23, $0xb8;
	[tilespmem:$0x1D980] =	vst v63  }
0x5b: {  	_ =	swait.ge [sflag:s12], $0x2800  }
0x5c: {  	[sflag:s12] =	ssyncset.done $0x0;
	s16 =	rddreg [dreg:$0xf]  }
0x5d: {  	s9 =	simm.s32 $0xF0;
	[sflag:s12] =	ssyncadd.s32 $0xFFFFD800;
	s15 =	sshrl.u32 s16, $0x3  }
0x5e: {  	[tilespmem:s22], [sflag:$0x1] =	stream.indirect.gather [hbm4b:s1+s23], $0x80, s9, s23, $0xb8;
	[tilespmem:$0x1D980] =	vst v63  }
0x5f: {  	s17 =	sadd.s32 s5, s15  }
0x60: {  	[tilespmem:s24], [sflag:$0x7] =	stream.linear.gather [hbm4b:s17+s4], $0x50, $0x38;
	[tilespmem:$0x1D980] =	vst v63  }
0x61: {  	_ =	swait.ge [sflag:s8], $0x2800  }
0x62: {  	[sflag:s8] =	ssyncset.done $0x0  }
0x63: {  	s18 =	simm.s32 $0x140;
	[sflag:s8] =	ssyncadd.s32 $0xFFFFD800  }
0x64: {  	[tilespmem:s25], [sflag:$0x2] =	stream.indirect.gather [hbm4b:s1+s23], $0x80, s18, s23, $0xb8;
	[tilespmem:$0x1D980] =	vst v63  }
0x65: {  	s19 =	rddreg [dreg:$0xe]  }
0x66: {  	[tilespmem:s26], [sflag:$0x8] =	stream.linear.gather [hbm4b:s19+s4], $0x50, $0x38;
	[tilespmem:$0x1D980] =	vst v63  }
0x67: {  	s20 =	simm.s32 $0x190;
	s15 =	simm.s32 $0x3C0;
	_ =	swait.ge [sflag:s13], $0x2800  }
0x68: {  	s18 =	sadd.s32 $0x1E, s19;
	[sflag:s13] =	ssyncset.done $0x0;
	s17 =	rddreg [dreg:$0xd]  }
0x69: {  	s19 =	sadd.s32 $0xF0, s16;
	[sflag:s13] =	ssyncadd.s32 $0xFFFFD800;
	s10 =	sadd.s32 $0x1E, s17  }
0x6a: {  	[tilespmem:s29], [sflag:$0x3] =	stream.indirect.gather [hbm4b:s1+s23], $0x80, s20, s23, $0xb8;
	[tilespmem:$0x1D980] =	vst v63  }
.LBB2_6:
0x6b: {  	[tilespmem:s30], [sflag:$0x9] =	stream.linear.gather [hbm4b:s17+s4], $0x50, $0x38;
	[tilespmem:$0x1D980] =	vst v63  }
0x6c: {  	s20 =	smov.u32 s15;
	s17 =	smov.u32 s10  }
0x6d: {  	p1 =	sne.s32 s15, $0x9240;
	s15 =	sadd.s32 $0x3C0, s15;
	_ =	swait.ge [sflag:s31], $0x2800  }
0x6e: {  	[sflag:s31] =	ssyncset.done $0x0  }
0x6f: {  	[sflag:s31] =	ssyncadd.s32 $0xFFFFD800  }
0x70: {  	_ =	swait.ge [sflag:s2], $0x50  }
0x71: {  	[sflag:s2] =	ssyncset.done $0x0  }
0x72: {  	[sflag:s2] =	ssyncadd.s32 $0xFFFFFFB0  }
0x73: {  	[spmem:s3] =	stream.indirect.scatter.add.f32 [tilespmem:s22], [sflag:$0x4], $0x80, s24, s23, $0xb8;
	[tilespmem:$0x1D980] =	vst v63  }
0x74: {  	_ =	swait.ge [sflag:s28], $0x2800  }
0x75: {  	[sflag:s28] =	ssyncset.done $0x0  }
0x76: {  	[sflag:s28] =	ssyncadd.s32 $0xFFFFD800  }
0x77: {  	_ =	swait.ge [sflag:s0], $0x50  }
0x78: {  	[sflag:s0] =	ssyncset.done $0x0  }
0x79: {  	[sflag:s0] =	ssyncadd.s32 $0xFFFFFFB0  }
0x7a: {  	[spmem:s3] =	stream.indirect.scatter.add.f32 [tilespmem:s25], [sflag:$0x5], $0x80, s26, s23, $0xb8;
	[tilespmem:$0x1D980] =	vst v63  }
0x7b: {  	_ =	swait.ge [sflag:s7], $0x2800  }
0x7c: {  	[sflag:s7] =	ssyncset.done $0x0  }
0x7d: {  	[sflag:s7] =	ssyncadd.s32 $0xFFFFD800  }
0x7e: {  	_ =	swait.ge [sflag:s11], $0x50  }
0x7f: {  	[sflag:s11] =	ssyncset.done $0x0  }
0x80: {  	[sflag:s11] =	ssyncadd.s32 $0xFFFFFFB0  }
0x81: {  	[spmem:s3] =	stream.indirect.scatter.add.f32 [tilespmem:s29], [sflag:$0x6], $0x80, s30, s23, $0xb8;
	[tilespmem:$0x1D980] =	vst v63  }
0x82: {  	_ =	swait.ge [sflag:s12], $0x2800  }
0x83: {  	s20 =	sshra.s32 s20, $0x2;
	[sflag:s12] =	ssyncset.done $0x0  }
0x84: {  	s16 =	sshrl.u32 s19, $0x3;
	s9 =	sadd.s32 $0xF0, s20;
	[sflag:s12] =	ssyncadd.s32 $0xFFFFD800  }
0x85: {  	[tilespmem:s22], [sflag:$0x1] =	stream.indirect.gather [hbm4b:s1+s23], $0x80, s9, s23, $0xb8;
	[tilespmem:$0x1D980] =	vst v63  }
0x86: {  	s9 =	sadd.s32 s5, s16  }
0x87: {  	[tilespmem:s24], [sflag:$0x7] =	stream.linear.gather [hbm4b:s9+s4], $0x50, $0x38;
	[tilespmem:$0x1D980] =	vst v63  }
0x88: {  	_ =	swait.ge [sflag:s8], $0x2800  }
0x89: {  	[sflag:s8] =	ssyncset.done $0x0  }
0x8a: {  	s9 =	sadd.s32 $0x140, s20;
	[sflag:s8] =	ssyncadd.s32 $0xFFFFD800  }
0x8b: {  	[tilespmem:s25], [sflag:$0x2] =	stream.indirect.gather [hbm4b:s1+s23], $0x80, s9, s23, $0xb8;
	[tilespmem:$0x1D980] =	vst v63  }
0x8c: {  	_ = 	snop  }
0x8d: {  	[tilespmem:s26], [sflag:$0x8] =	stream.linear.gather [hbm4b:s18+s4], $0x50, $0x38;
	[tilespmem:$0x1D980] =	vst v63  }
.Ltmp3:
0x8e: {  	_ =	swait.ge [sflag:s13], $0x2800;
	(pc) =	sbr.rel @p1 .LBB2_6-.Ltmp3, $4  }
0x8f: {  	[sflag:s13] =	ssyncset.done $0x0  }
0x90: {  	s9 =	sadd.s32 $0x190, s20;
	[sflag:s13] =	ssyncadd.s32 $0xFFFFD800  }
0x91: {  	[tilespmem:s29], [sflag:$0x3] =	stream.indirect.gather [hbm4b:s1+s23], $0x80, s9, s23, $0xb8;
	[tilespmem:$0x1D980] =	vst v63  }
0x92: {  	s10 =	sadd.s32 $0x1E, s10;
	s19 =	sadd.s32 $0xF0, s19;
	s18 =	sadd.s32 $0x1E, s18  }
0x93: {  	[tilespmem:s30], [sflag:$0x9] =	stream.linear.gather [hbm4b:s17+s4], $0x50, $0x38;
	[tilespmem:$0x1D980] =	vst v63  }
0x94: {  	_ =	swait.ge [sflag:s31], $0x2800  }
0x95: {  	[sflag:s31] =	ssyncset.done $0x0  }
0x96: {  	[sflag:s31] =	ssyncadd.s32 $0xFFFFD800  }
0x97: {  	_ =	swait.ge [sflag:s2], $0x50  }
0x98: {  	[sflag:s2] =	ssyncset.done $0x0  }
0x99: {  	[sflag:s2] =	ssyncadd.s32 $0xFFFFFFB0  }
0x9a: {  	[spmem:s3] =	stream.indirect.scatter.add.f32 [tilespmem:s22], [sflag:$0x4], $0x80, s24, s23, $0xb8;
	[tilespmem:$0x1D980] =	vst v63  }
0x9b: {  	_ =	swait.ge [sflag:s28], $0x2800  }
0x9c: {  	[sflag:s28] =	ssyncset.done $0x0  }
0x9d: {  	[sflag:s28] =	ssyncadd.s32 $0xFFFFD800  }
0x9e: {  	_ =	swait.ge [sflag:s0], $0x50  }
0x9f: {  	[sflag:s0] =	ssyncset.done $0x0  }
0xa0: {  	[sflag:s0] =	ssyncadd.s32 $0xFFFFFFB0  }
0xa1: {  	[spmem:s3] =	stream.indirect.scatter.add.f32 [tilespmem:s25], [sflag:$0x5], $0x80, s26, s23, $0xb8;
	[tilespmem:$0x1D980] =	vst v63  }
0xa2: {  	_ =	swait.ge [sflag:s7], $0x2800  }
0xa3: {  	[sflag:s7] =	ssyncset.done $0x0  }
0xa4: {  	[sflag:s7] =	ssyncadd.s32 $0xFFFFD800  }
0xa5: {  	_ =	swait.ge [sflag:s11], $0x50  }
0xa6: {  	[sflag:s11] =	ssyncset.done $0x0  }
0xa7: {  	[sflag:s11] =	ssyncadd.s32 $0xFFFFFFB0  }
0xa8: {  	[spmem:s3] =	stream.indirect.scatter.add.f32 [tilespmem:s29], [sflag:$0x6], $0x80, s30, s23, $0xb8;
	[tilespmem:$0x1D980] =	vst v63  }
0xa9: {  	_ =	swait.ge [sflag:s12], $0x2800  }
0xaa: {  	[sflag:s12] =	ssyncset.done $0x0  }
0xab: {  	s9 =	simm.s32 $0x2670;
	[sflag:s12] =	ssyncadd.s32 $0xFFFFD800  }
0xac: {  	[tilespmem:s22], [sflag:$0x1] =	stream.indirect.gather [hbm4b:s1+s23], $0x80, s9, s23, $0xb8;
	[tilespmem:$0x1D980] =	vst v63  }
0xad: {  	s10 =	rddreg [dreg:$0xa]  }
0xae: {  	[tilespmem:s24], [sflag:$0x7] =	stream.linear.gather [hbm4b:s10+s4], $0x50, $0x38;
	[tilespmem:$0x1D980] =	vst v63  }
0xaf: {  	_ =	swait.ge [sflag:s8], $0x2800  }
0xb0: {  	[sflag:s8] =	ssyncset.done $0x0  }
0xb1: {  	s15 =	simm.s32 $0x26C0;
	[sflag:s8] =	ssyncadd.s32 $0xFFFFD800  }
0xb2: {  	[tilespmem:s25], [sflag:$0x2] =	stream.indirect.gather [hbm4b:s1+s23], $0x80, s15, s23, $0xb8;
	[tilespmem:$0x1D980] =	vst v63  }
0xb3: {  	s16 =	rddreg [dreg:$0xb]  }
0xb4: {  	[tilespmem:s26], [sflag:$0x8] =	stream.linear.gather [hbm4b:s16+s4], $0x50, $0x38;
	[tilespmem:$0x1D980] =	vst v63  }
0xb5: {  	_ =	swait.ge [sflag:s13], $0x2800  }
0xb6: {  	[sflag:s13] =	ssyncset.done $0x0  }
0xb7: {  	[sflag:s13] =	ssyncadd.s32 $0xFFFFD800  }
0xb8: {  	_ =	swait.ge [sflag:s31], $0x2800  }
0xb9: {  	[sflag:s31] =	ssyncset.done $0x0  }
0xba: {  	[sflag:s31] =	ssyncadd.s32 $0xFFFFD800  }
0xbb: {  	_ =	swait.ge [sflag:s2], $0x50  }
0xbc: {  	[sflag:s2] =	ssyncset.done $0x0  }
0xbd: {  	[sflag:s2] =	ssyncadd.s32 $0xFFFFFFB0  }
0xbe: {  	[spmem:s3] =	stream.indirect.scatter.add.f32 [tilespmem:s22], [sflag:$0x4], $0x80, s24, s23, $0xb8;
	[tilespmem:$0x1D980] =	vst v63  }
0xbf: {  	_ =	swait.ge [sflag:s28], $0x2800  }
0xc0: {  	[sflag:s28] =	ssyncset.done $0x0  }
0xc1: {  	[sflag:s28] =	ssyncadd.s32 $0xFFFFD800  }
0xc2: {  	_ =	swait.ge [sflag:s0], $0x50  }
0xc3: {  	[sflag:s0] =	ssyncset.done $0x0  }
0xc4: {  	[sflag:s0] =	ssyncadd.s32 $0xFFFFFFB0  }
0xc5: {  	[spmem:s3] =	stream.indirect.scatter.add.f32 [tilespmem:s25], [sflag:$0x5], $0x80, s26, s23, $0xb8;
	[tilespmem:$0x1D980] =	vst v63  }
0xc6: {  	_ =	swait.ge [sflag:s12], $0x2800  }
0xc7: {  	[sflag:s12] =	ssyncset.done $0x0  }
0xc8: {  	[sflag:s12] =	ssyncadd.s32 $0xFFFFD800  }
0xc9: {  	_ =	swait.ge [sflag:s8], $0x2800  }
0xca: {  	[sflag:s8] =	ssyncset.done $0x0  }
0xcb: {  	[sflag:s8] =	ssyncadd.s32 $0xFFFFD800  }
0xcc: {  	s17 =	stileid.u32;
	[bflag:$0x0] =	sbarrier.arrive $0xFFFF  }
0xcd: {  	s9 =	sshll.u32 s17, $0x6;
	s18 =	rddreg [dreg:$0x10]  }
.Ltmp4:
0xce: {  	s20 =	rddreg [dreg:$0xc];
	s10 =	sshrl.u32 s18, $0x3;
	(pc) =	sbr.rel @!p0 .LBB2_9-.Ltmp4, $4  }
0xcf: {  	s15 =	sshrl.u32 s20, $0x3;
	s16 =	sadd.s32 s6, s10;
	s10 =	sor.u32 $0x1C0A, s9  }
0xd0: {  	[hbm:s16], [sflag:s10] =	dma.local [spmem:s15], $0x500  }
0xd1: {  	s19 =	rddreg [dreg:$0x5]  }
0xd2: {  	s17 =	sadd.s32 $0x2800, s18;
	s18 =	smov.u32 s20;
	s15 =	sadd.s32 $0xFFFFFFFF, s19  }
.LBB2_8:
0xd3: {  	_ =	swait.ge [sflag:s21], $0x500  }
0xd4: {  	s18 =	sadd.s32 $0x2800, s18;
	s9 =	sshrl.u32 s17, $0x3;
	p0 =	sne.s32 s15, $0x1  }
.Ltmp5:
0xd5: {  	s16 =	sshrl.u32 s18, $0x3;
	[sflag:s21] =	ssyncset.done $0x0;
	(pc) =	sbr.rel @p0 .LBB2_8-.Ltmp5, $4  }
0xd6: {  	s9 =	sadd.s32 s6, s9;
	[sflag:s21] =	ssyncadd.s32 $0xFFFFFB00  }
0xd7: {  	[hbm:s9], [sflag:s10] =	dma.local [spmem:s16], $0x500  }
0xd8: {  	s15 =	sadd.s32 $0xFFFFFFFF, s15  }
0xd9: {  	s17 =	sadd.s32 $0x2800, s17  }
.LBB2_9:
0xda: {  	_ =	swait.ge [sflag:s21], $0x500  }
0xdb: {  	s14 =	sadd.s32 $0x1, s14;
	s9 =	rddreg [dreg:$0x9]  }
0xdc: {  	p0 =	sne.s32 s14, s9  }
.Ltmp6:
0xdd: {  	_ = 	snop;
	(pc) =	sbr.rel @p0 .LBB2_1-.Ltmp6, $3  }
0xde: {  	_ =	sdelay $0x1  }
0xdf: {  	[sflag:s21] =	ssyncset.done $0x0  }
0xe0: {  	[sflag:s21] =	ssyncadd.s32 $0xFFFFFB00  }
0xe1: {  	_ =	sfence.sel $0x180000  }
0xe2: {  	[bflag:$0x0] =	sbarrier.arrive $0xFFFF  }
0xe3: {  	_ =	strace $0x9000004D  }
0xe4: {  	s0 =	stileid.u32;
	[bflag:$0x2] =	sbarrier.arrive $0xFFFF  }
0xe5: {  	p0 =	sne.s32 s0, $0x0;
	s0 =	rddreg [dreg:$0x3]  }
0xe6: {  	s0 =	sadd.s32 @!p0 $0x100000, s0  }
0xe7: {  	[sflag:s0] =	ssyncadd.tile.s32 @!p0 $0x1;
	_ =	shalt  }
.Lfunc_end2:
_tile_overlayer_lowered:
.L_overlay_start_2:
0xe8: {  	(tag) =	ssettag $0x2  }
0xe9: {  	s0 =	rddreg [dreg:$0x0];
	s2 =	stileid.u32  }
0xea: {  	s1 =	rddreg [dreg:$0x1];
	p0 =	sne.s32 s2, $0x0  }
0xeb: {  	s3 =	rddreg [dreg:$0x2];
	[bflag:$0x3] =	sbarrier.arrive $0xFFFF;
	s2 =	simm.s32 @!p0 $0x1C0A  }
0xec: {  	[timem:s3], [sflag:s2] =	dma.local @!p0 [hbm:s0], s1  }
0xed: {  	s0 =	simm.s32 @!p0 $0xA  }
0xee: {  	_ =	swait.ge @!p0 [sflag:s0], s1  }
0xef: {  	s1 =	ssub.s32 @!p0 $0x0, s1;
	[sflag:s0] =	ssyncset.done @!p0 $0x0  }
0xf0: {  	[sflag:s0] =	ssyncadd.s32 @!p0 s1  }
0xf1: {  	[bflag:$0x3] =	sbarrier.arrive $0xFFFF  }
0xf2: {  	_ =	shalt  }

// kernel: kernel.8.cloned.1.call-start
scs
__scs_entry_jumppad:
0x0: {  	(pc) =	sbr.rel $0x88, $3  }
0x1: {  	(tag) =	ssettag $0x0;
	lr =	simm.s32 $0x1  }
0x2: {  	[smem:$0x3F96] =	sst lr;
	_ =	strace $0xD0000000  }
0x3: {  	_ = 	snop  }
0x4: {  	_ = 	snop  }
0x5: {  	_ = 	snop  }
0x6: {  	_ = 	snop  }
0x7: {  	_ = 	snop  }
__scs_overlays_trampoline_lowered:
0x8: {  	[smem:$0x3FA5] =	sst s0  }
0x9: {  	[smem:$0x3FA6] =	sst s1  }
0xa: {  	[smem:$0x3FA7] =	sst s2  }
0xb: {  	[smem:$0x3FA8] =	sst s3  }
0xc: {  	[smem:$0x3FA9] =	sst s4  }
0xd: {  	[smem:$0x3FAA] =	sst s5  }
0xe: {  	[smem:$0x3FAB] =	sst s6  }
0xf: {  	[smem:$0x3FAC] =	sst s7  }
0x10: {  	[smem:$0x3FAD] =	sst s8  }
0x11: {  	[smem:$0x3FAE] =	sst s9;
	s0 =	simm.s32 @!p0 $0x0  }
0x12: {  	s1 =	sld [smem:$0x3F94];
	s0 =	simm.s32 @p0 $0x1  }
0x13: {  	[smem:$0x3FAF] =	sst s0;
	s0 =	simm.s32 @!p1 $0x0  }
0x14: {  	s2 =	sld [smem:$0x3F93];
	s0 =	simm.s32 @p1 $0x1  }
0x15: {  	[smem:$0x3FB0] =	sst s0;
	s0 =	simm.s32 @!p2 $0x0  }
0x16: {  	s3 =	sld [smem:$0x3FDB];
	s0 =	simm.s32 @p2 $0x1  }
0x17: {  	s4 =	simm.s32 $0x1BF5;
	[smem:$0x3FB2] =	sst s0  }
0x18: {  	s0 =	sld [smem:$0x3F95];
	_ =	swait.ge [sflag:s4], $0x0  }
0x19: {  	s7 =	sld [smem:$0x3F96]  }
0x1a: {  	s8 =	sadd.s32 $0xFFFFE003, lr  }
0x1b: {  	s9 =	sadd.s32 $0xFFFFFEF7, lr;
	s5 =	simm.s32 $0xFFFFFFFF;
	p2 =	slt.u32 s8, $0xFFFFF086  }
0x1c: {  	p1 =	slt.u32 s9, $0xF7A;
	s5 =	simm.s32 @!p2 $0x0  }
0x1d: {  	s5 =	simm.s32 @p1 $0x1;
	p0 =	seq.s32 s7, s2  }
0x1e: {  	s7 =	smul.u32 @!p0 $0xF7A, s2;
	p2 =	seq.s32 @!p0 s5, $0x0  }
0x1f: {  	s9 =	smul.u32 $0xF7A, s1;
	s8 =	simm.s32 @!p0 $0x1BF5;
	p2 =	por !p2, p0  }
0x20: {  	[sflag:s8] =	ssyncset.s32 @!p0 $0xFFFFF086;
	s6 =	sadd.s32 @!p0 s3, s7;
	s7 =	simm.s32 @!p0 $0x108  }
0x21: {  	s3 =	sadd.s32 s3, s9;
	s6 =	sadd.s32 @!p0 $0x88, s6;
	s7 =	simm.s32 @p2 $0x1082  }
0x22: {  	[simem:s7], [sflag:s8] =	dma.local @!p0 [hbm:s6], $0xF7A  }
0x23: {  	s9 =	sor.u32 $0xD0000000, s2;
	s6 =	simm.s32 $0x108;
	_ =	swait.ge @!p0 [sflag:s8], $0x0  }
0x24: {  	s3 =	sadd.s32 $0x88, s3;
	s6 =	simm.s32 @!p1 $0x1082;
	[sflag:s4] =	ssyncset.s32 $0xFFFFF086  }
0x25: {  	[simem:s6], [sflag:s4] =	dma.local [hbm:s3], $0xF7A  }
0x26: {  	[smem:$0x3F96] =	sst s1;
	(tag) =	ssettag s2;
	_ =	strace s9  }
0x27: {  	s1 =	sld [smem:$0x3FA6]  }
0x28: {  	s2 =	sld [smem:$0x3FA7]  }
0x29: {  	s4 =	sld [smem:$0x3FA9]  }
0x2a: {  	p0 =	seq.s32 s5, $0x0;
	s5 =	sld [smem:$0x3FAA]  }
0x2b: {  	s6 =	sld [smem:$0x3FAB]  }
0x2c: {  	s7 =	sld [smem:$0x3FAC]  }
0x2d: {  	s3 =	simm.s32 $0x108;
	s8 =	sld [smem:$0x3FAD]  }
0x2e: {  	s3 =	simm.s32 @!p0 $0x1082;
	s9 =	sld [smem:$0x3FAE]  }
0x2f: {  	lr =	sadd.s32 s0, s3;
	s0 =	sld [smem:$0x3FA5]  }
0x30: {  	s3 =	sld [smem:$0x3FA8]  }
0x31: {  	[smem:$0x3FB1] =	sst s10  }
0x32: {  	s10 =	sld [smem:$0x3FAF];
	_ =	sdelay $0x3  }
0x33: {  	p0 =	seq.s32 s10, $0x1;
	s10 =	sld [smem:$0x3FB1];
	_ =	sdelay $0x3  }
0x34: {  	[smem:$0x3FB1] =	sst s10  }
0x35: {  	s10 =	sld [smem:$0x3FB0];
	_ =	sdelay $0x3  }
0x36: {  	p1 =	seq.s32 s10, $0x1;
	s10 =	sld [smem:$0x3FB1];
	_ =	sdelay $0x3  }
0x37: {  	[smem:$0x3FB1] =	sst s10  }
0x38: {  	s10 =	sld [smem:$0x3FB2]  }
0x39: {  	_ = 	snop;
	(pc) =	sbr.ind lr, $3  }
0x3a: {  	_ = 	snop  }
0x3b: {  	_ = 	snop  }
0x3c: {  	p2 =	seq.s32 s10, $0x1;
	s10 =	sld [smem:$0x3FB1]  }
0x3d: {  	_ =	shalt  }
0x3e: {  	_ =	shalt  }
0x3f: {  	_ =	shalt  }
0x40: {  	_ =	shalt  }
0x41: {  	_ =	shalt  }
0x42: {  	_ =	shalt  }
0x43: {  	_ =	shalt  }
0x44: {  	_ =	shalt  }
0x45: {  	_ =	shalt  }
0x46: {  	_ =	shalt  }
0x47: {  	_ =	shalt  }
0x48: {  	_ =	shalt  }
0x49: {  	_ =	shalt  }
0x4a: {  	_ =	shalt  }
0x4b: {  	_ =	shalt  }
0x4c: {  	_ =	shalt  }
0x4d: {  	_ =	shalt  }
0x4e: {  	_ =	shalt  }
0x4f: {  	_ =	shalt  }
0x50: {  	_ =	shalt  }
0x51: {  	_ =	shalt  }
0x52: {  	_ =	shalt  }
0x53: {  	_ =	shalt  }
0x54: {  	_ =	shalt  }
0x55: {  	_ =	shalt  }
0x56: {  	_ =	shalt  }
0x57: {  	_ =	shalt  }
0x58: {  	_ =	shalt  }
0x59: {  	_ =	shalt  }
0x5a: {  	_ =	shalt  }
0x5b: {  	_ =	shalt  }
0x5c: {  	_ =	shalt  }
0x5d: {  	_ =	shalt  }
0x5e: {  	_ =	shalt  }
0x5f: {  	_ =	shalt  }
0x60: {  	_ =	shalt  }
0x61: {  	_ =	shalt  }
0x62: {  	_ =	shalt  }
0x63: {  	_ =	shalt  }
0x64: {  	_ =	shalt  }
0x65: {  	_ =	shalt  }
0x66: {  	_ =	shalt  }
0x67: {  	_ =	shalt  }
0x68: {  	_ =	shalt  }
0x69: {  	_ =	shalt  }
0x6a: {  	_ =	shalt  }
0x6b: {  	_ =	shalt  }
0x6c: {  	_ =	shalt  }
0x6d: {  	_ =	shalt  }
0x6e: {  	_ =	shalt  }
0x6f: {  	_ =	shalt  }
0x70: {  	_ =	shalt  }
0x71: {  	_ =	shalt  }
0x72: {  	_ =	shalt  }
0x73: {  	_ =	shalt  }
0x74: {  	_ =	shalt  }
0x75: {  	_ =	shalt  }
0x76: {  	_ =	shalt  }
0x77: {  	_ =	shalt  }
0x78: {  	_ =	shalt  }
0x79: {  	_ =	shalt  }
0x7a: {  	_ =	shalt  }
0x7b: {  	_ =	shalt  }
0x7c: {  	_ =	shalt  }
0x7d: {  	_ =	shalt  }
0x7e: {  	_ =	shalt  }
0x7f: {  	_ =	shalt  }
0x80: {  	_ =	shalt  }
0x81: {  	_ =	shalt  }
0x82: {  	_ =	shalt  }
0x83: {  	_ =	shalt  }
0x84: {  	_ =	shalt  }
0x85: {  	_ =	shalt  }
0x86: {  	_ =	shalt  }
0x87: {  	_ =	shalt  }
.Lfunc_end0:
.L_simem_size_0:
called_computation_lowered:
.L_overlay_start_0:
0x88: {  	s2 =	sld [smem:$0x3FD9]  }
0x89: {  	s3 =	sld [smem:$0x3FFE];
	_ =	sdelay $0x1  }
0x8a: {  	s1 =	srdreg.scid  }
0x8b: {  	s0 =	sand.u32 $0x1, s1  }
0x8c: {  	s17 =	sshll.u32 s0, $0xA;
	s2 =	sadd.s32 s3, s2  }
0x8d: {  	s2 =	sadd.s32 s2, s17  }
0x8e: {  	[smem:$0x3FBD] =	sst s2  }
0x8f: {  	_ = 	snop  }
0x90: {  	s2 =	sld [smem:$0x3FD0];
	(tm) =	ssettm $0x1  }
0x91: {  	s18 =	sld [smem:$0x3FFB];
	_ =	sdelay $0x3  }
0x92: {  	_ =	strace s18  }
0x93: {  	s3 =	sld [smem:$0x3FFC];
	_ =	sdelay $0x3  }
0x94: {  	_ =	strace s3  }
0x95: {  	s3 =	sld [smem:$0x3FFD];
	_ =	sdelay $0x3  }
0x96: {  	_ =	strace s3  }
0x97: {  	_ =	strace $0x8FFFFFFF  }
0x98: {  	s19 =	sld [smem:$0x3FDB];
	_ =	sdelay $0x1  }
0x99: {  	s4 =	simm.s32 $_scs_section_size  }
0x9a: {  	s5 =	simm.s32 $_size__tile_overlayer_lowered;
	s6 =	simm.s32 $_tile_overlayer_lowered  }
0x9b: {  	s22 =	simm.s32 $0x1BFF;
	s21 =	sshll.u32 s6, $0x1;
	s3 =	sadd.s32 s4, s19  }
0x9c: {  	s7 =	simm.s32 $0x0;
	s20 =	sshll.u32 s5, $0x1;
	s5 =	sadd.s32 s21, s3  }
0x9d: {  	[timem:s7], [sflag:s22] =	dma.local [hbm:s5], s20  }
0x9e: {  	_ =	swait.ge [sflag:s22], s20  }
0x9f: {  	s4 =	ssub.s32 $0x0, s20;
	[sflag:s22] =	ssyncset.done $0x0  }
0xa0: {  	[sflag:s22] =	ssyncadd.s32 s4;
	_ =	sdelay $0x1  }
0xa1: {  	s23 =	simm.s32 $0x1B8B  }
0xa2: {  	_ =	swait.ge [sflag:s23], $0x1  }
0xa3: {  	[sflag:s23] =	ssyncset.done $0x0  }
0xa4: {  	s25 =	simm.s32 $0x1B8E;
	s24 =	sld [smem:$0x3FFE];
	[sflag:s23] =	ssyncadd.s32 $0xFFFFFFFF  }
0xa5: {  	s26 =	simm.s32 $execute0_lowered;
	[smem:$0x3FD2] =	sst s25  }
0xa6: {  	s5 =	sshll.u32 s26, $0x1;
	_ =	strace $0x80000046;
	[dreg:$0x1] =	wrdreg $0xFFFFFFFF  }
0xa7: {  	s28 =	simm.s32 $_size_execute0_lowered;
	s3 =	sadd.s32 s3, s5;
	[dreg:$0x0] =	wrdreg $0x0  }
0xa8: {  	s5 =	sshll.u32 s28, $0x1;
	[dreg:$0x2] =	wrdreg s3  }
0xa9: {  	[dreg:$0x3] =	wrdreg s5  }
0xaa: {  	[dreg:$0x4] =	wrdreg $0xC0  }
0xab: {  	_ =	task [dreg:s7], $0x5FFFF  }
0xac: {  	[dreg:$0x1] =	wrdreg $0xFFFFFFFF  }
0xad: {  	[dreg:$0x0] =	wrdreg $0x60  }
0xae: {  	[dreg:$0x2] =	wrdreg s2  }
0xaf: {  	[dreg:$0x3] =	wrdreg s24  }
0xb0: {  	[dreg:$0x4] =	wrdreg $0x43000  }
0xb1: {  	[dreg:$0x5] =	wrdreg $0x9  }
0xb2: {  	_ =	task.clear_ibuf [dreg:s7], $0x6FFFF;
	_ =	strace $0x90000046  }
0xb3: {  	s29 =	simm.s32 $0x9;
	_ =	strace $0x80000048  }
0xb4: {  	_ =	swait.ge [sflag:s29], $0x1  }
0xb5: {  	[sflag:s29] =	ssyncadd.s32 $0xFFFFFFFF  }
0xb6: {  	_ =	strace $0x90000048  }
0xb7: {  	_ =	sfence  }
0xb8: {  	s30 =	sld [smem:$0x0];
	_ =	sdelay $0x2  }
0xb9: {  	s31 =	sshll.u32 s1, $0xD;
	s1 =	sshrl.u32 s1, $0x2  }
0xba: {  	s3 =	sand.u32 $0x4000, s31;
	s1 =	sadd.s32 s1, s30  }
0xbb: {  	s0 =	sor.u32 s3, s0;
	s1 =	sshll.u32 s1, $0x11  }
0xbc: {  	s0 =	sor.u32 s1, s0  }
0xbd: {  	s0 =	sadd.s32 $0x8F2B, s0  }
0xbe: {  	[sflag:s0] =	ssyncadd.remote.s32 $0x1  }
0xbf: {  	_ =	sfence.sel $0xFFFF  }
0xc0: {  	[dreg:$0x0] =	wrdreg $0xFFFFFFFF;
	(pc) =	sbr.abs _section_cstart, $3  }
0xc1: {  	[dreg:$0x1] =	wrdreg $0xFFFFFFFF  }
0xc2: {  	_ =	task.clear_ibuf [dreg:s7], $0x2FFFF;
	_ =	strace $0x9FFFFFFF  }
0xc3: {  	(tm) =	ssettm $0x7FFFFFFF  }
tec
execute0_lowered:
.L_overlay_start_1:
0x0: {  	(tag) =	ssettag $0x1  }
0x1: {  	s6 =	rddreg [dreg:$0x0]  }
0x2: {  	s4 =	rddreg [dreg:$0x1]  }
0x3: {  	s2 =	rddreg [dreg:$0x2]  }
0x4: {  	s0 =	rddreg [dreg:$0x3]  }
0x5: {  	s3 =	simm.s32 $0x0;
	s5 =	srdreg.scid;
	s1 =	stileid.u32  }
0x6: {  	s13 =	simm.s32 $0x4000;
	s14 =	simm.s32 $0x0;
	[smem:$0x7FF] =	sst s3  }
0x7: {  	s7 =	sand.u32 $0x1, s5;
	s26 =	smul.u32 $0xA00, s1;
	s8 =	sadd.s32 $0x17600, s4  }
0x8: {  	s10 =	smul.u32 $0x280, s1;
	s12 =	sshll.u32 s1, $0xC;
	p0 =	seq.s32 s1, $0xF  }
0x9: {  	_ =	strace $0x80000047;
	s28 =	ssub.s32 $0x2, s7;
	s29 =	smul.u32 $0x2710, s7  }
0xa: {  	s7 =	sshll.u32 s7, $0xB;
	s9 =	sshrl.u32 s28, $0x1;
	s5 =	sshrl.u32 s26, $0x2  }
0xb: {  	s6 =	sadd.s32 s6, s7;
	s7 =	sadd.s32 s10, s2;
	s11 =	ssub.s32 s28, s9  }
0xc: {  	s4 =	sadd.s32 s5, s2;
	s5 =	sadd.s32 $0x2580, s2;
	s30 =	sadd.s32 s10, s29  }
0xd: {  	s9 =	sshrl.u32 s29, $0x3;
	s6 =	sadd.s32 s12, s6;
	s12 =	simm.s32 $0x50  }
0xe: {  	s31 =	sshrl.u32 s30, $0x3;
	s9 =	sadd.s32 s8, s9;
	s10 =	smax.u32 s11, $0x1  }
0xf: {  	v0 =	vimm.f32 $1.000000000e+00;
	v1 =	vimm.f32 $0.0e+00;
	s11 =	simm.s32 $0x1;
	s8 =	sadd.s32 s8, s31;
	s9 =	sadd.s32 $0x4B0, s9  }
.LBB2_1:
0x10: {  	[tilespmem:$0x4000] =	vst v0  }
0x11: {  	[tilespmem:$0x4010] =	vst v0  }
0x12: {  	[tilespmem:$0x4020] =	vst v0  }
0x13: {  	[tilespmem:$0x4030] =	vst v0  }
0x14: {  	[tilespmem:$0x4040] =	vst v0  }
0x15: {  	[tilespmem:$0x4080] =	vst v1  }
0x16: {  	[tilespmem:$0x4090] =	vst v1  }
0x17: {  	[tilespmem:$0x40A0] =	vst v1  }
0x18: {  	[tilespmem:$0x40B0] =	vst v1  }
0x19: {  	[tilespmem:$0x40C0] =	vst v1  }
0x1a: {  	[tilespmem:$0x40D0] =	vst v1  }
0x1b: {  	[tilespmem:$0x40E0] =	vst v1  }
0x1c: {  	[tilespmem:$0x40F0] =	vst v1  }
0x1d: {  	[tilespmem:$0x4100] =	vst v1  }
0x1e: {  	[tilespmem:$0x4110] =	vst v1  }
0x1f: {  	[tilespmem:$0x4120] =	vst v1  }
0x20: {  	[tilespmem:$0x4130] =	vst v1  }
0x21: {  	[tilespmem:$0x4140] =	vst v1  }
0x22: {  	[tilespmem:$0x4150] =	vst v1  }
0x23: {  	[tilespmem:$0x4160] =	vst v1  }
0x24: {  	[tilespmem:$0x4170] =	vst v1  }
0x25: {  	[tilespmem:$0x4180] =	vst v1  }
0x26: {  	[tilespmem:$0x4190] =	vst v1  }
0x27: {  	[tilespmem:$0x41A0] =	vst v1  }
0x28: {  	[tilespmem:$0x41B0] =	vst v1  }
0x29: {  	[tilespmem:$0x41C0] =	vst v1  }
0x2a: {  	[tilespmem:$0x41D0] =	vst v1  }
0x2b: {  	[tilespmem:$0x41E0] =	vst v1  }
0x2c: {  	[tilespmem:$0x41F0] =	vst v1  }
0x2d: {  	[tilespmem:$0x4200] =	vst v1  }
0x2e: {  	[tilespmem:$0x4210] =	vst v1  }
0x2f: {  	[tilespmem:$0x4220] =	vst v1  }
0x30: {  	[tilespmem:$0x4230] =	vst v1  }
0x31: {  	[tilespmem:$0x4240] =	vst v1  }
0x32: {  	[tilespmem:$0x4250] =	vst v1  }
0x33: {  	[tilespmem:$0x4260] =	vst v1  }
0x34: {  	[tilespmem:$0x4270] =	vst v1  }
0x35: {  	[tilespmem:$0x4280] =	vst v1  }
0x36: {  	[tilespmem:$0x4290] =	vst v1  }
0x37: {  	[tilespmem:$0x42A0] =	vst v1  }
0x38: {  	[tilespmem:$0x42B0] =	vst v1  }
0x39: {  	[tilespmem:$0x42C0] =	vst v1  }
0x3a: {  	[tilespmem:$0x42D0] =	vst v1  }
0x3b: {  	[tilespmem:$0x42E0] =	vst v1  }
0x3c: {  	[tilespmem:$0x42F0] =	vst v1;
	s15 =	simm.s32 @p0 $0x4080  }
0x3d: {  	[spmem:s5] =	stream.linear.scatter @p0 [tilespmem:s15], [sflag:$0x1], $0x190, $0x38;
	[tilespmem:$0x4578] =	vst v63  }
0x3e: {  	s15 =	simm.s32 @p0 $0x1  }
0x3f: {  	_ =	swait.ge @p0 [sflag:s15], $0x190  }
0x40: {  	[sflag:s15] =	ssyncset.done @p0 $0x0  }
0x41: {  	[sflag:s15] =	ssyncadd.s32 @p0 $0xFFFFFE70;
	s15 =	simm.s32 @!p0 $0x4080  }
0x42: {  	[spmem:s4] =	stream.linear.scatter @!p0 [tilespmem:s15], [sflag:$0x1], $0x280, $0x38;
	[tilespmem:$0x4578] =	vst v63  }
0x43: {  	s15 =	simm.s32 @!p0 $0x1  }
0x44: {  	_ =	swait.ge @!p0 [sflag:s15], $0x280  }
0x45: {  	[sflag:s15] =	ssyncset.done @!p0 $0x0  }
0x46: {  	[sflag:s15] =	ssyncadd.s32 @!p0 $0xFFFFFD80  }
0x47: {  	[bflag:$0x0] =	sbarrier.arrive $0xFFFF  }
0x48: {  	[tilespmem:s3], [sflag:$0x1] =	stream.linear.gather [hbm4b:s6+s3], $0x3E80, $0x38;
	[tilespmem:$0x4578] =	vst v63  }
0x49: {  	_ =	swait.ge [sflag:s11], $0x3E80  }
0x4a: {  	[sflag:s11] =	ssyncset.done $0x0  }
0x4b: {  	s31 =	simm.s32 $0x0;
	[sflag:s11] =	ssyncadd.s32 $0xFFFFC180  }
0x4c: {  	[spmem:s2] =	stream.indirect.scatter.add.f32 [tilespmem:s13], [sflag:$0x1], $0x1, s31, s12, $0xb8;
	[tilespmem:$0x4578] =	vst v63  }
0x4d: {  	_ =	swait.ge [sflag:s11], $0x50  }
0x4e: {  	s15 =	simm.s32 $0x200;
	[sflag:s11] =	ssyncset.done $0x0  }
.LBB2_2:
0x4f: {  	s16 =	sshra.s32 s15, $0x2;
	[sflag:s11] =	ssyncadd.s32 $0xFFFFFFB0;
	p1 =	sne.s32 s15, $0xF800  }
0x50: {  	[spmem:s2] =	stream.indirect.scatter.add.f32 [tilespmem:s13], [sflag:$0x1], $0x1, s16, s12, $0xb8;
	[tilespmem:$0x4578] =	vst v63  }
.Ltmp0:
0x51: {  	_ = 	snop;
	(pc) =	sbr.rel @p1 .LBB2_2-.Ltmp0, $4  }
0x52: {  	_ = 	snop  }
0x53: {  	s15 =	sadd.s32 $0x200, s15  }
0x54: {  	_ =	swait.ge [sflag:s11], $0x50  }
0x55: {  	[sflag:s11] =	ssyncset.done $0x0  }
0x56: {  	[sflag:s11] =	ssyncadd.s32 $0xFFFFFFB0  }
0x57: {  	s15 =	simm.s32 @p0 $0x4080;
	s16 =	simm.s32 @p0 $0x1;
	[bflag:$0x0] =	sbarrier.arrive $0xFFFF  }
0x58: {  	[tilespmem:s15], [sflag:$0x1] =	stream.linear.gather @p0 [spmem:s7], $0x190, $0x38;
	[tilespmem:$0x4578] =	vst v63  }
0x59: {  	_ =	swait.ge @p0 [sflag:s16], $0x190  }
0x5a: {  	[sflag:s16] =	ssyncset.done @p0 $0x0  }
0x5b: {  	s17 =	simm.s32 @p0 $0x0;
	[sflag:s16] =	ssyncadd.s32 @p0 $0xFFFFFE70  }
0x5c: {  	[hbm4b:s9+s17] =	stream.linear.scatter @p0 [tilespmem:s15], [sflag:$0x1], $0x190, $0x38;
	[tilespmem:$0x4578] =	vst v63  }
0x5d: {  	_ =	swait.ge @p0 [sflag:s16], $0x190  }
0x5e: {  	[sflag:s16] =	ssyncset.done @p0 $0x0  }
0x5f: {  	s15 =	simm.s32 @!p0 $0x4080;
	[sflag:s16] =	ssyncadd.s32 @p0 $0xFFFFFE70;
	s16 =	simm.s32 @!p0 $0x1  }
0x60: {  	[tilespmem:s15], [sflag:$0x1] =	stream.linear.gather @!p0 [spmem:s7], $0x280, $0x38;
	[tilespmem:$0x4578] =	vst v63  }
0x61: {  	s14 =	sadd.s32 $0x1, s14;
	_ =	swait.ge @!p0 [sflag:s16], $0x280  }
0x62: {  	p1 =	sne.s32 s14, s10;
	[sflag:s16] =	ssyncset.done @!p0 $0x0  }
.Ltmp1:
0x63: {  	s17 =	simm.s32 @!p0 $0x0;
	[sflag:s16] =	ssyncadd.s32 @!p0 $0xFFFFFD80;
	(pc) =	sbr.rel @p1 .LBB2_1-.Ltmp1, $4  }
0x64: {  	[hbm4b:s8+s17] =	stream.linear.scatter @!p0 [tilespmem:s15], [sflag:$0x1], $0x280, $0x38;
	[tilespmem:$0x4578] =	vst v63  }
0x65: {  	_ =	swait.ge @!p0 [sflag:s16], $0x280  }
0x66: {  	[sflag:s16] =	ssyncset.done @!p0 $0x0  }
0x67: {  	[sflag:s16] =	ssyncadd.s32 @!p0 $0xFFFFFD80  }
0x68: {  	_ =	sfence.sel $0x180000  }
0x69: {  	[bflag:$0x0] =	sbarrier.arrive $0xFFFF  }
0x6a: {  	p0 =	sne.s32 s1, $0x0;
	_ =	strace $0x90000047  }
0x6b: {  	s0 =	sadd.s32 @!p0 $0x100000, s0;
	[bflag:$0x2] =	sbarrier.arrive $0xFFFF  }
0x6c: {  	[sflag:s0] =	ssyncadd.tile.s32 @!p0 $0x1;
	_ =	shalt  }
.Lfunc_end2:
_tile_overlayer_lowered:
.L_overlay_start_2:
0x6d: {  	(tag) =	ssettag $0x2  }
0x6e: {  	s0 =	rddreg [dreg:$0x0];
	s2 =	stileid.u32  }
0x6f: {  	s1 =	rddreg [dreg:$0x1];
	p0 =	sne.s32 s2, $0x0  }
0x70: {  	s3 =	rddreg [dreg:$0x2];
	[bflag:$0x3] =	sbarrier.arrive $0xFFFF;
	s2 =	simm.s32 @!p0 $0x1C01  }
0x71: {  	[timem:s3], [sflag:s2] =	dma.local @!p0 [hbm:s0], s1  }
0x72: {  	s0 =	simm.s32 @!p0 $0x1  }
0x73: {  	_ =	swait.ge @!p0 [sflag:s0], s1  }
0x74: {  	s1 =	ssub.s32 @!p0 $0x0, s1;
	[sflag:s0] =	ssyncset.done @!p0 $0x0  }
0x75: {  	[sflag:s0] =	ssyncadd.s32 @!p0 s1  }
0x76: {  	[bflag:$0x3] =	sbarrier.arrive $0xFFFF  }
0x77: {  	_ =	shalt  }

</sc_bundles>
